<compile_context>
chip_gen: v7x
topology: tpu7x:2x2x1
jax: 0.10.2.dev20260603
libtpu: 0.0.44.dev20260713+nightly
codegen_flags: <defaults>
</compile_context>

<pallas_src>
import jax
import jax.numpy as jnp
from jax import lax
from jax.experimental import pallas as pl
from jax.experimental.pallas import tpu as pltpu
from jax.experimental.pallas import tpu_sc as plsc

N = 10000
NP = 10240
E = 320000
BATCH = 128
TB = E // BATCH
CAP = 80
DBPT = 157
STRIPE = NP // 16
S = 1000
SP = 1024
SPT = SP // 16

_MESH = plsc.VectorSubcoreMesh(
    core_axis_name="c", subcore_axis_name="s", num_cores=2, num_subcores=16)
_SC_PARAMS = pltpu.CompilerParams(use_tc_tiling_on_sc=False)


def _deg_body(ei3, zeros1, out, idx_v, ones_v, acc, sem):
    cid = lax.axis_index("c")
    sid = lax.axis_index("s")
    for i in range(8):
        ones_v[pl.ds(i * 16, 16)] = jnp.full((16,), 1.0, jnp.float32)
    pltpu.sync_copy(zeros1, acc.at[pl.ds(sid * STRIPE, STRIPE)])
    plane = jnp.where(cid == 0, 1, 0)
    base = 156 * sid + jnp.minimum(sid, 4)
    nb = jnp.where(sid < 4, 157, 156)

    @pl.when(sid < 4)
    def _():
        pltpu.sync_copy(ei3.at[plane, pl.ds(base, 157)], idx_v)

    @pl.when(sid >= 4)
    def _():
        pltpu.sync_copy(ei3.at[plane, pl.ds(base, 156)], idx_v.at[pl.ds(0, 156)])

    plsc.subcore_barrier()

    def body(j, carry):
        @pl.when(j < nb)
        def _():
            pltpu.async_copy(ones_v, acc.at[idx_v.at[j]], sem, add=True)
        return carry

    lax.fori_loop(0, DBPT, body, 0)

    def drain(j, carry):
        @pl.when(j < nb)
        def _():
            pltpu.make_async_copy(ones_v, acc.at[idx_v.at[j]], sem).wait()
        return carry

    lax.fori_loop(0, DBPT, drain, 0)
    plsc.subcore_barrier()
    pltpu.sync_copy(acc.at[pl.ds(sid * STRIPE, STRIPE)],
                    out.at[cid, pl.ds(sid * STRIPE, STRIPE)])


def _sweep_prologue(wid, ei3, idxs, idxd):
    base = 80 * jnp.minimum(wid, 17) + 76 * jnp.maximum(wid - 17, 0)
    nb = jnp.where(wid < 17, CAP, CAP - 4)

    @pl.when(wid < 17)
    def _():
        pltpu.sync_copy(ei3.at[0, pl.ds(base, CAP)], idxs)
        pltpu.sync_copy(ei3.at[1, pl.ds(base, CAP)], idxd)

    @pl.when(wid >= 17)
    def _():
        pltpu.sync_copy(ei3.at[0, pl.ds(base, CAP - 4)], idxs.at[pl.ds(0, CAP - 4)])
        pltpu.sync_copy(ei3.at[1, pl.ds(base, CAP - 4)], idxd.at[pl.ds(0, CAP - 4)])

    return nb


def _edge_sweep(feat, idxs, idxd, rows, acc, sems, nb):
    nd = len(rows)
    for b in range(nd):
        pltpu.async_copy(feat.at[idxs.at[b]], rows[b], sems[b])

    def body(qq, carry):
        j0 = nd * qq
        for b in range(nd):
            j = j0 + b

            @pl.when(j < nb)
            def _(b=b, j=j):
                pltpu.make_async_copy(feat.at[idxs.at[j]], rows[b], sems[b]).wait()
                pltpu.sync_copy(rows[b], acc.at[idxd.at[j]], add=True)

                @pl.when(j + nd < nb)
                def _():
                    pltpu.async_copy(feat.at[idxs.at[j + nd]], rows[b], sems[b])

        return carry

    lax.fori_loop(0, (CAP + nd - 1) // nd, body, 0)


def _prop_body(feat, ei3, zerosf, out, *scr):
    idxs, idxd = scr[0], scr[1]
    rows, acc = list(scr[2:10]), scr[10]
    sems = list(scr[11:19])
    cid = lax.axis_index("c")
    sid = lax.axis_index("s")
    wid = cid * 16 + sid
    pltpu.sync_copy(zerosf, acc.at[pl.ds(sid * STRIPE, STRIPE)])
    nb = _sweep_prologue(wid, ei3, idxs, idxd)
    plsc.subcore_barrier()
    _edge_sweep(feat, idxs, idxd, rows, acc, sems, nb)
    plsc.subcore_barrier()
    pltpu.sync_copy(acc.at[pl.ds(sid * STRIPE, STRIPE)],
                    out.at[cid, pl.ds(sid * STRIPE, STRIPE)])


def _prop_gather_body(feat, ei3, zerosf, bcol, sampw, gpart, bg, *scr):
    idxs, idxd = scr[0], scr[1]
    rows, acc = list(scr[2:10]), scr[10]
    sidx, srows, brows = scr[11], scr[12], scr[13]
    sems = list(scr[14:22])
    cid = lax.axis_index("c")
    sid = lax.axis_index("s")
    wid = cid * 16 + sid
    pltpu.sync_copy(zerosf, acc.at[pl.ds(sid * STRIPE, STRIPE)])
    nb = _sweep_prologue(wid, ei3, idxs, idxd)
    pltpu.sync_copy(sampw.at[sid], sidx)
    plsc.subcore_barrier()
    _edge_sweep(feat, idxs, idxd, rows, acc, sems, nb)
    plsc.subcore_barrier()
    pltpu.async_copy(acc.at[sidx], srows, sems[0]).wait()
    pltpu.sync_copy(srows, gpart.at[cid, pl.ds(sid * SPT, SPT)])

    @pl.when(cid == 0)
    def _():
        pltpu.async_copy(bcol.at[sidx], brows, sems[1]).wait()
        pltpu.sync_copy(brows, bg.at[pl.ds(sid * SPT, SPT)])


def _mm1a_body(x_ref, w_ref, mm_ref):
    mm_ref[...] = jnp.dot(x_ref[...], w_ref[...],
                          preferred_element_type=jnp.float32)


def _mm1b_body(mm_ref, deg_ref, hp1_ref, a_ref, b_ref, bcol_ref):
    deg = deg_ref[...]
    a = lax.rsqrt(jnp.maximum(deg[1], 1.0)).reshape(-1, 1)
    b = lax.rsqrt(jnp.maximum(deg[0], 1.0)).reshape(-1, 1)
    hp1_ref[...] = mm_ref[...] * a
    a_ref[...] = a
    b_ref[...] = b
    bcol_ref[...] = jnp.broadcast_to(b, (b.shape[0], 16))


def _mm2_body(pp_ref, a_ref, b_ref, w_ref, hp2_ref):
    pp = pp_ref[...]
    h = jnp.maximum((pp[0] + pp[1]) * b_ref[...], 0.0)
    mm = jnp.dot(h, w_ref[...], preferred_element_type=jnp.float32)
    hp2_ref[...] = mm * a_ref[...]


def _dec_body(gpb_ref, bgb_ref, gpa_ref, bga_ref, out_ref):
    gpb = gpb_ref[...]
    zsb = (gpb[0] + gpb[1]) * bgb_ref[...]
    gpa = gpa_ref[...]
    zsa = ((gpa[0] + gpa[1]) * bga_ref[...])[:S]
    gram = lax.dot_general(zsb, zsa, (((1,), (1,)), ((), ())),
                           preferred_element_type=jnp.float32)
    sqb = jnp.sum(zsb * zsb, axis=1)
    sqa = jnp.sum(zsa * zsa, axis=1)
    d2 = jnp.maximum(sqb[:, None] + sqa[None, :] - 2.0 * gram, 0.0)
    out_ref[0] = gram
    out_ref[1] = jnp.sqrt(d2 + 1e-12)


def kernel(x, edge_index, sampled_nodes, W1, W2):
    f32 = jnp.float32
    ei3 = edge_index.reshape(2, TB, BATCH)
    sampw = jnp.pad(sampled_nodes, (0, SP - S)).reshape(16, SPT)
    zeros1 = jnp.zeros((STRIPE,), f32)
    zeros32 = jnp.zeros((STRIPE, 32), f32)
    zeros16 = jnp.zeros((STRIPE, 16), f32)

    degs = pl.kernel(
        _deg_body,
        out_type=jax.ShapeDtypeStruct((2, NP), f32),
        mesh=_MESH,
        compiler_params=_SC_PARAMS,
        scratch_types=[
            pltpu.VMEM((DBPT, BATCH), jnp.int32),
            pltpu.VMEM((BATCH,), f32),
            pltpu.VMEM_SHARED((NP,), f32),
            pltpu.SemaphoreType.DMA,
        ],
    )(ei3, zeros1)

    RB = 2048
    grid = NP // RB
    mmraw = pl.pallas_call(
        _mm1a_body,
        grid=(grid,),
        in_specs=[
            pl.BlockSpec((RB, 128), lambda i: (i, 0)),
            pl.BlockSpec((128, 32), lambda i: (0, 0)),
        ],
        out_specs=pl.BlockSpec((RB, 32), lambda i: (i, 0)),
        out_shape=jax.ShapeDtypeStruct((NP, 32), f32),
    )(x, W1)

    RB2 = 5120
    grid2 = NP // RB2
    hp1, a, b, bcol = pl.pallas_call(
        _mm1b_body,
        grid=(grid2,),
        in_specs=[
            pl.BlockSpec((RB2, 32), lambda i: (i, 0)),
            pl.BlockSpec((2, RB2), lambda i: (0, i)),
        ],
        out_specs=[
            pl.BlockSpec((RB2, 32), lambda i: (i, 0)),
            pl.BlockSpec((RB2, 1), lambda i: (i, 0)),
            pl.BlockSpec((RB2, 1), lambda i: (i, 0)),
            pl.BlockSpec((RB2, 16), lambda i: (i, 0)),
        ],
        out_shape=[
            jax.ShapeDtypeStruct((NP, 32), f32),
            jax.ShapeDtypeStruct((NP, 1), f32),
            jax.ShapeDtypeStruct((NP, 1), f32),
            jax.ShapeDtypeStruct((NP, 16), f32),
        ],
    )(mmraw, degs)

    p32 = pl.kernel(
        _prop_body,
        out_type=jax.ShapeDtypeStruct((2, NP, 32), f32),
        mesh=_MESH,
        compiler_params=_SC_PARAMS,
        scratch_types=(
            [pltpu.VMEM((CAP, BATCH), jnp.int32)] * 2
            + [pltpu.VMEM((BATCH, 32), f32)] * 8
            + [pltpu.VMEM_SHARED((NP, 32), f32)]
            + [pltpu.SemaphoreType.DMA] * 8
        ),
    )(hp1, ei3, zeros32)

    hp2 = pl.pallas_call(
        _mm2_body,
        grid=(grid2,),
        in_specs=[
            pl.BlockSpec((2, RB2, 32), lambda i: (0, i, 0)),
            pl.BlockSpec((RB2, 1), lambda i: (i, 0)),
            pl.BlockSpec((RB2, 1), lambda i: (i, 0)),
            pl.BlockSpec((32, 16), lambda i: (0, 0)),
        ],
        out_specs=pl.BlockSpec((RB2, 16), lambda i: (i, 0)),
        out_shape=jax.ShapeDtypeStruct((NP, 16), f32),
    )(p32, a, b, W2)

    gpart, bg = pl.kernel(
        _prop_gather_body,
        out_type=(jax.ShapeDtypeStruct((2, SP, 16), f32),
                  jax.ShapeDtypeStruct((SP, 16), f32)),
        mesh=_MESH,
        compiler_params=_SC_PARAMS,
        scratch_types=(
            [pltpu.VMEM((CAP, BATCH), jnp.int32)] * 2
            + [pltpu.VMEM((BATCH, 16), f32)] * 8
            + [pltpu.VMEM_SHARED((NP, 16), f32)]
            + [pltpu.VMEM((SPT,), jnp.int32),
               pltpu.VMEM((SPT, 16), f32),
               pltpu.VMEM((SPT, 16), f32)]
            + [pltpu.SemaphoreType.DMA] * 8
        ),
    )(hp2, ei3, zeros16, bcol, sampw)

    RBD = 200
    out = pl.pallas_call(
        _dec_body,
        grid=(S // RBD,),
        in_specs=[
            pl.BlockSpec((2, RBD, 16), lambda i: (0, i, 0)),
            pl.BlockSpec((RBD, 16), lambda i: (i, 0)),
            pl.BlockSpec((2, SP, 16), lambda i: (0, 0, 0)),
            pl.BlockSpec((SP, 16), lambda i: (0, 0)),
        ],
        out_specs=pl.BlockSpec((2, RBD, S), lambda i: (0, i, 0)),
        out_shape=jax.ShapeDtypeStruct((2, S, S), f32),
    )(gpart, bg, gpart, bg)

    return out.reshape(2, S * S)

# --- scband reference (transcript-rebuilt; emitter-appended) ---
"""Pipeline reference for scband-gcnmodel-ae-11828339933384 (READ-ONLY COPY).

The authoritative reference and input builder live on the scoring server;
editing this copy changes nothing except your own understanding.
"""

import jax, jax.numpy as jnp
import numpy as np

N = 10000
E = 320000
D_IN = 128
HIDDEN = 32
LATENT = 16
S = 1000


def setup_inputs(seed: int = 0) -> dict:
    key = jax.random.key(seed)
    k1, k2, k3, k4, k5 = jax.random.split(key, 5)
    x = jax.random.normal(k1, (N, D_IN), dtype=jnp.float32)
    edge_index = jax.random.randint(k2, (2, E), 0, N, dtype=jnp.int32)
    sampled_nodes = jax.random.randint(k3, (S,), 0, N, dtype=jnp.int32)
    lim1 = float(np.sqrt(6.0 / (D_IN + HIDDEN)))
    W1 = jax.random.uniform(k4, (D_IN, HIDDEN), minval=-lim1, maxval=lim1, dtype=jnp.float32)
    lim2 = float(np.sqrt(6.0 / (HIDDEN + LATENT)))
    W2 = jax.random.uniform(k5, (HIDDEN, LATENT), minval=-lim2, maxval=lim2, dtype=jnp.float32)
    return {"x": x, "edge_index": edge_index, "sampled_nodes": sampled_nodes, "W1": W1, "W2": W2}


def _propagate(h, src, dst, norm):
    # sparse adj @ h  via gather + scatter-add with symmetric degree normalization
    msg = h[src] * norm[:, None]
    return jax.ops.segment_sum(msg, dst, num_segments=N)


def reference(x, edge_index, sampled_nodes, W1, W2):
    src = edge_index[0]
    dst = edge_index[1]
    ones = jnp.ones((E,), jnp.float32)
    deg_in = jax.ops.segment_sum(ones, dst, num_segments=N)
    deg_out = jax.ops.segment_sum(ones, src, num_segments=N)
    norm = jax.lax.rsqrt(jnp.maximum(deg_out[src], 1.0) * jnp.maximum(deg_in[dst], 1.0))
    # Layer 1: GraphConvolutionSparse with ReLU
    hidden = jax.nn.relu(_propagate(x @ W1, src, dst, norm))
    # Layer 2: GraphConvolution, identity activation -> z_mean
    z = _propagate(hidden @ W2, src, dst, norm)
    # FastGAE: decode only on sampled subgraph
    z_s = z[sampled_nodes]
    # InnerProductDecoder: flatten(z_s z_s^T), identity act
    gram = z_s @ z_s.T
    reconstructions = gram.reshape(-1)
    # DistanceDecoder: pairwise euclidean distances, identity act
    sq = jnp.sum(z_s * z_s, axis=1)
    d2 = jnp.maximum(sq[:, None] + sq[None, :] - 2.0 * gram, 0.0)
    clusters = jnp.sqrt(d2 + 1e-12).reshape(-1)
    return jnp.stack([reconstructions, clusters])

if __name__ == "__main__":
    import jax
    _d = setup_inputs()
    print(jax.jit(kernel)(*tuple(_d.values())))

</pallas_src>

<mosaic_0001>
#map = affine_map<(d0, d1) -> (0, 0)>
#map1 = affine_map<(d0, d1) -> (0, 0, 0)>
module attributes {stable_mosaic.version = 14 : i64} {
  func.func @_prop_body(%arg0: i32, %arg1: i32, %arg2: memref<10240x32xf32, #tpu.memory_space<hbm>>, %arg3: memref<2x2500x128xi32, #tpu.memory_space<hbm>>, %arg4: memref<640x32xf32, #tpu.memory_space<hbm>>, %arg5: memref<2x10240x32xf32, #tpu.memory_space<hbm>>, %arg6: memref<80x128xi32, #tpu.memory_space<vmem>>, %arg7: memref<80x128xi32, #tpu.memory_space<vmem>>, %arg8: memref<128x32xf32, #tpu.memory_space<vmem>>, %arg9: memref<128x32xf32, #tpu.memory_space<vmem>>, %arg10: memref<128x32xf32, #tpu.memory_space<vmem>>, %arg11: memref<128x32xf32, #tpu.memory_space<vmem>>, %arg12: memref<128x32xf32, #tpu.memory_space<vmem>>, %arg13: memref<128x32xf32, #tpu.memory_space<vmem>>, %arg14: memref<128x32xf32, #tpu.memory_space<vmem>>, %arg15: memref<128x32xf32, #tpu.memory_space<vmem>>, %arg16: memref<10240x32xf32, #tpu.memory_space<vmem_shared>>, %arg17: memref<!tpu.dma_semaphore, #tpu.memory_space<semaphore_mem>>, %arg18: memref<!tpu.dma_semaphore, #tpu.memory_space<semaphore_mem>>, %arg19: memref<!tpu.dma_semaphore, #tpu.memory_space<semaphore_mem>>, %arg20: memref<!tpu.dma_semaphore, #tpu.memory_space<semaphore_mem>>, %arg21: memref<!tpu.dma_semaphore, #tpu.memory_space<semaphore_mem>>, %arg22: memref<!tpu.dma_semaphore, #tpu.memory_space<semaphore_mem>>, %arg23: memref<!tpu.dma_semaphore, #tpu.memory_space<semaphore_mem>>, %arg24: memref<!tpu.dma_semaphore, #tpu.memory_space<semaphore_mem>>) attributes {dimension_semantics = [#tpu.dimension_semantics<core_parallel>, #tpu.dimension_semantics<subcore_parallel>], iteration_bounds = array<i64: 2, 16>, scalar_prefetch = 0 : i64, scratch_operands = 19 : i64, tpu.core_type = #tpu.core_type<sc_vector_subcore>, window_params = [{transform_indices = #map}, {transform_indices = #map1}, {transform_indices = #map}, {transform_indices = #map1}]} {
    %mul3A = arith.constant 16 : i32
    %mul3A_0 = arith.muli %arg0, %mul3A : i32
    %add3A = arith.addi %mul3A_0, %arg1 : i32
    %mul3A_1 = arith.constant 640 : i32
    %mul3A_2 = arith.muli %arg1, %mul3A_1 : i32
    "tpu.region"() ({
      %run_scoped3A = tpu.sem_alloc : memref<!tpu.dma_semaphore, #tpu.memory_space<semaphore_mem>>
      %dma_start3A_85 = arith.constant 0 : i32
      %dma_start3A_86 = tpu.memref_slice %arg16[%mul3A_2, %dma_start3A_85] : memref<10240x32xf32, #tpu.memory_space<vmem_shared>> -> memref<640x32xf32, #tpu.memory_space<vmem_shared>>
      tpu.enqueue_dma source(%arg4 : memref<640x32xf32, #tpu.memory_space<hbm>>) target(%dma_start3A_86 : memref<640x32xf32, #tpu.memory_space<vmem_shared>>) target_semaphore(%run_scoped3A : memref<!tpu.dma_semaphore, #tpu.memory_space<semaphore_mem>>)
      %dma_wait3A = arith.constant 0 : i32
      %dma_wait3A_87 = tpu.memref_slice %arg16[%mul3A_2, %dma_wait3A] : memref<10240x32xf32, #tpu.memory_space<vmem_shared>> -> memref<640x32xf32, #tpu.memory_space<vmem_shared>>
      tpu.wait_dma2 semaphore(%run_scoped3A : memref<!tpu.dma_semaphore, #tpu.memory_space<semaphore_mem>>) src(%arg4 : memref<640x32xf32, #tpu.memory_space<hbm>>) dst(%dma_wait3A_87 : memref<640x32xf32, #tpu.memory_space<vmem_shared>>)
      tpu.yield
    }) : () -> ()
    %min3A = arith.constant 17 : i32
    %min3A_3 = arith.minsi %add3A, %min3A : i32
    %mul3A_4 = arith.constant 80 : i32
    %mul3A_5 = arith.muli %mul3A_4, %min3A_3 : i32
    %sub3A = arith.constant 17 : i32
    %sub3A_6 = arith.subi %add3A, %sub3A : i32
    %max3A = arith.constant 0 : i32
    %max3A_7 = arith.maxsi %sub3A_6, %max3A : i32
    %mul3A_8 = arith.constant 76 : i32
    %mul3A_9 = arith.muli %mul3A_8, %max3A_7 : i32
    %add3A_10 = arith.addi %mul3A_5, %mul3A_9 : i32
    %lt3A = arith.constant 17 : i32
    %lt3A_11 = arith.cmpi slt, %add3A, %lt3A : i32
    %jit3A = arith.constant 80 : i32
    %jit3A_12 = arith.constant 76 : i32
    %select_n3A = arith.select %lt3A_11, %jit3A, %jit3A_12 : i32
    %lt3A_13 = arith.constant 17 : i32
    %lt3A_14 = arith.cmpi slt, %add3A, %lt3A_13 : i32
    %convert_element_type3A = arith.extui %lt3A_14 : i1 to i32
    %cond3A = arith.constant 0 : i32
    %cond3A_15 = arith.cmpi ne, %convert_element_type3A, %cond3A : i32
    scf.if %cond3A_15 {
      %run_scoped3A = arith.constant 0 : i32
      "tpu.region"() ({
        %run_scoped3A_86 = tpu.sem_alloc : memref<!tpu.dma_semaphore, #tpu.memory_space<semaphore_mem>>
        %dma_start3A_87 = arith.constant 0 : i32
        %dma_start3A_88 = tpu.memref_slice %arg3[%run_scoped3A, %add3A_10, %dma_start3A_87] : memref<2x2500x128xi32, #tpu.memory_space<hbm>> -> memref<1x80x128xi32, #tpu.memory_space<hbm>>
        %dma_start3A_89 = tpu.memref_squeeze %dma_start3A_88 : memref<1x80x128xi32, #tpu.memory_space<hbm>> -> memref<80x128xi32, #tpu.memory_space<hbm>>
        %dma_start3A_90 = arith.constant 0 : i32
        %dma_start3A_91 = tpu.memref_slice %arg3[%run_scoped3A, %add3A_10, %dma_start3A_90] : memref<2x2500x128xi32, #tpu.memory_space<hbm>> -> memref<1x80x128xi32, #tpu.memory_space<hbm>>
        %dma_start3A_92 = tpu.memref_squeeze %dma_start3A_91 : memref<1x80x128xi32, #tpu.memory_space<hbm>> -> memref<80x128xi32, #tpu.memory_space<hbm>>
        tpu.enqueue_dma source(%dma_start3A_92 : memref<80x128xi32, #tpu.memory_space<hbm>>) target(%arg6 : memref<80x128xi32, #tpu.memory_space<vmem>>) target_semaphore(%run_scoped3A_86 : memref<!tpu.dma_semaphore, #tpu.memory_space<semaphore_mem>>)
        %dma_wait3A = arith.constant 0 : i32
        %dma_wait3A_93 = tpu.memref_slice %arg3[%run_scoped3A, %add3A_10, %dma_wait3A] : memref<2x2500x128xi32, #tpu.memory_space<hbm>> -> memref<1x80x128xi32, #tpu.memory_space<hbm>>
        %dma_wait3A_94 = tpu.memref_squeeze %dma_wait3A_93 : memref<1x80x128xi32, #tpu.memory_space<hbm>> -> memref<80x128xi32, #tpu.memory_space<hbm>>
        %dma_wait3A_95 = arith.constant 0 : i32
        %dma_wait3A_96 = tpu.memref_slice %arg3[%run_scoped3A, %add3A_10, %dma_wait3A_95] : memref<2x2500x128xi32, #tpu.memory_space<hbm>> -> memref<1x80x128xi32, #tpu.memory_space<hbm>>
        %dma_wait3A_97 = tpu.memref_squeeze %dma_wait3A_96 : memref<1x80x128xi32, #tpu.memory_space<hbm>> -> memref<80x128xi32, #tpu.memory_space<hbm>>
        tpu.wait_dma2 semaphore(%run_scoped3A_86 : memref<!tpu.dma_semaphore, #tpu.memory_space<semaphore_mem>>) src(%dma_wait3A_97 : memref<80x128xi32, #tpu.memory_space<hbm>>) dst(%arg6 : memref<80x128xi32, #tpu.memory_space<vmem>>)
        tpu.yield
      }) : () -> ()
      %run_scoped3A_85 = arith.constant 1 : i32
      "tpu.region"() ({
        %run_scoped3A_86 = tpu.sem_alloc : memref<!tpu.dma_semaphore, #tpu.memory_space<semaphore_mem>>
        %dma_start3A_87 = arith.constant 0 : i32
        %dma_start3A_88 = tpu.memref_slice %arg3[%run_scoped3A_85, %add3A_10, %dma_start3A_87] : memref<2x2500x128xi32, #tpu.memory_space<hbm>> -> memref<1x80x128xi32, #tpu.memory_space<hbm>>
        %dma_start3A_89 = tpu.memref_squeeze %dma_start3A_88 : memref<1x80x128xi32, #tpu.memory_space<hbm>> -> memref<80x128xi32, #tpu.memory_space<hbm>>
        %dma_start3A_90 = arith.constant 0 : i32
        %dma_start3A_91 = tpu.memref_slice %arg3[%run_scoped3A_85, %add3A_10, %dma_start3A_90] : memref<2x2500x128xi32, #tpu.memory_space<hbm>> -> memref<1x80x128xi32, #tpu.memory_space<hbm>>
        %dma_start3A_92 = tpu.memref_squeeze %dma_start3A_91 : memref<1x80x128xi32, #tpu.memory_space<hbm>> -> memref<80x128xi32, #tpu.memory_space<hbm>>
        tpu.enqueue_dma source(%dma_start3A_92 : memref<80x128xi32, #tpu.memory_space<hbm>>) target(%arg7 : memref<80x128xi32, #tpu.memory_space<vmem>>) target_semaphore(%run_scoped3A_86 : memref<!tpu.dma_semaphore, #tpu.memory_space<semaphore_mem>>)
        %dma_wait3A = arith.constant 0 : i32
        %dma_wait3A_93 = tpu.memref_slice %arg3[%run_scoped3A_85, %add3A_10, %dma_wait3A] : memref<2x2500x128xi32, #tpu.memory_space<hbm>> -> memref<1x80x128xi32, #tpu.memory_space<hbm>>
        %dma_wait3A_94 = tpu.memref_squeeze %dma_wait3A_93 : memref<1x80x128xi32, #tpu.memory_space<hbm>> -> memref<80x128xi32, #tpu.memory_space<hbm>>
        %dma_wait3A_95 = arith.constant 0 : i32
        %dma_wait3A_96 = tpu.memref_slice %arg3[%run_scoped3A_85, %add3A_10, %dma_wait3A_95] : memref<2x2500x128xi32, #tpu.memory_space<hbm>> -> memref<1x80x128xi32, #tpu.memory_space<hbm>>
        %dma_wait3A_97 = tpu.memref_squeeze %dma_wait3A_96 : memref<1x80x128xi32, #tpu.memory_space<hbm>> -> memref<80x128xi32, #tpu.memory_space<hbm>>
        tpu.wait_dma2 semaphore(%run_scoped3A_86 : memref<!tpu.dma_semaphore, #tpu.memory_space<semaphore_mem>>) src(%dma_wait3A_97 : memref<80x128xi32, #tpu.memory_space<hbm>>) dst(%arg7 : memref<80x128xi32, #tpu.memory_space<vmem>>)
        tpu.yield
      }) : () -> ()
    } else {
    }
    %ge3A = arith.constant 17 : i32
    %ge3A_16 = arith.cmpi sge, %add3A, %ge3A : i32
    %convert_element_type3A_17 = arith.extui %ge3A_16 : i1 to i32
    %cond3A_18 = arith.constant 0 : i32
    %cond3A_19 = arith.cmpi ne, %convert_element_type3A_17, %cond3A_18 : i32
    scf.if %cond3A_19 {
      %run_scoped3A = arith.constant 0 : i32
      "tpu.region"() ({
        %run_scoped3A_86 = tpu.sem_alloc : memref<!tpu.dma_semaphore, #tpu.memory_space<semaphore_mem>>
        %dma_start3A_87 = arith.constant 0 : i32
        %dma_start3A_88 = arith.constant 0 : i32
        %dma_start3A_89 = tpu.memref_slice %arg6[%dma_start3A_87, %dma_start3A_88] : memref<80x128xi32, #tpu.memory_space<vmem>> -> memref<76x128xi32, #tpu.memory_space<vmem>>
        %dma_start3A_90 = arith.constant 0 : i32
        %dma_start3A_91 = tpu.memref_slice %arg3[%run_scoped3A, %add3A_10, %dma_start3A_90] : memref<2x2500x128xi32, #tpu.memory_space<hbm>> -> memref<1x76x128xi32, #tpu.memory_space<hbm>>
        %dma_start3A_92 = tpu.memref_squeeze %dma_start3A_91 : memref<1x76x128xi32, #tpu.memory_space<hbm>> -> memref<76x128xi32, #tpu.memory_space<hbm>>
        %dma_start3A_93 = arith.constant 0 : i32
        %dma_start3A_94 = arith.constant 0 : i32
        %dma_start3A_95 = tpu.memref_slice %arg6[%dma_start3A_93, %dma_start3A_94] : memref<80x128xi32, #tpu.memory_space<vmem>> -> memref<76x128xi32, #tpu.memory_space<vmem>>
        %dma_start3A_96 = arith.constant 0 : i32
        %dma_start3A_97 = tpu.memref_slice %arg3[%run_scoped3A, %add3A_10, %dma_start3A_96] : memref<2x2500x128xi32, #tpu.memory_space<hbm>> -> memref<1x76x128xi32, #tpu.memory_space<hbm>>
        %dma_start3A_98 = tpu.memref_squeeze %dma_start3A_97 : memref<1x76x128xi32, #tpu.memory_space<hbm>> -> memref<76x128xi32, #tpu.memory_space<hbm>>
        tpu.enqueue_dma source(%dma_start3A_98 : memref<76x128xi32, #tpu.memory_space<hbm>>) target(%dma_start3A_95 : memref<76x128xi32, #tpu.memory_space<vmem>>) target_semaphore(%run_scoped3A_86 : memref<!tpu.dma_semaphore, #tpu.memory_space<semaphore_mem>>)
        %dma_wait3A = arith.constant 0 : i32
        %dma_wait3A_99 = arith.constant 0 : i32
        %dma_wait3A_100 = tpu.memref_slice %arg6[%dma_wait3A, %dma_wait3A_99] : memref<80x128xi32, #tpu.memory_space<vmem>> -> memref<76x128xi32, #tpu.memory_space<vmem>>
        %dma_wait3A_101 = arith.constant 0 : i32
        %dma_wait3A_102 = tpu.memref_slice %arg3[%run_scoped3A, %add3A_10, %dma_wait3A_101] : memref<2x2500x128xi32, #tpu.memory_space<hbm>> -> memref<1x76x128xi32, #tpu.memory_space<hbm>>
        %dma_wait3A_103 = tpu.memref_squeeze %dma_wait3A_102 : memref<1x76x128xi32, #tpu.memory_space<hbm>> -> memref<76x128xi32, #tpu.memory_space<hbm>>
        %dma_wait3A_104 = arith.constant 0 : i32
        %dma_wait3A_105 = arith.constant 0 : i32
        %dma_wait3A_106 = tpu.memref_slice %arg6[%dma_wait3A_104, %dma_wait3A_105] : memref<80x128xi32, #tpu.memory_space<vmem>> -> memref<76x128xi32, #tpu.memory_space<vmem>>
        %dma_wait3A_107 = arith.constant 0 : i32
        %dma_wait3A_108 = tpu.memref_slice %arg3[%run_scoped3A, %add3A_10, %dma_wait3A_107] : memref<2x2500x128xi32, #tpu.memory_space<hbm>> -> memref<1x76x128xi32, #tpu.memory_space<hbm>>
        %dma_wait3A_109 = tpu.memref_squeeze %dma_wait3A_108 : memref<1x76x128xi32, #tpu.memory_space<hbm>> -> memref<76x128xi32, #tpu.memory_space<hbm>>
        tpu.wait_dma2 semaphore(%run_scoped3A_86 : memref<!tpu.dma_semaphore, #tpu.memory_space<semaphore_mem>>) src(%dma_wait3A_109 : memref<76x128xi32, #tpu.memory_space<hbm>>) dst(%dma_wait3A_106 : memref<76x128xi32, #tpu.memory_space<vmem>>)
        tpu.yield
      }) : () -> ()
      %run_scoped3A_85 = arith.constant 1 : i32
      "tpu.region"() ({
        %run_scoped3A_86 = tpu.sem_alloc : memref<!tpu.dma_semaphore, #tpu.memory_space<semaphore_mem>>
        %dma_start3A_87 = arith.constant 0 : i32
        %dma_start3A_88 = arith.constant 0 : i32
        %dma_start3A_89 = tpu.memref_slice %arg7[%dma_start3A_87, %dma_start3A_88] : memref<80x128xi32, #tpu.memory_space<vmem>> -> memref<76x128xi32, #tpu.memory_space<vmem>>
        %dma_start3A_90 = arith.constant 0 : i32
        %dma_start3A_91 = tpu.memref_slice %arg3[%run_scoped3A_85, %add3A_10, %dma_start3A_90] : memref<2x2500x128xi32, #tpu.memory_space<hbm>> -> memref<1x76x128xi32, #tpu.memory_space<hbm>>
        %dma_start3A_92 = tpu.memref_squeeze %dma_start3A_91 : memref<1x76x128xi32, #tpu.memory_space<hbm>> -> memref<76x128xi32, #tpu.memory_space<hbm>>
        %dma_start3A_93 = arith.constant 0 : i32
        %dma_start3A_94 = arith.constant 0 : i32
        %dma_start3A_95 = tpu.memref_slice %arg7[%dma_start3A_93, %dma_start3A_94] : memref<80x128xi32, #tpu.memory_space<vmem>> -> memref<76x128xi32, #tpu.memory_space<vmem>>
        %dma_start3A_96 = arith.constant 0 : i32
        %dma_start3A_97 = tpu.memref_slice %arg3[%run_scoped3A_85, %add3A_10, %dma_start3A_96] : memref<2x2500x128xi32, #tpu.memory_space<hbm>> -> memref<1x76x128xi32, #tpu.memory_space<hbm>>
        %dma_start3A_98 = tpu.memref_squeeze %dma_start3A_97 : memref<1x76x128xi32, #tpu.memory_space<hbm>> -> memref<76x128xi32, #tpu.memory_space<hbm>>
        tpu.enqueue_dma source(%dma_start3A_98 : memref<76x128xi32, #tpu.memory_space<hbm>>) target(%dma_start3A_95 : memref<76x128xi32, #tpu.memory_space<vmem>>) target_semaphore(%run_scoped3A_86 : memref<!tpu.dma_semaphore, #tpu.memory_space<semaphore_mem>>)
        %dma_wait3A = arith.constant 0 : i32
        %dma_wait3A_99 = arith.constant 0 : i32
        %dma_wait3A_100 = tpu.memref_slice %arg7[%dma_wait3A, %dma_wait3A_99] : memref<80x128xi32, #tpu.memory_space<vmem>> -> memref<76x128xi32, #tpu.memory_space<vmem>>
        %dma_wait3A_101 = arith.constant 0 : i32
        %dma_wait3A_102 = tpu.memref_slice %arg3[%run_scoped3A_85, %add3A_10, %dma_wait3A_101] : memref<2x2500x128xi32, #tpu.memory_space<hbm>> -> memref<1x76x128xi32, #tpu.memory_space<hbm>>
        %dma_wait3A_103 = tpu.memref_squeeze %dma_wait3A_102 : memref<1x76x128xi32, #tpu.memory_space<hbm>> -> memref<76x128xi32, #tpu.memory_space<hbm>>
        %dma_wait3A_104 = arith.constant 0 : i32
        %dma_wait3A_105 = arith.constant 0 : i32
        %dma_wait3A_106 = tpu.memref_slice %arg7[%dma_wait3A_104, %dma_wait3A_105] : memref<80x128xi32, #tpu.memory_space<vmem>> -> memref<76x128xi32, #tpu.memory_space<vmem>>
        %dma_wait3A_107 = arith.constant 0 : i32
        %dma_wait3A_108 = tpu.memref_slice %arg3[%run_scoped3A_85, %add3A_10, %dma_wait3A_107] : memref<2x2500x128xi32, #tpu.memory_space<hbm>> -> memref<1x76x128xi32, #tpu.memory_space<hbm>>
        %dma_wait3A_109 = tpu.memref_squeeze %dma_wait3A_108 : memref<1x76x128xi32, #tpu.memory_space<hbm>> -> memref<76x128xi32, #tpu.memory_space<hbm>>
        tpu.wait_dma2 semaphore(%run_scoped3A_86 : memref<!tpu.dma_semaphore, #tpu.memory_space<semaphore_mem>>) src(%dma_wait3A_109 : memref<76x128xi32, #tpu.memory_space<hbm>>) dst(%dma_wait3A_106 : memref<76x128xi32, #tpu.memory_space<vmem>>)
        tpu.yield
      }) : () -> ()
    } else {
    }
    %barrier3A = arith.constant 0 : index
    tpu.barrier barrier_id(%barrier3A)
    %dma_start3A = arith.constant 0 : i32
    %dma_start3A_20 = arith.constant 0 : i32
    %dma_start3A_21 = tpu.memref_slice %arg6[%dma_start3A, %dma_start3A_20] : memref<80x128xi32, #tpu.memory_space<vmem>> -> memref<1x128xi32, #tpu.memory_space<vmem>>
    %dma_start3A_22 = tpu.memref_squeeze %dma_start3A_21 : memref<1x128xi32, #tpu.memory_space<vmem>> -> memref<128xi32, #tpu.memory_space<vmem>>
    %dma_start3A_23 = arith.constant 0 : i32
    %dma_start3A_24 = arith.constant 0 : i32
    %dma_start3A_25 = tpu.memref_slice %arg2[%dma_start3A_23, %dma_start3A_24] : memref<10240x32xf32, #tpu.memory_space<hbm>> -> memref<10240x32xf32, #tpu.memory_space<hbm>>
    tpu.enqueue_indirect_dma source(%dma_start3A_25 : memref<10240x32xf32, #tpu.memory_space<hbm>>) target(%arg8 : memref<128x32xf32, #tpu.memory_space<vmem>>) offsets(%dma_start3A_22 : memref<128xi32, #tpu.memory_space<vmem>>) semaphore(%arg17 : memref<!tpu.dma_semaphore, #tpu.memory_space<semaphore_mem>>)
    %dma_start3A_26 = arith.constant 1 : i32
    %dma_start3A_27 = arith.constant 0 : i32
    %dma_start3A_28 = tpu.memref_slice %arg6[%dma_start3A_26, %dma_start3A_27] : memref<80x128xi32, #tpu.memory_space<vmem>> -> memref<1x128xi32, #tpu.memory_space<vmem>>
    %dma_start3A_29 = tpu.memref_squeeze %dma_start3A_28 : memref<1x128xi32, #tpu.memory_space<vmem>> -> memref<128xi32, #tpu.memory_space<vmem>>
    %dma_start3A_30 = arith.constant 0 : i32
    %dma_start3A_31 = arith.constant 0 : i32
    %dma_start3A_32 = tpu.memref_slice %arg2[%dma_start3A_30, %dma_start3A_31] : memref<10240x32xf32, #tpu.memory_space<hbm>> -> memref<10240x32xf32, #tpu.memory_space<hbm>>
    tpu.enqueue_indirect_dma source(%dma_start3A_32 : memref<10240x32xf32, #tpu.memory_space<hbm>>) target(%arg9 : memref<128x32xf32, #tpu.memory_space<vmem>>) offsets(%dma_start3A_29 : memref<128xi32, #tpu.memory_space<vmem>>) semaphore(%arg18 : memref<!tpu.dma_semaphore, #tpu.memory_space<semaphore_mem>>)
    %dma_start3A_33 = arith.constant 2 : i32
    %dma_start3A_34 = arith.constant 0 : i32
    %dma_start3A_35 = tpu.memref_slice %arg6[%dma_start3A_33, %dma_start3A_34] : memref<80x128xi32, #tpu.memory_space<vmem>> -> memref<1x128xi32, #tpu.memory_space<vmem>>
    %dma_start3A_36 = tpu.memref_squeeze %dma_start3A_35 : memref<1x128xi32, #tpu.memory_space<vmem>> -> memref<128xi32, #tpu.memory_space<vmem>>
    %dma_start3A_37 = arith.constant 0 : i32
    %dma_start3A_38 = arith.constant 0 : i32
    %dma_start3A_39 = tpu.memref_slice %arg2[%dma_start3A_37, %dma_start3A_38] : memref<10240x32xf32, #tpu.memory_space<hbm>> -> memref<10240x32xf32, #tpu.memory_space<hbm>>
    tpu.enqueue_indirect_dma source(%dma_start3A_39 : memref<10240x32xf32, #tpu.memory_space<hbm>>) target(%arg10 : memref<128x32xf32, #tpu.memory_space<vmem>>) offsets(%dma_start3A_36 : memref<128xi32, #tpu.memory_space<vmem>>) semaphore(%arg19 : memref<!tpu.dma_semaphore, #tpu.memory_space<semaphore_mem>>)
    %dma_start3A_40 = arith.constant 3 : i32
    %dma_start3A_41 = arith.constant 0 : i32
    %dma_start3A_42 = tpu.memref_slice %arg6[%dma_start3A_40, %dma_start3A_41] : memref<80x128xi32, #tpu.memory_space<vmem>> -> memref<1x128xi32, #tpu.memory_space<vmem>>
    %dma_start3A_43 = tpu.memref_squeeze %dma_start3A_42 : memref<1x128xi32, #tpu.memory_space<vmem>> -> memref<128xi32, #tpu.memory_space<vmem>>
    %dma_start3A_44 = arith.constant 0 : i32
    %dma_start3A_45 = arith.constant 0 : i32
    %dma_start3A_46 = tpu.memref_slice %arg2[%dma_start3A_44, %dma_start3A_45] : memref<10240x32xf32, #tpu.memory_space<hbm>> -> memref<10240x32xf32, #tpu.memory_space<hbm>>
    tpu.enqueue_indirect_dma source(%dma_start3A_46 : memref<10240x32xf32, #tpu.memory_space<hbm>>) target(%arg11 : memref<128x32xf32, #tpu.memory_space<vmem>>) offsets(%dma_start3A_43 : memref<128xi32, #tpu.memory_space<vmem>>) semaphore(%arg20 : memref<!tpu.dma_semaphore, #tpu.memory_space<semaphore_mem>>)
    %dma_start3A_47 = arith.constant 4 : i32
    %dma_start3A_48 = arith.constant 0 : i32
    %dma_start3A_49 = tpu.memref_slice %arg6[%dma_start3A_47, %dma_start3A_48] : memref<80x128xi32, #tpu.memory_space<vmem>> -> memref<1x128xi32, #tpu.memory_space<vmem>>
    %dma_start3A_50 = tpu.memref_squeeze %dma_start3A_49 : memref<1x128xi32, #tpu.memory_space<vmem>> -> memref<128xi32, #tpu.memory_space<vmem>>
    %dma_start3A_51 = arith.constant 0 : i32
    %dma_start3A_52 = arith.constant 0 : i32
    %dma_start3A_53 = tpu.memref_slice %arg2[%dma_start3A_51, %dma_start3A_52] : memref<10240x32xf32, #tpu.memory_space<hbm>> -> memref<10240x32xf32, #tpu.memory_space<hbm>>
    tpu.enqueue_indirect_dma source(%dma_start3A_53 : memref<10240x32xf32, #tpu.memory_space<hbm>>) target(%arg12 : memref<128x32xf32, #tpu.memory_space<vmem>>) offsets(%dma_start3A_50 : memref<128xi32, #tpu.memory_space<vmem>>) semaphore(%arg21 : memref<!tpu.dma_semaphore, #tpu.memory_space<semaphore_mem>>)
    %dma_start3A_54 = arith.constant 5 : i32
    %dma_start3A_55 = arith.constant 0 : i32
    %dma_start3A_56 = tpu.memref_slice %arg6[%dma_start3A_54, %dma_start3A_55] : memref<80x128xi32, #tpu.memory_space<vmem>> -> memref<1x128xi32, #tpu.memory_space<vmem>>
    %dma_start3A_57 = tpu.memref_squeeze %dma_start3A_56 : memref<1x128xi32, #tpu.memory_space<vmem>> -> memref<128xi32, #tpu.memory_space<vmem>>
    %dma_start3A_58 = arith.constant 0 : i32
    %dma_start3A_59 = arith.constant 0 : i32
    %dma_start3A_60 = tpu.memref_slice %arg2[%dma_start3A_58, %dma_start3A_59] : memref<10240x32xf32, #tpu.memory_space<hbm>> -> memref<10240x32xf32, #tpu.memory_space<hbm>>
    tpu.enqueue_indirect_dma source(%dma_start3A_60 : memref<10240x32xf32, #tpu.memory_space<hbm>>) target(%arg13 : memref<128x32xf32, #tpu.memory_space<vmem>>) offsets(%dma_start3A_57 : memref<128xi32, #tpu.memory_space<vmem>>) semaphore(%arg22 : memref<!tpu.dma_semaphore, #tpu.memory_space<semaphore_mem>>)
    %dma_start3A_61 = arith.constant 6 : i32
    %dma_start3A_62 = arith.constant 0 : i32
    %dma_start3A_63 = tpu.memref_slice %arg6[%dma_start3A_61, %dma_start3A_62] : memref<80x128xi32, #tpu.memory_space<vmem>> -> memref<1x128xi32, #tpu.memory_space<vmem>>
    %dma_start3A_64 = tpu.memref_squeeze %dma_start3A_63 : memref<1x128xi32, #tpu.memory_space<vmem>> -> memref<128xi32, #tpu.memory_space<vmem>>
    %dma_start3A_65 = arith.constant 0 : i32
    %dma_start3A_66 = arith.constant 0 : i32
    %dma_start3A_67 = tpu.memref_slice %arg2[%dma_start3A_65, %dma_start3A_66] : memref<10240x32xf32, #tpu.memory_space<hbm>> -> memref<10240x32xf32, #tpu.memory_space<hbm>>
    tpu.enqueue_indirect_dma source(%dma_start3A_67 : memref<10240x32xf32, #tpu.memory_space<hbm>>) target(%arg14 : memref<128x32xf32, #tpu.memory_space<vmem>>) offsets(%dma_start3A_64 : memref<128xi32, #tpu.memory_space<vmem>>) semaphore(%arg23 : memref<!tpu.dma_semaphore, #tpu.memory_space<semaphore_mem>>)
    %dma_start3A_68 = arith.constant 7 : i32
    %dma_start3A_69 = arith.constant 0 : i32
    %dma_start3A_70 = tpu.memref_slice %arg6[%dma_start3A_68, %dma_start3A_69] : memref<80x128xi32, #tpu.memory_space<vmem>> -> memref<1x128xi32, #tpu.memory_space<vmem>>
    %dma_start3A_71 = tpu.memref_squeeze %dma_start3A_70 : memref<1x128xi32, #tpu.memory_space<vmem>> -> memref<128xi32, #tpu.memory_space<vmem>>
    %dma_start3A_72 = arith.constant 0 : i32
    %dma_start3A_73 = arith.constant 0 : i32
    %dma_start3A_74 = tpu.memref_slice %arg2[%dma_start3A_72, %dma_start3A_73] : memref<10240x32xf32, #tpu.memory_space<hbm>> -> memref<10240x32xf32, #tpu.memory_space<hbm>>
    tpu.enqueue_indirect_dma source(%dma_start3A_74 : memref<10240x32xf32, #tpu.memory_space<hbm>>) target(%arg15 : memref<128x32xf32, #tpu.memory_space<vmem>>) offsets(%dma_start3A_71 : memref<128xi32, #tpu.memory_space<vmem>>) semaphore(%arg24 : memref<!tpu.dma_semaphore, #tpu.memory_space<semaphore_mem>>)
    %scan3A = arith.constant 0 : i32
    %scan3A_75 = arith.constant 0 : i32
    %scan3A_76 = arith.constant 10 : i32
    %scan3A_77 = arith.addi %scan3A_75, %scan3A_76 : i32
    %scan3A_78 = arith.constant 1 : i32
    scf.for %scan3A_85 = %scan3A_75 to %scan3A_77 step %scan3A_78  : i32 {
      %mul3A_86 = arith.constant 8 : i32
      %mul3A_87 = arith.muli %mul3A_86, %scan3A_85 : i32
      %add3A_88 = arith.constant 0 : i32
      %add3A_89 = arith.addi %mul3A_87, %add3A_88 : i32
      %lt3A_90 = arith.cmpi slt, %add3A_89, %select_n3A : i32
      %convert_element_type3A_91 = arith.extui %lt3A_90 : i1 to i32
      %cond3A_92 = arith.constant 0 : i32
      %cond3A_93 = arith.cmpi ne, %convert_element_type3A_91, %cond3A_92 : i32
      scf.if %cond3A_93 {
        %dma_wait3A = arith.constant 0 : i32
        %dma_wait3A_136 = tpu.memref_slice %arg6[%add3A_89, %dma_wait3A] : memref<80x128xi32, #tpu.memory_space<vmem>> -> memref<1x128xi32, #tpu.memory_space<vmem>>
        %dma_wait3A_137 = tpu.memref_squeeze %dma_wait3A_136 : memref<1x128xi32, #tpu.memory_space<vmem>> -> memref<128xi32, #tpu.memory_space<vmem>>
        %dma_wait3A_138 = arith.constant 0 : i32
        %dma_wait3A_139 = arith.constant 0 : i32
        %dma_wait3A_140 = tpu.memref_slice %arg2[%dma_wait3A_138, %dma_wait3A_139] : memref<10240x32xf32, #tpu.memory_space<hbm>> -> memref<10240x32xf32, #tpu.memory_space<hbm>>
        tpu.wait_indirect_dma semaphore(%arg17 : memref<!tpu.dma_semaphore, #tpu.memory_space<semaphore_mem>>) src(%dma_wait3A_140 : memref<10240x32xf32, #tpu.memory_space<hbm>>) dst(%arg8 : memref<128x32xf32, #tpu.memory_space<vmem>>)
        "tpu.region"() ({
          %run_scoped3A = tpu.sem_alloc : memref<!tpu.dma_semaphore, #tpu.memory_space<semaphore_mem>>
          %dma_start3A_147 = arith.constant 0 : i32
          %dma_start3A_148 = tpu.memref_slice %arg7[%add3A_89, %dma_start3A_147] : memref<80x128xi32, #tpu.memory_space<vmem>> -> memref<1x128xi32, #tpu.memory_space<vmem>>
          %dma_start3A_149 = tpu.memref_squeeze %dma_start3A_148 : memref<1x128xi32, #tpu.memory_space<vmem>> -> memref<128xi32, #tpu.memory_space<vmem>>
          %dma_start3A_150 = arith.constant 0 : i32
          %dma_start3A_151 = arith.constant 0 : i32
          %dma_start3A_152 = tpu.memref_slice %arg16[%dma_start3A_150, %dma_start3A_151] : memref<10240x32xf32, #tpu.memory_space<vmem_shared>> -> memref<10240x32xf32, #tpu.memory_space<vmem_shared>>
          tpu.enqueue_indirect_dma source(%arg8 : memref<128x32xf32, #tpu.memory_space<vmem>>) target(%dma_start3A_152 : memref<10240x32xf32, #tpu.memory_space<vmem_shared>>) offsets(%dma_start3A_149 : memref<128xi32, #tpu.memory_space<vmem>>) semaphore(%run_scoped3A : memref<!tpu.dma_semaphore, #tpu.memory_space<semaphore_mem>>) {add = true}
          %dma_wait3A_153 = arith.constant 0 : i32
          %dma_wait3A_154 = tpu.memref_slice %arg7[%add3A_89, %dma_wait3A_153] : memref<80x128xi32, #tpu.memory_space<vmem>> -> memref<1x128xi32, #tpu.memory_space<vmem>>
          %dma_wait3A_155 = tpu.memref_squeeze %dma_wait3A_154 : memref<1x128xi32, #tpu.memory_space<vmem>> -> memref<128xi32, #tpu.memory_space<vmem>>
          %dma_wait3A_156 = arith.constant 0 : i32
          %dma_wait3A_157 = arith.constant 0 : i32
          %dma_wait3A_158 = tpu.memref_slice %arg16[%dma_wait3A_156, %dma_wait3A_157] : memref<10240x32xf32, #tpu.memory_space<vmem_shared>> -> memref<10240x32xf32, #tpu.memory_space<vmem_shared>>
          tpu.wait_indirect_dma semaphore(%run_scoped3A : memref<!tpu.dma_semaphore, #tpu.memory_space<semaphore_mem>>) src(%arg8 : memref<128x32xf32, #tpu.memory_space<vmem>>) dst(%dma_wait3A_158 : memref<10240x32xf32, #tpu.memory_space<vmem_shared>>)
          tpu.yield
        }) : () -> ()
        %add3A_141 = arith.constant 8 : i32
        %add3A_142 = arith.addi %add3A_89, %add3A_141 : i32
        %lt3A_143 = arith.cmpi slt, %add3A_142, %select_n3A : i32
        %convert_element_type3A_144 = arith.extui %lt3A_143 : i1 to i32
        %cond3A_145 = arith.constant 0 : i32
        %cond3A_146 = arith.cmpi ne, %convert_element_type3A_144, %cond3A_145 : i32
        scf.if %cond3A_146 {
          %add3A_147 = arith.constant 8 : i32
          %add3A_148 = arith.addi %add3A_89, %add3A_147 : i32
          %dma_start3A_149 = arith.constant 0 : i32
          %dma_start3A_150 = tpu.memref_slice %arg6[%add3A_148, %dma_start3A_149] : memref<80x128xi32, #tpu.memory_space<vmem>> -> memref<1x128xi32, #tpu.memory_space<vmem>>
          %dma_start3A_151 = tpu.memref_squeeze %dma_start3A_150 : memref<1x128xi32, #tpu.memory_space<vmem>> -> memref<128xi32, #tpu.memory_space<vmem>>
          %dma_start3A_152 = arith.constant 0 : i32
          %dma_start3A_153 = arith.constant 0 : i32
          %dma_start3A_154 = tpu.memref_slice %arg2[%dma_start3A_152, %dma_start3A_153] : memref<10240x32xf32, #tpu.memory_space<hbm>> -> memref<10240x32xf32, #tpu.memory_space<hbm>>
          tpu.enqueue_indirect_dma source(%dma_start3A_154 : memref<10240x32xf32, #tpu.memory_space<hbm>>) target(%arg8 : memref<128x32xf32, #tpu.memory_space<vmem>>) offsets(%dma_start3A_151 : memref<128xi32, #tpu.memory_space<vmem>>) semaphore(%arg17 : memref<!tpu.dma_semaphore, #tpu.memory_space<semaphore_mem>>)
        } else {
        }
      } else {
      }
      %add3A_94 = arith.constant 1 : i32
      %add3A_95 = arith.addi %mul3A_87, %add3A_94 : i32
      %lt3A_96 = arith.cmpi slt, %add3A_95, %select_n3A : i32
      %convert_element_type3A_97 = arith.extui %lt3A_96 : i1 to i32
      %cond3A_98 = arith.constant 0 : i32
      %cond3A_99 = arith.cmpi ne, %convert_element_type3A_97, %cond3A_98 : i32
      scf.if %cond3A_99 {
        %dma_wait3A = arith.constant 0 : i32
        %dma_wait3A_136 = tpu.memref_slice %arg6[%add3A_95, %dma_wait3A] : memref<80x128xi32, #tpu.memory_space<vmem>> -> memref<1x128xi32, #tpu.memory_space<vmem>>
        %dma_wait3A_137 = tpu.memref_squeeze %dma_wait3A_136 : memref<1x128xi32, #tpu.memory_space<vmem>> -> memref<128xi32, #tpu.memory_space<vmem>>
        %dma_wait3A_138 = arith.constant 0 : i32
        %dma_wait3A_139 = arith.constant 0 : i32
        %dma_wait3A_140 = tpu.memref_slice %arg2[%dma_wait3A_138, %dma_wait3A_139] : memref<10240x32xf32, #tpu.memory_space<hbm>> -> memref<10240x32xf32, #tpu.memory_space<hbm>>
        tpu.wait_indirect_dma semaphore(%arg18 : memref<!tpu.dma_semaphore, #tpu.memory_space<semaphore_mem>>) src(%dma_wait3A_140 : memref<10240x32xf32, #tpu.memory_space<hbm>>) dst(%arg9 : memref<128x32xf32, #tpu.memory_space<vmem>>)
        "tpu.region"() ({
          %run_scoped3A = tpu.sem_alloc : memref<!tpu.dma_semaphore, #tpu.memory_space<semaphore_mem>>
          %dma_start3A_147 = arith.constant 0 : i32
          %dma_start3A_148 = tpu.memref_slice %arg7[%add3A_95, %dma_start3A_147] : memref<80x128xi32, #tpu.memory_space<vmem>> -> memref<1x128xi32, #tpu.memory_space<vmem>>
          %dma_start3A_149 = tpu.memref_squeeze %dma_start3A_148 : memref<1x128xi32, #tpu.memory_space<vmem>> -> memref<128xi32, #tpu.memory_space<vmem>>
          %dma_start3A_150 = arith.constant 0 : i32
          %dma_start3A_151 = arith.constant 0 : i32
          %dma_start3A_152 = tpu.memref_slice %arg16[%dma_start3A_150, %dma_start3A_151] : memref<10240x32xf32, #tpu.memory_space<vmem_shared>> -> memref<10240x32xf32, #tpu.memory_space<vmem_shared>>
          tpu.enqueue_indirect_dma source(%arg9 : memref<128x32xf32, #tpu.memory_space<vmem>>) target(%dma_start3A_152 : memref<10240x32xf32, #tpu.memory_space<vmem_shared>>) offsets(%dma_start3A_149 : memref<128xi32, #tpu.memory_space<vmem>>) semaphore(%run_scoped3A : memref<!tpu.dma_semaphore, #tpu.memory_space<semaphore_mem>>) {add = true}
          %dma_wait3A_153 = arith.constant 0 : i32
          %dma_wait3A_154 = tpu.memref_slice %arg7[%add3A_95, %dma_wait3A_153] : memref<80x128xi32, #tpu.memory_space<vmem>> -> memref<1x128xi32, #tpu.memory_space<vmem>>
          %dma_wait3A_155 = tpu.memref_squeeze %dma_wait3A_154 : memref<1x128xi32, #tpu.memory_space<vmem>> -> memref<128xi32, #tpu.memory_space<vmem>>
          %dma_wait3A_156 = arith.constant 0 : i32
          %dma_wait3A_157 = arith.constant 0 : i32
          %dma_wait3A_158 = tpu.memref_slice %arg16[%dma_wait3A_156, %dma_wait3A_157] : memref<10240x32xf32, #tpu.memory_space<vmem_shared>> -> memref<10240x32xf32, #tpu.memory_space<vmem_shared>>
          tpu.wait_indirect_dma semaphore(%run_scoped3A : memref<!tpu.dma_semaphore, #tpu.memory_space<semaphore_mem>>) src(%arg9 : memref<128x32xf32, #tpu.memory_space<vmem>>) dst(%dma_wait3A_158 : memref<10240x32xf32, #tpu.memory_space<vmem_shared>>)
          tpu.yield
        }) : () -> ()
        %add3A_141 = arith.constant 8 : i32
        %add3A_142 = arith.addi %add3A_95, %add3A_141 : i32
        %lt3A_143 = arith.cmpi slt, %add3A_142, %select_n3A : i32
        %convert_element_type3A_144 = arith.extui %lt3A_143 : i1 to i32
        %cond3A_145 = arith.constant 0 : i32
        %cond3A_146 = arith.cmpi ne, %convert_element_type3A_144, %cond3A_145 : i32
        scf.if %cond3A_146 {
          %add3A_147 = arith.constant 8 : i32
          %add3A_148 = arith.addi %add3A_95, %add3A_147 : i32
          %dma_start3A_149 = arith.constant 0 : i32
          %dma_start3A_150 = tpu.memref_slice %arg6[%add3A_148, %dma_start3A_149] : memref<80x128xi32, #tpu.memory_space<vmem>> -> memref<1x128xi32, #tpu.memory_space<vmem>>
          %dma_start3A_151 = tpu.memref_squeeze %dma_start3A_150 : memref<1x128xi32, #tpu.memory_space<vmem>> -> memref<128xi32, #tpu.memory_space<vmem>>
          %dma_start3A_152 = arith.constant 0 : i32
          %dma_start3A_153 = arith.constant 0 : i32
          %dma_start3A_154 = tpu.memref_slice %arg2[%dma_start3A_152, %dma_start3A_153] : memref<10240x32xf32, #tpu.memory_space<hbm>> -> memref<10240x32xf32, #tpu.memory_space<hbm>>
          tpu.enqueue_indirect_dma source(%dma_start3A_154 : memref<10240x32xf32, #tpu.memory_space<hbm>>) target(%arg9 : memref<128x32xf32, #tpu.memory_space<vmem>>) offsets(%dma_start3A_151 : memref<128xi32, #tpu.memory_space<vmem>>) semaphore(%arg18 : memref<!tpu.dma_semaphore, #tpu.memory_space<semaphore_mem>>)
        } else {
        }
      } else {
      }
      %add3A_100 = arith.constant 2 : i32
      %add3A_101 = arith.addi %mul3A_87, %add3A_100 : i32
      %lt3A_102 = arith.cmpi slt, %add3A_101, %select_n3A : i32
      %convert_element_type3A_103 = arith.extui %lt3A_102 : i1 to i32
      %cond3A_104 = arith.constant 0 : i32
      %cond3A_105 = arith.cmpi ne, %convert_element_type3A_103, %cond3A_104 : i32
      scf.if %cond3A_105 {
        %dma_wait3A = arith.constant 0 : i32
        %dma_wait3A_136 = tpu.memref_slice %arg6[%add3A_101, %dma_wait3A] : memref<80x128xi32, #tpu.memory_space<vmem>> -> memref<1x128xi32, #tpu.memory_space<vmem>>
        %dma_wait3A_137 = tpu.memref_squeeze %dma_wait3A_136 : memref<1x128xi32, #tpu.memory_space<vmem>> -> memref<128xi32, #tpu.memory_space<vmem>>
        %dma_wait3A_138 = arith.constant 0 : i32
        %dma_wait3A_139 = arith.constant 0 : i32
        %dma_wait3A_140 = tpu.memref_slice %arg2[%dma_wait3A_138, %dma_wait3A_139] : memref<10240x32xf32, #tpu.memory_space<hbm>> -> memref<10240x32xf32, #tpu.memory_space<hbm>>
        tpu.wait_indirect_dma semaphore(%arg19 : memref<!tpu.dma_semaphore, #tpu.memory_space<semaphore_mem>>) src(%dma_wait3A_140 : memref<10240x32xf32, #tpu.memory_space<hbm>>) dst(%arg10 : memref<128x32xf32, #tpu.memory_space<vmem>>)
        "tpu.region"() ({
          %run_scoped3A = tpu.sem_alloc : memref<!tpu.dma_semaphore, #tpu.memory_space<semaphore_mem>>
          %dma_start3A_147 = arith.constant 0 : i32
          %dma_start3A_148 = tpu.memref_slice %arg7[%add3A_101, %dma_start3A_147] : memref<80x128xi32, #tpu.memory_space<vmem>> -> memref<1x128xi32, #tpu.memory_space<vmem>>
          %dma_start3A_149 = tpu.memref_squeeze %dma_start3A_148 : memref<1x128xi32, #tpu.memory_space<vmem>> -> memref<128xi32, #tpu.memory_space<vmem>>
          %dma_start3A_150 = arith.constant 0 : i32
          %dma_start3A_151 = arith.constant 0 : i32
          %dma_start3A_152 = tpu.memref_slice %arg16[%dma_start3A_150, %dma_start3A_151] : memref<10240x32xf32, #tpu.memory_space<vmem_shared>> -> memref<10240x32xf32, #tpu.memory_space<vmem_shared>>
          tpu.enqueue_indirect_dma source(%arg10 : memref<128x32xf32, #tpu.memory_space<vmem>>) target(%dma_start3A_152 : memref<10240x32xf32, #tpu.memory_space<vmem_shared>>) offsets(%dma_start3A_149 : memref<128xi32, #tpu.memory_space<vmem>>) semaphore(%run_scoped3A : memref<!tpu.dma_semaphore, #tpu.memory_space<semaphore_mem>>) {add = true}
          %dma_wait3A_153 = arith.constant 0 : i32
          %dma_wait3A_154 = tpu.memref_slice %arg7[%add3A_101, %dma_wait3A_153] : memref<80x128xi32, #tpu.memory_space<vmem>> -> memref<1x128xi32, #tpu.memory_space<vmem>>
          %dma_wait3A_155 = tpu.memref_squeeze %dma_wait3A_154 : memref<1x128xi32, #tpu.memory_space<vmem>> -> memref<128xi32, #tpu.memory_space<vmem>>
          %dma_wait3A_156 = arith.constant 0 : i32
          %dma_wait3A_157 = arith.constant 0 : i32
          %dma_wait3A_158 = tpu.memref_slice %arg16[%dma_wait3A_156, %dma_wait3A_157] : memref<10240x32xf32, #tpu.memory_space<vmem_shared>> -> memref<10240x32xf32, #tpu.memory_space<vmem_shared>>
          tpu.wait_indirect_dma semaphore(%run_scoped3A : memref<!tpu.dma_semaphore, #tpu.memory_space<semaphore_mem>>) src(%arg10 : memref<128x32xf32, #tpu.memory_space<vmem>>) dst(%dma_wait3A_158 : memref<10240x32xf32, #tpu.memory_space<vmem_shared>>)
          tpu.yield
        }) : () -> ()
        %add3A_141 = arith.constant 8 : i32
        %add3A_142 = arith.addi %add3A_101, %add3A_141 : i32
        %lt3A_143 = arith.cmpi slt, %add3A_142, %select_n3A : i32
        %convert_element_type3A_144 = arith.extui %lt3A_143 : i1 to i32
        %cond3A_145 = arith.constant 0 : i32
        %cond3A_146 = arith.cmpi ne, %convert_element_type3A_144, %cond3A_145 : i32
        scf.if %cond3A_146 {
          %add3A_147 = arith.constant 8 : i32
          %add3A_148 = arith.addi %add3A_101, %add3A_147 : i32
          %dma_start3A_149 = arith.constant 0 : i32
          %dma_start3A_150 = tpu.memref_slice %arg6[%add3A_148, %dma_start3A_149] : memref<80x128xi32, #tpu.memory_space<vmem>> -> memref<1x128xi32, #tpu.memory_space<vmem>>
          %dma_start3A_151 = tpu.memref_squeeze %dma_start3A_150 : memref<1x128xi32, #tpu.memory_space<vmem>> -> memref<128xi32, #tpu.memory_space<vmem>>
          %dma_start3A_152 = arith.constant 0 : i32
          %dma_start3A_153 = arith.constant 0 : i32
          %dma_start3A_154 = tpu.memref_slice %arg2[%dma_start3A_152, %dma_start3A_153] : memref<10240x32xf32, #tpu.memory_space<hbm>> -> memref<10240x32xf32, #tpu.memory_space<hbm>>
          tpu.enqueue_indirect_dma source(%dma_start3A_154 : memref<10240x32xf32, #tpu.memory_space<hbm>>) target(%arg10 : memref<128x32xf32, #tpu.memory_space<vmem>>) offsets(%dma_start3A_151 : memref<128xi32, #tpu.memory_space<vmem>>) semaphore(%arg19 : memref<!tpu.dma_semaphore, #tpu.memory_space<semaphore_mem>>)
        } else {
        }
      } else {
      }
      %add3A_106 = arith.constant 3 : i32
      %add3A_107 = arith.addi %mul3A_87, %add3A_106 : i32
      %lt3A_108 = arith.cmpi slt, %add3A_107, %select_n3A : i32
      %convert_element_type3A_109 = arith.extui %lt3A_108 : i1 to i32
      %cond3A_110 = arith.constant 0 : i32
      %cond3A_111 = arith.cmpi ne, %convert_element_type3A_109, %cond3A_110 : i32
      scf.if %cond3A_111 {
        %dma_wait3A = arith.constant 0 : i32
        %dma_wait3A_136 = tpu.memref_slice %arg6[%add3A_107, %dma_wait3A] : memref<80x128xi32, #tpu.memory_space<vmem>> -> memref<1x128xi32, #tpu.memory_space<vmem>>
        %dma_wait3A_137 = tpu.memref_squeeze %dma_wait3A_136 : memref<1x128xi32, #tpu.memory_space<vmem>> -> memref<128xi32, #tpu.memory_space<vmem>>
        %dma_wait3A_138 = arith.constant 0 : i32
        %dma_wait3A_139 = arith.constant 0 : i32
        %dma_wait3A_140 = tpu.memref_slice %arg2[%dma_wait3A_138, %dma_wait3A_139] : memref<10240x32xf32, #tpu.memory_space<hbm>> -> memref<10240x32xf32, #tpu.memory_space<hbm>>
        tpu.wait_indirect_dma semaphore(%arg20 : memref<!tpu.dma_semaphore, #tpu.memory_space<semaphore_mem>>) src(%dma_wait3A_140 : memref<10240x32xf32, #tpu.memory_space<hbm>>) dst(%arg11 : memref<128x32xf32, #tpu.memory_space<vmem>>)
        "tpu.region"() ({
          %run_scoped3A = tpu.sem_alloc : memref<!tpu.dma_semaphore, #tpu.memory_space<semaphore_mem>>
          %dma_start3A_147 = arith.constant 0 : i32
          %dma_start3A_148 = tpu.memref_slice %arg7[%add3A_107, %dma_start3A_147] : memref<80x128xi32, #tpu.memory_space<vmem>> -> memref<1x128xi32, #tpu.memory_space<vmem>>
          %dma_start3A_149 = tpu.memref_squeeze %dma_start3A_148 : memref<1x128xi32, #tpu.memory_space<vmem>> -> memref<128xi32, #tpu.memory_space<vmem>>
          %dma_start3A_150 = arith.constant 0 : i32
          %dma_start3A_151 = arith.constant 0 : i32
          %dma_start3A_152 = tpu.memref_slice %arg16[%dma_start3A_150, %dma_start3A_151] : memref<10240x32xf32, #tpu.memory_space<vmem_shared>> -> memref<10240x32xf32, #tpu.memory_space<vmem_shared>>
          tpu.enqueue_indirect_dma source(%arg11 : memref<128x32xf32, #tpu.memory_space<vmem>>) target(%dma_start3A_152 : memref<10240x32xf32, #tpu.memory_space<vmem_shared>>) offsets(%dma_start3A_149 : memref<128xi32, #tpu.memory_space<vmem>>) semaphore(%run_scoped3A : memref<!tpu.dma_semaphore, #tpu.memory_space<semaphore_mem>>) {add = true}
          %dma_wait3A_153 = arith.constant 0 : i32
          %dma_wait3A_154 = tpu.memref_slice %arg7[%add3A_107, %dma_wait3A_153] : memref<80x128xi32, #tpu.memory_space<vmem>> -> memref<1x128xi32, #tpu.memory_space<vmem>>
          %dma_wait3A_155 = tpu.memref_squeeze %dma_wait3A_154 : memref<1x128xi32, #tpu.memory_space<vmem>> -> memref<128xi32, #tpu.memory_space<vmem>>
          %dma_wait3A_156 = arith.constant 0 : i32
          %dma_wait3A_157 = arith.constant 0 : i32
          %dma_wait3A_158 = tpu.memref_slice %arg16[%dma_wait3A_156, %dma_wait3A_157] : memref<10240x32xf32, #tpu.memory_space<vmem_shared>> -> memref<10240x32xf32, #tpu.memory_space<vmem_shared>>
          tpu.wait_indirect_dma semaphore(%run_scoped3A : memref<!tpu.dma_semaphore, #tpu.memory_space<semaphore_mem>>) src(%arg11 : memref<128x32xf32, #tpu.memory_space<vmem>>) dst(%dma_wait3A_158 : memref<10240x32xf32, #tpu.memory_space<vmem_shared>>)
          tpu.yield
        }) : () -> ()
        %add3A_141 = arith.constant 8 : i32
        %add3A_142 = arith.addi %add3A_107, %add3A_141 : i32
        %lt3A_143 = arith.cmpi slt, %add3A_142, %select_n3A : i32
        %convert_element_type3A_144 = arith.extui %lt3A_143 : i1 to i32
        %cond3A_145 = arith.constant 0 : i32
        %cond3A_146 = arith.cmpi ne, %convert_element_type3A_144, %cond3A_145 : i32
        scf.if %cond3A_146 {
          %add3A_147 = arith.constant 8 : i32
          %add3A_148 = arith.addi %add3A_107, %add3A_147 : i32
          %dma_start3A_149 = arith.constant 0 : i32
          %dma_start3A_150 = tpu.memref_slice %arg6[%add3A_148, %dma_start3A_149] : memref<80x128xi32, #tpu.memory_space<vmem>> -> memref<1x128xi32, #tpu.memory_space<vmem>>
          %dma_start3A_151 = tpu.memref_squeeze %dma_start3A_150 : memref<1x128xi32, #tpu.memory_space<vmem>> -> memref<128xi32, #tpu.memory_space<vmem>>
          %dma_start3A_152 = arith.constant 0 : i32
          %dma_start3A_153 = arith.constant 0 : i32
          %dma_start3A_154 = tpu.memref_slice %arg2[%dma_start3A_152, %dma_start3A_153] : memref<10240x32xf32, #tpu.memory_space<hbm>> -> memref<10240x32xf32, #tpu.memory_space<hbm>>
          tpu.enqueue_indirect_dma source(%dma_start3A_154 : memref<10240x32xf32, #tpu.memory_space<hbm>>) target(%arg11 : memref<128x32xf32, #tpu.memory_space<vmem>>) offsets(%dma_start3A_151 : memref<128xi32, #tpu.memory_space<vmem>>) semaphore(%arg20 : memref<!tpu.dma_semaphore, #tpu.memory_space<semaphore_mem>>)
        } else {
        }
      } else {
      }
      %add3A_112 = arith.constant 4 : i32
      %add3A_113 = arith.addi %mul3A_87, %add3A_112 : i32
      %lt3A_114 = arith.cmpi slt, %add3A_113, %select_n3A : i32
      %convert_element_type3A_115 = arith.extui %lt3A_114 : i1 to i32
      %cond3A_116 = arith.constant 0 : i32
      %cond3A_117 = arith.cmpi ne, %convert_element_type3A_115, %cond3A_116 : i32
      scf.if %cond3A_117 {
        %dma_wait3A = arith.constant 0 : i32
        %dma_wait3A_136 = tpu.memref_slice %arg6[%add3A_113, %dma_wait3A] : memref<80x128xi32, #tpu.memory_space<vmem>> -> memref<1x128xi32, #tpu.memory_space<vmem>>
        %dma_wait3A_137 = tpu.memref_squeeze %dma_wait3A_136 : memref<1x128xi32, #tpu.memory_space<vmem>> -> memref<128xi32, #tpu.memory_space<vmem>>
        %dma_wait3A_138 = arith.constant 0 : i32
        %dma_wait3A_139 = arith.constant 0 : i32
        %dma_wait3A_140 = tpu.memref_slice %arg2[%dma_wait3A_138, %dma_wait3A_139] : memref<10240x32xf32, #tpu.memory_space<hbm>> -> memref<10240x32xf32, #tpu.memory_space<hbm>>
        tpu.wait_indirect_dma semaphore(%arg21 : memref<!tpu.dma_semaphore, #tpu.memory_space<semaphore_mem>>) src(%dma_wait3A_140 : memref<10240x32xf32, #tpu.memory_space<hbm>>) dst(%arg12 : memref<128x32xf32, #tpu.memory_space<vmem>>)
        "tpu.region"() ({
          %run_scoped3A = tpu.sem_alloc : memref<!tpu.dma_semaphore, #tpu.memory_space<semaphore_mem>>
          %dma_start3A_147 = arith.constant 0 : i32
          %dma_start3A_148 = tpu.memref_slice %arg7[%add3A_113, %dma_start3A_147] : memref<80x128xi32, #tpu.memory_space<vmem>> -> memref<1x128xi32, #tpu.memory_space<vmem>>
          %dma_start3A_149 = tpu.memref_squeeze %dma_start3A_148 : memref<1x128xi32, #tpu.memory_space<vmem>> -> memref<128xi32, #tpu.memory_space<vmem>>
          %dma_start3A_150 = arith.constant 0 : i32
          %dma_start3A_151 = arith.constant 0 : i32
          %dma_start3A_152 = tpu.memref_slice %arg16[%dma_start3A_150, %dma_start3A_151] : memref<10240x32xf32, #tpu.memory_space<vmem_shared>> -> memref<10240x32xf32, #tpu.memory_space<vmem_shared>>
          tpu.enqueue_indirect_dma source(%arg12 : memref<128x32xf32, #tpu.memory_space<vmem>>) target(%dma_start3A_152 : memref<10240x32xf32, #tpu.memory_space<vmem_shared>>) offsets(%dma_start3A_149 : memref<128xi32, #tpu.memory_space<vmem>>) semaphore(%run_scoped3A : memref<!tpu.dma_semaphore, #tpu.memory_space<semaphore_mem>>) {add = true}
          %dma_wait3A_153 = arith.constant 0 : i32
          %dma_wait3A_154 = tpu.memref_slice %arg7[%add3A_113, %dma_wait3A_153] : memref<80x128xi32, #tpu.memory_space<vmem>> -> memref<1x128xi32, #tpu.memory_space<vmem>>
          %dma_wait3A_155 = tpu.memref_squeeze %dma_wait3A_154 : memref<1x128xi32, #tpu.memory_space<vmem>> -> memref<128xi32, #tpu.memory_space<vmem>>
          %dma_wait3A_156 = arith.constant 0 : i32
          %dma_wait3A_157 = arith.constant 0 : i32
          %dma_wait3A_158 = tpu.memref_slice %arg16[%dma_wait3A_156, %dma_wait3A_157] : memref<10240x32xf32, #tpu.memory_space<vmem_shared>> -> memref<10240x32xf32, #tpu.memory_space<vmem_shared>>
          tpu.wait_indirect_dma semaphore(%run_scoped3A : memref<!tpu.dma_semaphore, #tpu.memory_space<semaphore_mem>>) src(%arg12 : memref<128x32xf32, #tpu.memory_space<vmem>>) dst(%dma_wait3A_158 : memref<10240x32xf32, #tpu.memory_space<vmem_shared>>)
          tpu.yield
        }) : () -> ()
        %add3A_141 = arith.constant 8 : i32
        %add3A_142 = arith.addi %add3A_113, %add3A_141 : i32
        %lt3A_143 = arith.cmpi slt, %add3A_142, %select_n3A : i32
        %convert_element_type3A_144 = arith.extui %lt3A_143 : i1 to i32
        %cond3A_145 = arith.constant 0 : i32
        %cond3A_146 = arith.cmpi ne, %convert_element_type3A_144, %cond3A_145 : i32
        scf.if %cond3A_146 {
          %add3A_147 = arith.constant 8 : i32
          %add3A_148 = arith.addi %add3A_113, %add3A_147 : i32
          %dma_start3A_149 = arith.constant 0 : i32
          %dma_start3A_150 = tpu.memref_slice %arg6[%add3A_148, %dma_start3A_149] : memref<80x128xi32, #tpu.memory_space<vmem>> -> memref<1x128xi32, #tpu.memory_space<vmem>>
          %dma_start3A_151 = tpu.memref_squeeze %dma_start3A_150 : memref<1x128xi32, #tpu.memory_space<vmem>> -> memref<128xi32, #tpu.memory_space<vmem>>
          %dma_start3A_152 = arith.constant 0 : i32
          %dma_start3A_153 = arith.constant 0 : i32
          %dma_start3A_154 = tpu.memref_slice %arg2[%dma_start3A_152, %dma_start3A_153] : memref<10240x32xf32, #tpu.memory_space<hbm>> -> memref<10240x32xf32, #tpu.memory_space<hbm>>
          tpu.enqueue_indirect_dma source(%dma_start3A_154 : memref<10240x32xf32, #tpu.memory_space<hbm>>) target(%arg12 : memref<128x32xf32, #tpu.memory_space<vmem>>) offsets(%dma_start3A_151 : memref<128xi32, #tpu.memory_space<vmem>>) semaphore(%arg21 : memref<!tpu.dma_semaphore, #tpu.memory_space<semaphore_mem>>)
        } else {
        }
      } else {
      }
      %add3A_118 = arith.constant 5 : i32
      %add3A_119 = arith.addi %mul3A_87, %add3A_118 : i32
      %lt3A_120 = arith.cmpi slt, %add3A_119, %select_n3A : i32
      %convert_element_type3A_121 = arith.extui %lt3A_120 : i1 to i32
      %cond3A_122 = arith.constant 0 : i32
      %cond3A_123 = arith.cmpi ne, %convert_element_type3A_121, %cond3A_122 : i32
      scf.if %cond3A_123 {
        %dma_wait3A = arith.constant 0 : i32
        %dma_wait3A_136 = tpu.memref_slice %arg6[%add3A_119, %dma_wait3A] : memref<80x128xi32, #tpu.memory_space<vmem>> -> memref<1x128xi32, #tpu.memory_space<vmem>>
        %dma_wait3A_137 = tpu.memref_squeeze %dma_wait3A_136 : memref<1x128xi32, #tpu.memory_space<vmem>> -> memref<128xi32, #tpu.memory_space<vmem>>
        %dma_wait3A_138 = arith.constant 0 : i32
        %dma_wait3A_139 = arith.constant 0 : i32
        %dma_wait3A_140 = tpu.memref_slice %arg2[%dma_wait3A_138, %dma_wait3A_139] : memref<10240x32xf32, #tpu.memory_space<hbm>> -> memref<10240x32xf32, #tpu.memory_space<hbm>>
        tpu.wait_indirect_dma semaphore(%arg22 : memref<!tpu.dma_semaphore, #tpu.memory_space<semaphore_mem>>) src(%dma_wait3A_140 : memref<10240x32xf32, #tpu.memory_space<hbm>>) dst(%arg13 : memref<128x32xf32, #tpu.memory_space<vmem>>)
        "tpu.region"() ({
          %run_scoped3A = tpu.sem_alloc : memref<!tpu.dma_semaphore, #tpu.memory_space<semaphore_mem>>
          %dma_start3A_147 = arith.constant 0 : i32
          %dma_start3A_148 = tpu.memref_slice %arg7[%add3A_119, %dma_start3A_147] : memref<80x128xi32, #tpu.memory_space<vmem>> -> memref<1x128xi32, #tpu.memory_space<vmem>>
          %dma_start3A_149 = tpu.memref_squeeze %dma_start3A_148 : memref<1x128xi32, #tpu.memory_space<vmem>> -> memref<128xi32, #tpu.memory_space<vmem>>
          %dma_start3A_150 = arith.constant 0 : i32
          %dma_start3A_151 = arith.constant 0 : i32
          %dma_start3A_152 = tpu.memref_slice %arg16[%dma_start3A_150, %dma_start3A_151] : memref<10240x32xf32, #tpu.memory_space<vmem_shared>> -> memref<10240x32xf32, #tpu.memory_space<vmem_shared>>
          tpu.enqueue_indirect_dma source(%arg13 : memref<128x32xf32, #tpu.memory_space<vmem>>) target(%dma_start3A_152 : memref<10240x32xf32, #tpu.memory_space<vmem_shared>>) offsets(%dma_start3A_149 : memref<128xi32, #tpu.memory_space<vmem>>) semaphore(%run_scoped3A : memref<!tpu.dma_semaphore, #tpu.memory_space<semaphore_mem>>) {add = true}
          %dma_wait3A_153 = arith.constant 0 : i32
          %dma_wait3A_154 = tpu.memref_slice %arg7[%add3A_119, %dma_wait3A_153] : memref<80x128xi32, #tpu.memory_space<vmem>> -> memref<1x128xi32, #tpu.memory_space<vmem>>
          %dma_wait3A_155 = tpu.memref_squeeze %dma_wait3A_154 : memref<1x128xi32, #tpu.memory_space<vmem>> -> memref<128xi32, #tpu.memory_space<vmem>>
          %dma_wait3A_156 = arith.constant 0 : i32
          %dma_wait3A_157 = arith.constant 0 : i32
          %dma_wait3A_158 = tpu.memref_slice %arg16[%dma_wait3A_156, %dma_wait3A_157] : memref<10240x32xf32, #tpu.memory_space<vmem_shared>> -> memref<10240x32xf32, #tpu.memory_space<vmem_shared>>
          tpu.wait_indirect_dma semaphore(%run_scoped3A : memref<!tpu.dma_semaphore, #tpu.memory_space<semaphore_mem>>) src(%arg13 : memref<128x32xf32, #tpu.memory_space<vmem>>) dst(%dma_wait3A_158 : memref<10240x32xf32, #tpu.memory_space<vmem_shared>>)
          tpu.yield
        }) : () -> ()
        %add3A_141 = arith.constant 8 : i32
        %add3A_142 = arith.addi %add3A_119, %add3A_141 : i32
        %lt3A_143 = arith.cmpi slt, %add3A_142, %select_n3A : i32
        %convert_element_type3A_144 = arith.extui %lt3A_143 : i1 to i32
        %cond3A_145 = arith.constant 0 : i32
        %cond3A_146 = arith.cmpi ne, %convert_element_type3A_144, %cond3A_145 : i32
        scf.if %cond3A_146 {
          %add3A_147 = arith.constant 8 : i32
          %add3A_148 = arith.addi %add3A_119, %add3A_147 : i32
          %dma_start3A_149 = arith.constant 0 : i32
          %dma_start3A_150 = tpu.memref_slice %arg6[%add3A_148, %dma_start3A_149] : memref<80x128xi32, #tpu.memory_space<vmem>> -> memref<1x128xi32, #tpu.memory_space<vmem>>
          %dma_start3A_151 = tpu.memref_squeeze %dma_start3A_150 : memref<1x128xi32, #tpu.memory_space<vmem>> -> memref<128xi32, #tpu.memory_space<vmem>>
          %dma_start3A_152 = arith.constant 0 : i32
          %dma_start3A_153 = arith.constant 0 : i32
          %dma_start3A_154 = tpu.memref_slice %arg2[%dma_start3A_152, %dma_start3A_153] : memref<10240x32xf32, #tpu.memory_space<hbm>> -> memref<10240x32xf32, #tpu.memory_space<hbm>>
          tpu.enqueue_indirect_dma source(%dma_start3A_154 : memref<10240x32xf32, #tpu.memory_space<hbm>>) target(%arg13 : memref<128x32xf32, #tpu.memory_space<vmem>>) offsets(%dma_start3A_151 : memref<128xi32, #tpu.memory_space<vmem>>) semaphore(%arg22 : memref<!tpu.dma_semaphore, #tpu.memory_space<semaphore_mem>>)
        } else {
        }
      } else {
      }
      %add3A_124 = arith.constant 6 : i32
      %add3A_125 = arith.addi %mul3A_87, %add3A_124 : i32
      %lt3A_126 = arith.cmpi slt, %add3A_125, %select_n3A : i32
      %convert_element_type3A_127 = arith.extui %lt3A_126 : i1 to i32
      %cond3A_128 = arith.constant 0 : i32
      %cond3A_129 = arith.cmpi ne, %convert_element_type3A_127, %cond3A_128 : i32
      scf.if %cond3A_129 {
        %dma_wait3A = arith.constant 0 : i32
        %dma_wait3A_136 = tpu.memref_slice %arg6[%add3A_125, %dma_wait3A] : memref<80x128xi32, #tpu.memory_space<vmem>> -> memref<1x128xi32, #tpu.memory_space<vmem>>
        %dma_wait3A_137 = tpu.memref_squeeze %dma_wait3A_136 : memref<1x128xi32, #tpu.memory_space<vmem>> -> memref<128xi32, #tpu.memory_space<vmem>>
        %dma_wait3A_138 = arith.constant 0 : i32
        %dma_wait3A_139 = arith.constant 0 : i32
        %dma_wait3A_140 = tpu.memref_slice %arg2[%dma_wait3A_138, %dma_wait3A_139] : memref<10240x32xf32, #tpu.memory_space<hbm>> -> memref<10240x32xf32, #tpu.memory_space<hbm>>
        tpu.wait_indirect_dma semaphore(%arg23 : memref<!tpu.dma_semaphore, #tpu.memory_space<semaphore_mem>>) src(%dma_wait3A_140 : memref<10240x32xf32, #tpu.memory_space<hbm>>) dst(%arg14 : memref<128x32xf32, #tpu.memory_space<vmem>>)
        "tpu.region"() ({
          %run_scoped3A = tpu.sem_alloc : memref<!tpu.dma_semaphore, #tpu.memory_space<semaphore_mem>>
          %dma_start3A_147 = arith.constant 0 : i32
          %dma_start3A_148 = tpu.memref_slice %arg7[%add3A_125, %dma_start3A_147] : memref<80x128xi32, #tpu.memory_space<vmem>> -> memref<1x128xi32, #tpu.memory_space<vmem>>
          %dma_start3A_149 = tpu.memref_squeeze %dma_start3A_148 : memref<1x128xi32, #tpu.memory_space<vmem>> -> memref<128xi32, #tpu.memory_space<vmem>>
          %dma_start3A_150 = arith.constant 0 : i32
          %dma_start3A_151 = arith.constant 0 : i32
          %dma_start3A_152 = tpu.memref_slice %arg16[%dma_start3A_150, %dma_start3A_151] : memref<10240x32xf32, #tpu.memory_space<vmem_shared>> -> memref<10240x32xf32, #tpu.memory_space<vmem_shared>>
          tpu.enqueue_indirect_dma source(%arg14 : memref<128x32xf32, #tpu.memory_space<vmem>>) target(%dma_start3A_152 : memref<10240x32xf32, #tpu.memory_space<vmem_shared>>) offsets(%dma_start3A_149 : memref<128xi32, #tpu.memory_space<vmem>>) semaphore(%run_scoped3A : memref<!tpu.dma_semaphore, #tpu.memory_space<semaphore_mem>>) {add = true}
          %dma_wait3A_153 = arith.constant 0 : i32
          %dma_wait3A_154 = tpu.memref_slice %arg7[%add3A_125, %dma_wait3A_153] : memref<80x128xi32, #tpu.memory_space<vmem>> -> memref<1x128xi32, #tpu.memory_space<vmem>>
          %dma_wait3A_155 = tpu.memref_squeeze %dma_wait3A_154 : memref<1x128xi32, #tpu.memory_space<vmem>> -> memref<128xi32, #tpu.memory_space<vmem>>
          %dma_wait3A_156 = arith.constant 0 : i32
          %dma_wait3A_157 = arith.constant 0 : i32
          %dma_wait3A_158 = tpu.memref_slice %arg16[%dma_wait3A_156, %dma_wait3A_157] : memref<10240x32xf32, #tpu.memory_space<vmem_shared>> -> memref<10240x32xf32, #tpu.memory_space<vmem_shared>>
          tpu.wait_indirect_dma semaphore(%run_scoped3A : memref<!tpu.dma_semaphore, #tpu.memory_space<semaphore_mem>>) src(%arg14 : memref<128x32xf32, #tpu.memory_space<vmem>>) dst(%dma_wait3A_158 : memref<10240x32xf32, #tpu.memory_space<vmem_shared>>)
          tpu.yield
        }) : () -> ()
        %add3A_141 = arith.constant 8 : i32
        %add3A_142 = arith.addi %add3A_125, %add3A_141 : i32
        %lt3A_143 = arith.cmpi slt, %add3A_142, %select_n3A : i32
        %convert_element_type3A_144 = arith.extui %lt3A_143 : i1 to i32
        %cond3A_145 = arith.constant 0 : i32
        %cond3A_146 = arith.cmpi ne, %convert_element_type3A_144, %cond3A_145 : i32
        scf.if %cond3A_146 {
          %add3A_147 = arith.constant 8 : i32
          %add3A_148 = arith.addi %add3A_125, %add3A_147 : i32
          %dma_start3A_149 = arith.constant 0 : i32
          %dma_start3A_150 = tpu.memref_slice %arg6[%add3A_148, %dma_start3A_149] : memref<80x128xi32, #tpu.memory_space<vmem>> -> memref<1x128xi32, #tpu.memory_space<vmem>>
          %dma_start3A_151 = tpu.memref_squeeze %dma_start3A_150 : memref<1x128xi32, #tpu.memory_space<vmem>> -> memref<128xi32, #tpu.memory_space<vmem>>
          %dma_start3A_152 = arith.constant 0 : i32
          %dma_start3A_153 = arith.constant 0 : i32
          %dma_start3A_154 = tpu.memref_slice %arg2[%dma_start3A_152, %dma_start3A_153] : memref<10240x32xf32, #tpu.memory_space<hbm>> -> memref<10240x32xf32, #tpu.memory_space<hbm>>
          tpu.enqueue_indirect_dma source(%dma_start3A_154 : memref<10240x32xf32, #tpu.memory_space<hbm>>) target(%arg14 : memref<128x32xf32, #tpu.memory_space<vmem>>) offsets(%dma_start3A_151 : memref<128xi32, #tpu.memory_space<vmem>>) semaphore(%arg23 : memref<!tpu.dma_semaphore, #tpu.memory_space<semaphore_mem>>)
        } else {
        }
      } else {
      }
      %add3A_130 = arith.constant 7 : i32
      %add3A_131 = arith.addi %mul3A_87, %add3A_130 : i32
      %lt3A_132 = arith.cmpi slt, %add3A_131, %select_n3A : i32
      %convert_element_type3A_133 = arith.extui %lt3A_132 : i1 to i32
      %cond3A_134 = arith.constant 0 : i32
      %cond3A_135 = arith.cmpi ne, %convert_element_type3A_133, %cond3A_134 : i32
      scf.if %cond3A_135 {
        %dma_wait3A = arith.constant 0 : i32
        %dma_wait3A_136 = tpu.memref_slice %arg6[%add3A_131, %dma_wait3A] : memref<80x128xi32, #tpu.memory_space<vmem>> -> memref<1x128xi32, #tpu.memory_space<vmem>>
        %dma_wait3A_137 = tpu.memref_squeeze %dma_wait3A_136 : memref<1x128xi32, #tpu.memory_space<vmem>> -> memref<128xi32, #tpu.memory_space<vmem>>
        %dma_wait3A_138 = arith.constant 0 : i32
        %dma_wait3A_139 = arith.constant 0 : i32
        %dma_wait3A_140 = tpu.memref_slice %arg2[%dma_wait3A_138, %dma_wait3A_139] : memref<10240x32xf32, #tpu.memory_space<hbm>> -> memref<10240x32xf32, #tpu.memory_space<hbm>>
        tpu.wait_indirect_dma semaphore(%arg24 : memref<!tpu.dma_semaphore, #tpu.memory_space<semaphore_mem>>) src(%dma_wait3A_140 : memref<10240x32xf32, #tpu.memory_space<hbm>>) dst(%arg15 : memref<128x32xf32, #tpu.memory_space<vmem>>)
        "tpu.region"() ({
          %run_scoped3A = tpu.sem_alloc : memref<!tpu.dma_semaphore, #tpu.memory_space<semaphore_mem>>
          %dma_start3A_147 = arith.constant 0 : i32
          %dma_start3A_148 = tpu.memref_slice %arg7[%add3A_131, %dma_start3A_147] : memref<80x128xi32, #tpu.memory_space<vmem>> -> memref<1x128xi32, #tpu.memory_space<vmem>>
          %dma_start3A_149 = tpu.memref_squeeze %dma_start3A_148 : memref<1x128xi32, #tpu.memory_space<vmem>> -> memref<128xi32, #tpu.memory_space<vmem>>
          %dma_start3A_150 = arith.constant 0 : i32
          %dma_start3A_151 = arith.constant 0 : i32
          %dma_start3A_152 = tpu.memref_slice %arg16[%dma_start3A_150, %dma_start3A_151] : memref<10240x32xf32, #tpu.memory_space<vmem_shared>> -> memref<10240x32xf32, #tpu.memory_space<vmem_shared>>
          tpu.enqueue_indirect_dma source(%arg15 : memref<128x32xf32, #tpu.memory_space<vmem>>) target(%dma_start3A_152 : memref<10240x32xf32, #tpu.memory_space<vmem_shared>>) offsets(%dma_start3A_149 : memref<128xi32, #tpu.memory_space<vmem>>) semaphore(%run_scoped3A : memref<!tpu.dma_semaphore, #tpu.memory_space<semaphore_mem>>) {add = true}
          %dma_wait3A_153 = arith.constant 0 : i32
          %dma_wait3A_154 = tpu.memref_slice %arg7[%add3A_131, %dma_wait3A_153] : memref<80x128xi32, #tpu.memory_space<vmem>> -> memref<1x128xi32, #tpu.memory_space<vmem>>
          %dma_wait3A_155 = tpu.memref_squeeze %dma_wait3A_154 : memref<1x128xi32, #tpu.memory_space<vmem>> -> memref<128xi32, #tpu.memory_space<vmem>>
          %dma_wait3A_156 = arith.constant 0 : i32
          %dma_wait3A_157 = arith.constant 0 : i32
          %dma_wait3A_158 = tpu.memref_slice %arg16[%dma_wait3A_156, %dma_wait3A_157] : memref<10240x32xf32, #tpu.memory_space<vmem_shared>> -> memref<10240x32xf32, #tpu.memory_space<vmem_shared>>
          tpu.wait_indirect_dma semaphore(%run_scoped3A : memref<!tpu.dma_semaphore, #tpu.memory_space<semaphore_mem>>) src(%arg15 : memref<128x32xf32, #tpu.memory_space<vmem>>) dst(%dma_wait3A_158 : memref<10240x32xf32, #tpu.memory_space<vmem_shared>>)
          tpu.yield
        }) : () -> ()
        %add3A_141 = arith.constant 8 : i32
        %add3A_142 = arith.addi %add3A_131, %add3A_141 : i32
        %lt3A_143 = arith.cmpi slt, %add3A_142, %select_n3A : i32
        %convert_element_type3A_144 = arith.extui %lt3A_143 : i1 to i32
        %cond3A_145 = arith.constant 0 : i32
        %cond3A_146 = arith.cmpi ne, %convert_element_type3A_144, %cond3A_145 : i32
        scf.if %cond3A_146 {
          %add3A_147 = arith.constant 8 : i32
          %add3A_148 = arith.addi %add3A_131, %add3A_147 : i32
          %dma_start3A_149 = arith.constant 0 : i32
          %dma_start3A_150 = tpu.memref_slice %arg6[%add3A_148, %dma_start3A_149] : memref<80x128xi32, #tpu.memory_space<vmem>> -> memref<1x128xi32, #tpu.memory_space<vmem>>
          %dma_start3A_151 = tpu.memref_squeeze %dma_start3A_150 : memref<1x128xi32, #tpu.memory_space<vmem>> -> memref<128xi32, #tpu.memory_space<vmem>>
          %dma_start3A_152 = arith.constant 0 : i32
          %dma_start3A_153 = arith.constant 0 : i32
          %dma_start3A_154 = tpu.memref_slice %arg2[%dma_start3A_152, %dma_start3A_153] : memref<10240x32xf32, #tpu.memory_space<hbm>> -> memref<10240x32xf32, #tpu.memory_space<hbm>>
          tpu.enqueue_indirect_dma source(%dma_start3A_154 : memref<10240x32xf32, #tpu.memory_space<hbm>>) target(%arg15 : memref<128x32xf32, #tpu.memory_space<vmem>>) offsets(%dma_start3A_151 : memref<128xi32, #tpu.memory_space<vmem>>) semaphore(%arg24 : memref<!tpu.dma_semaphore, #tpu.memory_space<semaphore_mem>>)
        } else {
        }
      } else {
      }
    }
    %scan3A_79 = arith.constant 10 : i32
    %barrier3A_80 = arith.constant 0 : index
    tpu.barrier barrier_id(%barrier3A_80)
    %mul3A_81 = arith.constant 640 : i32
    %mul3A_82 = arith.muli %arg1, %mul3A_81 : i32
    %mul3A_83 = arith.constant 640 : i32
    %mul3A_84 = arith.muli %arg1, %mul3A_83 : i32
    "tpu.region"() ({
      %run_scoped3A = tpu.sem_alloc : memref<!tpu.dma_semaphore, #tpu.memory_space<semaphore_mem>>
      %dma_start3A_85 = arith.constant 0 : i32
      %dma_start3A_86 = tpu.memref_slice %arg5[%arg0, %mul3A_84, %dma_start3A_85] : memref<2x10240x32xf32, #tpu.memory_space<hbm>> -> memref<1x640x32xf32, #tpu.memory_space<hbm>>
      %dma_start3A_87 = tpu.memref_squeeze %dma_start3A_86 : memref<1x640x32xf32, #tpu.memory_space<hbm>> -> memref<640x32xf32, #tpu.memory_space<hbm>>
      %dma_start3A_88 = arith.constant 0 : i32
      %dma_start3A_89 = tpu.memref_slice %arg16[%mul3A_82, %dma_start3A_88] : memref<10240x32xf32, #tpu.memory_space<vmem_shared>> -> memref<640x32xf32, #tpu.memory_space<vmem_shared>>
      tpu.enqueue_dma source(%dma_start3A_89 : memref<640x32xf32, #tpu.memory_space<vmem_shared>>) target(%dma_start3A_87 : memref<640x32xf32, #tpu.memory_space<hbm>>) target_semaphore(%run_scoped3A : memref<!tpu.dma_semaphore, #tpu.memory_space<semaphore_mem>>)
      %dma_wait3A = arith.constant 0 : i32
      %dma_wait3A_90 = tpu.memref_slice %arg5[%arg0, %mul3A_84, %dma_wait3A] : memref<2x10240x32xf32, #tpu.memory_space<hbm>> -> memref<1x640x32xf32, #tpu.memory_space<hbm>>
      %dma_wait3A_91 = tpu.memref_squeeze %dma_wait3A_90 : memref<1x640x32xf32, #tpu.memory_space<hbm>> -> memref<640x32xf32, #tpu.memory_space<hbm>>
      %dma_wait3A_92 = arith.constant 0 : i32
      %dma_wait3A_93 = tpu.memref_slice %arg16[%mul3A_82, %dma_wait3A_92] : memref<10240x32xf32, #tpu.memory_space<vmem_shared>> -> memref<640x32xf32, #tpu.memory_space<vmem_shared>>
      tpu.wait_dma2 semaphore(%run_scoped3A : memref<!tpu.dma_semaphore, #tpu.memory_space<semaphore_mem>>) src(%dma_wait3A_93 : memref<640x32xf32, #tpu.memory_space<vmem_shared>>) dst(%dma_wait3A_91 : memref<640x32xf32, #tpu.memory_space<hbm>>)
      tpu.yield
    }) : () -> ()
    return
  }
}

#map = affine_map<(d0, d1) -> (0, 0, 0)>
#map1 = affine_map<(d0, d1) -> (0)>
#map2 = affine_map<(d0, d1) -> (0, 0)>
module attributes {stable_mosaic.version = 14 : i64} {
  func.func @_deg_body(%arg0: i32, %arg1: i32, %arg2: memref<2x2500x128xi32, #tpu.memory_space<hbm>>, %arg3: memref<640xf32, #tpu.memory_space<hbm>>, %arg4: memref<2x10240xf32, #tpu.memory_space<hbm>>, %arg5: memref<157x128xi32, #tpu.memory_space<vmem>>, %arg6: memref<128xf32, #tpu.memory_space<vmem>>, %arg7: memref<10240xf32, #tpu.memory_space<vmem_shared>>, %arg8: memref<!tpu.dma_semaphore, #tpu.memory_space<semaphore_mem>>) attributes {dimension_semantics = [#tpu.dimension_semantics<core_parallel>, #tpu.dimension_semantics<subcore_parallel>], iteration_bounds = array<i64: 2, 16>, scalar_prefetch = 0 : i64, scratch_operands = 4 : i64, tpu.core_type = #tpu.core_type<sc_vector_subcore>, window_params = [{transform_indices = #map}, {transform_indices = #map1}, {transform_indices = #map2}]} {
    %broadcast_in_dim3A = arith.constant 1.000000e+00 : f32
    %broadcast_in_dim3A_0 = vector.broadcast %broadcast_in_dim3A : f32 to vector<16xf32>
    %swap3A = arith.constant 0 : index
    %swap3A_1 = tpu.vector_load %arg6[%swap3A] {strides = array<i32>} : memref<128xf32, #tpu.memory_space<vmem>>, vector<16xf32>,
    %swap3A_2 = vector.shape_cast %swap3A_1 : vector<16xf32> to vector<16xf32>
    %swap3A_3 = vector.shape_cast %broadcast_in_dim3A_0 : vector<16xf32> to vector<16xf32>
    tpu.vector_store %arg6[%swap3A], %swap3A_3 {strides = array<i32>} : memref<128xf32, #tpu.memory_space<vmem>>, vector<16xf32>,
    %broadcast_in_dim3A_4 = arith.constant 1.000000e+00 : f32
    %broadcast_in_dim3A_5 = vector.broadcast %broadcast_in_dim3A_4 : f32 to vector<16xf32>
    %swap3A_6 = arith.constant 16 : index
    %swap3A_7 = tpu.vector_load %arg6[%swap3A_6] {strides = array<i32>} : memref<128xf32, #tpu.memory_space<vmem>>, vector<16xf32>,
    %swap3A_8 = vector.shape_cast %swap3A_7 : vector<16xf32> to vector<16xf32>
    %swap3A_9 = vector.shape_cast %broadcast_in_dim3A_5 : vector<16xf32> to vector<16xf32>
    tpu.vector_store %arg6[%swap3A_6], %swap3A_9 {strides = array<i32>} : memref<128xf32, #tpu.memory_space<vmem>>, vector<16xf32>,
    %broadcast_in_dim3A_10 = arith.constant 1.000000e+00 : f32
    %broadcast_in_dim3A_11 = vector.broadcast %broadcast_in_dim3A_10 : f32 to vector<16xf32>
    %swap3A_12 = arith.constant 32 : index
    %swap3A_13 = tpu.vector_load %arg6[%swap3A_12] {strides = array<i32>} : memref<128xf32, #tpu.memory_space<vmem>>, vector<16xf32>,
    %swap3A_14 = vector.shape_cast %swap3A_13 : vector<16xf32> to vector<16xf32>
    %swap3A_15 = vector.shape_cast %broadcast_in_dim3A_11 : vector<16xf32> to vector<16xf32>
    tpu.vector_store %arg6[%swap3A_12], %swap3A_15 {strides = array<i32>} : memref<128xf32, #tpu.memory_space<vmem>>, vector<16xf32>,
    %broadcast_in_dim3A_16 = arith.constant 1.000000e+00 : f32
    %broadcast_in_dim3A_17 = vector.broadcast %broadcast_in_dim3A_16 : f32 to vector<16xf32>
    %swap3A_18 = arith.constant 48 : index
    %swap3A_19 = tpu.vector_load %arg6[%swap3A_18] {strides = array<i32>} : memref<128xf32, #tpu.memory_space<vmem>>, vector<16xf32>,
    %swap3A_20 = vector.shape_cast %swap3A_19 : vector<16xf32> to vector<16xf32>
    %swap3A_21 = vector.shape_cast %broadcast_in_dim3A_17 : vector<16xf32> to vector<16xf32>
    tpu.vector_store %arg6[%swap3A_18], %swap3A_21 {strides = array<i32>} : memref<128xf32, #tpu.memory_space<vmem>>, vector<16xf32>,
    %broadcast_in_dim3A_22 = arith.constant 1.000000e+00 : f32
    %broadcast_in_dim3A_23 = vector.broadcast %broadcast_in_dim3A_22 : f32 to vector<16xf32>
    %swap3A_24 = arith.constant 64 : index
    %swap3A_25 = tpu.vector_load %arg6[%swap3A_24] {strides = array<i32>} : memref<128xf32, #tpu.memory_space<vmem>>, vector<16xf32>,
    %swap3A_26 = vector.shape_cast %swap3A_25 : vector<16xf32> to vector<16xf32>
    %swap3A_27 = vector.shape_cast %broadcast_in_dim3A_23 : vector<16xf32> to vector<16xf32>
    tpu.vector_store %arg6[%swap3A_24], %swap3A_27 {strides = array<i32>} : memref<128xf32, #tpu.memory_space<vmem>>, vector<16xf32>,
    %broadcast_in_dim3A_28 = arith.constant 1.000000e+00 : f32
    %broadcast_in_dim3A_29 = vector.broadcast %broadcast_in_dim3A_28 : f32 to vector<16xf32>
    %swap3A_30 = arith.constant 80 : index
    %swap3A_31 = tpu.vector_load %arg6[%swap3A_30] {strides = array<i32>} : memref<128xf32, #tpu.memory_space<vmem>>, vector<16xf32>,
    %swap3A_32 = vector.shape_cast %swap3A_31 : vector<16xf32> to vector<16xf32>
    %swap3A_33 = vector.shape_cast %broadcast_in_dim3A_29 : vector<16xf32> to vector<16xf32>
    tpu.vector_store %arg6[%swap3A_30], %swap3A_33 {strides = array<i32>} : memref<128xf32, #tpu.memory_space<vmem>>, vector<16xf32>,
    %broadcast_in_dim3A_34 = arith.constant 1.000000e+00 : f32
    %broadcast_in_dim3A_35 = vector.broadcast %broadcast_in_dim3A_34 : f32 to vector<16xf32>
    %swap3A_36 = arith.constant 96 : index
    %swap3A_37 = tpu.vector_load %arg6[%swap3A_36] {strides = array<i32>} : memref<128xf32, #tpu.memory_space<vmem>>, vector<16xf32>,
    %swap3A_38 = vector.shape_cast %swap3A_37 : vector<16xf32> to vector<16xf32>
    %swap3A_39 = vector.shape_cast %broadcast_in_dim3A_35 : vector<16xf32> to vector<16xf32>
    tpu.vector_store %arg6[%swap3A_36], %swap3A_39 {strides = array<i32>} : memref<128xf32, #tpu.memory_space<vmem>>, vector<16xf32>,
    %broadcast_in_dim3A_40 = arith.constant 1.000000e+00 : f32
    %broadcast_in_dim3A_41 = vector.broadcast %broadcast_in_dim3A_40 : f32 to vector<16xf32>
    %swap3A_42 = arith.constant 112 : index
    %swap3A_43 = tpu.vector_load %arg6[%swap3A_42] {strides = array<i32>} : memref<128xf32, #tpu.memory_space<vmem>>, vector<16xf32>,
    %swap3A_44 = vector.shape_cast %swap3A_43 : vector<16xf32> to vector<16xf32>
    %swap3A_45 = vector.shape_cast %broadcast_in_dim3A_41 : vector<16xf32> to vector<16xf32>
    tpu.vector_store %arg6[%swap3A_42], %swap3A_45 {strides = array<i32>} : memref<128xf32, #tpu.memory_space<vmem>>, vector<16xf32>,
    %mul3A = arith.constant 640 : i32
    %mul3A_46 = arith.muli %arg1, %mul3A : i32
    "tpu.region"() ({
      %run_scoped3A = tpu.sem_alloc : memref<!tpu.dma_semaphore, #tpu.memory_space<semaphore_mem>>
      %dma_start3A = tpu.memref_slice %arg7[%mul3A_46] : memref<10240xf32, #tpu.memory_space<vmem_shared>> -> memref<640xf32, #tpu.memory_space<vmem_shared>>
      tpu.enqueue_dma source(%arg3 : memref<640xf32, #tpu.memory_space<hbm>>) target(%dma_start3A : memref<640xf32, #tpu.memory_space<vmem_shared>>) target_semaphore(%run_scoped3A : memref<!tpu.dma_semaphore, #tpu.memory_space<semaphore_mem>>)
      %dma_wait3A = tpu.memref_slice %arg7[%mul3A_46] : memref<10240xf32, #tpu.memory_space<vmem_shared>> -> memref<640xf32, #tpu.memory_space<vmem_shared>>
      tpu.wait_dma2 semaphore(%run_scoped3A : memref<!tpu.dma_semaphore, #tpu.memory_space<semaphore_mem>>) src(%arg3 : memref<640xf32, #tpu.memory_space<hbm>>) dst(%dma_wait3A : memref<640xf32, #tpu.memory_space<vmem_shared>>)
      tpu.yield
    }) : () -> ()
    %eq3A = arith.constant 0 : i32
    %eq3A_47 = arith.cmpi eq, %arg0, %eq3A : i32
    %jit3A = arith.constant 1 : i32
    %jit3A_48 = arith.constant 0 : i32
    %select_n3A = arith.select %eq3A_47, %jit3A, %jit3A_48 : i32
    %mul3A_49 = arith.constant 156 : i32
    %mul3A_50 = arith.muli %mul3A_49, %arg1 : i32
    %min3A = arith.constant 4 : i32
    %min3A_51 = arith.minsi %arg1, %min3A : i32
    %add3A = arith.addi %mul3A_50, %min3A_51 : i32
    %lt3A = arith.constant 4 : i32
    %lt3A_52 = arith.cmpi slt, %arg1, %lt3A : i32
    %jit3A_53 = arith.constant 157 : i32
    %jit3A_54 = arith.constant 156 : i32
    %select_n3A_55 = arith.select %lt3A_52, %jit3A_53, %jit3A_54 : i32
    %lt3A_56 = arith.constant 4 : i32
    %lt3A_57 = arith.cmpi slt, %arg1, %lt3A_56 : i32
    %convert_element_type3A = arith.extui %lt3A_57 : i1 to i32
    %cond3A = arith.constant 0 : i32
    %cond3A_58 = arith.cmpi ne, %convert_element_type3A, %cond3A : i32
    scf.if %cond3A_58 {
      "tpu.region"() ({
        %run_scoped3A = tpu.sem_alloc : memref<!tpu.dma_semaphore, #tpu.memory_space<semaphore_mem>>
        %dma_start3A = arith.constant 0 : i32
        %dma_start3A_79 = tpu.memref_slice %arg2[%select_n3A, %add3A, %dma_start3A] : memref<2x2500x128xi32, #tpu.memory_space<hbm>> -> memref<1x157x128xi32, #tpu.memory_space<hbm>>
        %dma_start3A_80 = tpu.memref_squeeze %dma_start3A_79 : memref<1x157x128xi32, #tpu.memory_space<hbm>> -> memref<157x128xi32, #tpu.memory_space<hbm>>
        %dma_start3A_81 = arith.constant 0 : i32
        %dma_start3A_82 = tpu.memref_slice %arg2[%select_n3A, %add3A, %dma_start3A_81] : memref<2x2500x128xi32, #tpu.memory_space<hbm>> -> memref<1x157x128xi32, #tpu.memory_space<hbm>>
        %dma_start3A_83 = tpu.memref_squeeze %dma_start3A_82 : memref<1x157x128xi32, #tpu.memory_space<hbm>> -> memref<157x128xi32, #tpu.memory_space<hbm>>
        tpu.enqueue_dma source(%dma_start3A_83 : memref<157x128xi32, #tpu.memory_space<hbm>>) target(%arg5 : memref<157x128xi32, #tpu.memory_space<vmem>>) target_semaphore(%run_scoped3A : memref<!tpu.dma_semaphore, #tpu.memory_space<semaphore_mem>>)
        %dma_wait3A = arith.constant 0 : i32
        %dma_wait3A_84 = tpu.memref_slice %arg2[%select_n3A, %add3A, %dma_wait3A] : memref<2x2500x128xi32, #tpu.memory_space<hbm>> -> memref<1x157x128xi32, #tpu.memory_space<hbm>>
        %dma_wait3A_85 = tpu.memref_squeeze %dma_wait3A_84 : memref<1x157x128xi32, #tpu.memory_space<hbm>> -> memref<157x128xi32, #tpu.memory_space<hbm>>
        %dma_wait3A_86 = arith.constant 0 : i32
        %dma_wait3A_87 = tpu.memref_slice %arg2[%select_n3A, %add3A, %dma_wait3A_86] : memref<2x2500x128xi32, #tpu.memory_space<hbm>> -> memref<1x157x128xi32, #tpu.memory_space<hbm>>
        %dma_wait3A_88 = tpu.memref_squeeze %dma_wait3A_87 : memref<1x157x128xi32, #tpu.memory_space<hbm>> -> memref<157x128xi32, #tpu.memory_space<hbm>>
        tpu.wait_dma2 semaphore(%run_scoped3A : memref<!tpu.dma_semaphore, #tpu.memory_space<semaphore_mem>>) src(%dma_wait3A_88 : memref<157x128xi32, #tpu.memory_space<hbm>>) dst(%arg5 : memref<157x128xi32, #tpu.memory_space<vmem>>)
        tpu.yield
      }) : () -> ()
    } else {
    }
    %ge3A = arith.constant 4 : i32
    %ge3A_59 = arith.cmpi sge, %arg1, %ge3A : i32
    %convert_element_type3A_60 = arith.extui %ge3A_59 : i1 to i32
    %cond3A_61 = arith.constant 0 : i32
    %cond3A_62 = arith.cmpi ne, %convert_element_type3A_60, %cond3A_61 : i32
    scf.if %cond3A_62 {
      "tpu.region"() ({
        %run_scoped3A = tpu.sem_alloc : memref<!tpu.dma_semaphore, #tpu.memory_space<semaphore_mem>>
        %dma_start3A = arith.constant 0 : i32
        %dma_start3A_79 = arith.constant 0 : i32
        %dma_start3A_80 = tpu.memref_slice %arg5[%dma_start3A, %dma_start3A_79] : memref<157x128xi32, #tpu.memory_space<vmem>> -> memref<156x128xi32, #tpu.memory_space<vmem>>
        %dma_start3A_81 = arith.constant 0 : i32
        %dma_start3A_82 = tpu.memref_slice %arg2[%select_n3A, %add3A, %dma_start3A_81] : memref<2x2500x128xi32, #tpu.memory_space<hbm>> -> memref<1x156x128xi32, #tpu.memory_space<hbm>>
        %dma_start3A_83 = tpu.memref_squeeze %dma_start3A_82 : memref<1x156x128xi32, #tpu.memory_space<hbm>> -> memref<156x128xi32, #tpu.memory_space<hbm>>
        %dma_start3A_84 = arith.constant 0 : i32
        %dma_start3A_85 = arith.constant 0 : i32
        %dma_start3A_86 = tpu.memref_slice %arg5[%dma_start3A_84, %dma_start3A_85] : memref<157x128xi32, #tpu.memory_space<vmem>> -> memref<156x128xi32, #tpu.memory_space<vmem>>
        %dma_start3A_87 = arith.constant 0 : i32
        %dma_start3A_88 = tpu.memref_slice %arg2[%select_n3A, %add3A, %dma_start3A_87] : memref<2x2500x128xi32, #tpu.memory_space<hbm>> -> memref<1x156x128xi32, #tpu.memory_space<hbm>>
        %dma_start3A_89 = tpu.memref_squeeze %dma_start3A_88 : memref<1x156x128xi32, #tpu.memory_space<hbm>> -> memref<156x128xi32, #tpu.memory_space<hbm>>
        tpu.enqueue_dma source(%dma_start3A_89 : memref<156x128xi32, #tpu.memory_space<hbm>>) target(%dma_start3A_86 : memref<156x128xi32, #tpu.memory_space<vmem>>) target_semaphore(%run_scoped3A : memref<!tpu.dma_semaphore, #tpu.memory_space<semaphore_mem>>)
        %dma_wait3A = arith.constant 0 : i32
        %dma_wait3A_90 = arith.constant 0 : i32
        %dma_wait3A_91 = tpu.memref_slice %arg5[%dma_wait3A, %dma_wait3A_90] : memref<157x128xi32, #tpu.memory_space<vmem>> -> memref<156x128xi32, #tpu.memory_space<vmem>>
        %dma_wait3A_92 = arith.constant 0 : i32
        %dma_wait3A_93 = tpu.memref_slice %arg2[%select_n3A, %add3A, %dma_wait3A_92] : memref<2x2500x128xi32, #tpu.memory_space<hbm>> -> memref<1x156x128xi32, #tpu.memory_space<hbm>>
        %dma_wait3A_94 = tpu.memref_squeeze %dma_wait3A_93 : memref<1x156x128xi32, #tpu.memory_space<hbm>> -> memref<156x128xi32, #tpu.memory_space<hbm>>
        %dma_wait3A_95 = arith.constant 0 : i32
        %dma_wait3A_96 = arith.constant 0 : i32
        %dma_wait3A_97 = tpu.memref_slice %arg5[%dma_wait3A_95, %dma_wait3A_96] : memref<157x128xi32, #tpu.memory_space<vmem>> -> memref<156x128xi32, #tpu.memory_space<vmem>>
        %dma_wait3A_98 = arith.constant 0 : i32
        %dma_wait3A_99 = tpu.memref_slice %arg2[%select_n3A, %add3A, %dma_wait3A_98] : memref<2x2500x128xi32, #tpu.memory_space<hbm>> -> memref<1x156x128xi32, #tpu.memory_space<hbm>>
        %dma_wait3A_100 = tpu.memref_squeeze %dma_wait3A_99 : memref<1x156x128xi32, #tpu.memory_space<hbm>> -> memref<156x128xi32, #tpu.memory_space<hbm>>
        tpu.wait_dma2 semaphore(%run_scoped3A : memref<!tpu.dma_semaphore, #tpu.memory_space<semaphore_mem>>) src(%dma_wait3A_100 : memref<156x128xi32, #tpu.memory_space<hbm>>) dst(%dma_wait3A_97 : memref<156x128xi32, #tpu.memory_space<vmem>>)
        tpu.yield
      }) : () -> ()
    } else {
    }
    %barrier3A = arith.constant 0 : index
    tpu.barrier barrier_id(%barrier3A)
    %scan3A = arith.constant 0 : i32
    %scan3A_63 = arith.constant 0 : i32
    %scan3A_64 = arith.constant 157 : i32
    %scan3A_65 = arith.addi %scan3A_63, %scan3A_64 : i32
    %scan3A_66 = arith.constant 1 : i32
    scf.for %scan3A_79 = %scan3A_63 to %scan3A_65 step %scan3A_66  : i32 {
      %lt3A_80 = arith.cmpi slt, %scan3A_79, %select_n3A_55 : i32
      %convert_element_type3A_81 = arith.extui %lt3A_80 : i1 to i32
      %cond3A_82 = arith.constant 0 : i32
      %cond3A_83 = arith.cmpi ne, %convert_element_type3A_81, %cond3A_82 : i32
      scf.if %cond3A_83 {
        %dma_start3A = arith.constant 0 : i32
        %dma_start3A_84 = tpu.memref_slice %arg5[%scan3A_79, %dma_start3A] : memref<157x128xi32, #tpu.memory_space<vmem>> -> memref<1x128xi32, #tpu.memory_space<vmem>>
        %dma_start3A_85 = tpu.memref_squeeze %dma_start3A_84 : memref<1x128xi32, #tpu.memory_space<vmem>> -> memref<128xi32, #tpu.memory_space<vmem>>
        %dma_start3A_86 = arith.constant 0 : i32
        %dma_start3A_87 = tpu.memref_slice %arg7[%dma_start3A_86] : memref<10240xf32, #tpu.memory_space<vmem_shared>> -> memref<10240xf32, #tpu.memory_space<vmem_shared>>
        tpu.enqueue_indirect_dma source(%arg6 : memref<128xf32, #tpu.memory_space<vmem>>) target(%dma_start3A_87 : memref<10240xf32, #tpu.memory_space<vmem_shared>>) offsets(%dma_start3A_85 : memref<128xi32, #tpu.memory_space<vmem>>) semaphore(%arg8 : memref<!tpu.dma_semaphore, #tpu.memory_space<semaphore_mem>>) {add = true}
      } else {
      }
    }
    %scan3A_67 = arith.constant 157 : i32
    %scan3A_68 = arith.constant 0 : i32
    %scan3A_69 = arith.constant 0 : i32
    %scan3A_70 = arith.constant 157 : i32
    %scan3A_71 = arith.addi %scan3A_69, %scan3A_70 : i32
    %scan3A_72 = arith.constant 1 : i32
    scf.for %scan3A_79 = %scan3A_69 to %scan3A_71 step %scan3A_72  : i32 {
      %lt3A_80 = arith.cmpi slt, %scan3A_79, %select_n3A_55 : i32
      %convert_element_type3A_81 = arith.extui %lt3A_80 : i1 to i32
      %cond3A_82 = arith.constant 0 : i32
      %cond3A_83 = arith.cmpi ne, %convert_element_type3A_81, %cond3A_82 : i32
      scf.if %cond3A_83 {
        %dma_wait3A = arith.constant 0 : i32
        %dma_wait3A_84 = tpu.memref_slice %arg5[%scan3A_79, %dma_wait3A] : memref<157x128xi32, #tpu.memory_space<vmem>> -> memref<1x128xi32, #tpu.memory_space<vmem>>
        %dma_wait3A_85 = tpu.memref_squeeze %dma_wait3A_84 : memref<1x128xi32, #tpu.memory_space<vmem>> -> memref<128xi32, #tpu.memory_space<vmem>>
        %dma_wait3A_86 = arith.constant 0 : i32
        %dma_wait3A_87 = tpu.memref_slice %arg7[%dma_wait3A_86] : memref<10240xf32, #tpu.memory_space<vmem_shared>> -> memref<10240xf32, #tpu.memory_space<vmem_shared>>
        tpu.wait_indirect_dma semaphore(%arg8 : memref<!tpu.dma_semaphore, #tpu.memory_space<semaphore_mem>>) src(%arg6 : memref<128xf32, #tpu.memory_space<vmem>>) dst(%dma_wait3A_87 : memref<10240xf32, #tpu.memory_space<vmem_shared>>)
      } else {
      }
    }
    %scan3A_73 = arith.constant 157 : i32
    %barrier3A_74 = arith.constant 0 : index
    tpu.barrier barrier_id(%barrier3A_74)
    %mul3A_75 = arith.constant 640 : i32
    %mul3A_76 = arith.muli %arg1, %mul3A_75 : i32
    %mul3A_77 = arith.constant 640 : i32
    %mul3A_78 = arith.muli %arg1, %mul3A_77 : i32
    "tpu.region"() ({
      %run_scoped3A = tpu.sem_alloc : memref<!tpu.dma_semaphore, #tpu.memory_space<semaphore_mem>>
      %dma_start3A = tpu.memref_slice %arg4[%arg0, %mul3A_78] : memref<2x10240xf32, #tpu.memory_space<hbm>> -> memref<1x640xf32, #tpu.memory_space<hbm>>
      %dma_start3A_79 = tpu.memref_squeeze %dma_start3A : memref<1x640xf32, #tpu.memory_space<hbm>> -> memref<640xf32, #tpu.memory_space<hbm>>
      %dma_start3A_80 = tpu.memref_slice %arg7[%mul3A_76] : memref<10240xf32, #tpu.memory_space<vmem_shared>> -> memref<640xf32, #tpu.memory_space<vmem_shared>>
      tpu.enqueue_dma source(%dma_start3A_80 : memref<640xf32, #tpu.memory_space<vmem_shared>>) target(%dma_start3A_79 : memref<640xf32, #tpu.memory_space<hbm>>) target_semaphore(%run_scoped3A : memref<!tpu.dma_semaphore, #tpu.memory_space<semaphore_mem>>)
      %dma_wait3A = tpu.memref_slice %arg4[%arg0, %mul3A_78] : memref<2x10240xf32, #tpu.memory_space<hbm>> -> memref<1x640xf32, #tpu.memory_space<hbm>>
      %dma_wait3A_81 = tpu.memref_squeeze %dma_wait3A : memref<1x640xf32, #tpu.memory_space<hbm>> -> memref<640xf32, #tpu.memory_space<hbm>>
      %dma_wait3A_82 = tpu.memref_slice %arg7[%mul3A_76] : memref<10240xf32, #tpu.memory_space<vmem_shared>> -> memref<640xf32, #tpu.memory_space<vmem_shared>>
      tpu.wait_dma2 semaphore(%run_scoped3A : memref<!tpu.dma_semaphore, #tpu.memory_space<semaphore_mem>>) src(%dma_wait3A_82 : memref<640xf32, #tpu.memory_space<vmem_shared>>) dst(%dma_wait3A_81 : memref<640xf32, #tpu.memory_space<hbm>>)
      tpu.yield
    }) : () -> ()
    return
  }
}

#map = affine_map<(d0, d1) -> (0, 0)>
#map1 = affine_map<(d0, d1) -> (0, 0, 0)>
module attributes {stable_mosaic.version = 14 : i64} {
  func.func @_prop_gather_body(%arg0: i32, %arg1: i32, %arg2: memref<10240x16xf32, #tpu.memory_space<hbm>>, %arg3: memref<2x2500x128xi32, #tpu.memory_space<hbm>>, %arg4: memref<640x16xf32, #tpu.memory_space<hbm>>, %arg5: memref<10240x16xf32, #tpu.memory_space<hbm>>, %arg6: memref<16x64xi32, #tpu.memory_space<hbm>>, %arg7: memref<2x1024x16xf32, #tpu.memory_space<hbm>>, %arg8: memref<1024x16xf32, #tpu.memory_space<hbm>>, %arg9: memref<80x128xi32, #tpu.memory_space<vmem>>, %arg10: memref<80x128xi32, #tpu.memory_space<vmem>>, %arg11: memref<128x16xf32, #tpu.memory_space<vmem>>, %arg12: memref<128x16xf32, #tpu.memory_space<vmem>>, %arg13: memref<128x16xf32, #tpu.memory_space<vmem>>, %arg14: memref<128x16xf32, #tpu.memory_space<vmem>>, %arg15: memref<128x16xf32, #tpu.memory_space<vmem>>, %arg16: memref<128x16xf32, #tpu.memory_space<vmem>>, %arg17: memref<128x16xf32, #tpu.memory_space<vmem>>, %arg18: memref<128x16xf32, #tpu.memory_space<vmem>>, %arg19: memref<10240x16xf32, #tpu.memory_space<vmem_shared>>, %arg20: memref<64xi32, #tpu.memory_space<vmem>>, %arg21: memref<64x16xf32, #tpu.memory_space<vmem>>, %arg22: memref<64x16xf32, #tpu.memory_space<vmem>>, %arg23: memref<!tpu.dma_semaphore, #tpu.memory_space<semaphore_mem>>, %arg24: memref<!tpu.dma_semaphore, #tpu.memory_space<semaphore_mem>>, %arg25: memref<!tpu.dma_semaphore, #tpu.memory_space<semaphore_mem>>, %arg26: memref<!tpu.dma_semaphore, #tpu.memory_space<semaphore_mem>>, %arg27: memref<!tpu.dma_semaphore, #tpu.memory_space<semaphore_mem>>, %arg28: memref<!tpu.dma_semaphore, #tpu.memory_space<semaphore_mem>>, %arg29: memref<!tpu.dma_semaphore, #tpu.memory_space<semaphore_mem>>, %arg30: memref<!tpu.dma_semaphore, #tpu.memory_space<semaphore_mem>>) attributes {dimension_semantics = [#tpu.dimension_semantics<core_parallel>, #tpu.dimension_semantics<subcore_parallel>], iteration_bounds = array<i64: 2, 16>, scalar_prefetch = 0 : i64, scratch_operands = 22 : i64, tpu.core_type = #tpu.core_type<sc_vector_subcore>, window_params = [{transform_indices = #map}, {transform_indices = #map1}, {transform_indices = #map}, {transform_indices = #map}, {transform_indices = #map}, {transform_indices = #map1}, {transform_indices = #map}]} {
    %mul3A = arith.constant 16 : i32
    %mul3A_0 = arith.muli %arg0, %mul3A : i32
    %add3A = arith.addi %mul3A_0, %arg1 : i32
    %mul3A_1 = arith.constant 640 : i32
    %mul3A_2 = arith.muli %arg1, %mul3A_1 : i32
    "tpu.region"() ({
      %run_scoped3A = tpu.sem_alloc : memref<!tpu.dma_semaphore, #tpu.memory_space<semaphore_mem>>
      %dma_start3A_92 = arith.constant 0 : i32
      %dma_start3A_93 = tpu.memref_slice %arg19[%mul3A_2, %dma_start3A_92] : memref<10240x16xf32, #tpu.memory_space<vmem_shared>> -> memref<640x16xf32, #tpu.memory_space<vmem_shared>>
      tpu.enqueue_dma source(%arg4 : memref<640x16xf32, #tpu.memory_space<hbm>>) target(%dma_start3A_93 : memref<640x16xf32, #tpu.memory_space<vmem_shared>>) target_semaphore(%run_scoped3A : memref<!tpu.dma_semaphore, #tpu.memory_space<semaphore_mem>>)
      %dma_wait3A_94 = arith.constant 0 : i32
      %dma_wait3A_95 = tpu.memref_slice %arg19[%mul3A_2, %dma_wait3A_94] : memref<10240x16xf32, #tpu.memory_space<vmem_shared>> -> memref<640x16xf32, #tpu.memory_space<vmem_shared>>
      tpu.wait_dma2 semaphore(%run_scoped3A : memref<!tpu.dma_semaphore, #tpu.memory_space<semaphore_mem>>) src(%arg4 : memref<640x16xf32, #tpu.memory_space<hbm>>) dst(%dma_wait3A_95 : memref<640x16xf32, #tpu.memory_space<vmem_shared>>)
      tpu.yield
    }) : () -> ()
    %min3A = arith.constant 17 : i32
    %min3A_3 = arith.minsi %add3A, %min3A : i32
    %mul3A_4 = arith.constant 80 : i32
    %mul3A_5 = arith.muli %mul3A_4, %min3A_3 : i32
    %sub3A = arith.constant 17 : i32
    %sub3A_6 = arith.subi %add3A, %sub3A : i32
    %max3A = arith.constant 0 : i32
    %max3A_7 = arith.maxsi %sub3A_6, %max3A : i32
    %mul3A_8 = arith.constant 76 : i32
    %mul3A_9 = arith.muli %mul3A_8, %max3A_7 : i32
    %add3A_10 = arith.addi %mul3A_5, %mul3A_9 : i32
    %lt3A = arith.constant 17 : i32
    %lt3A_11 = arith.cmpi slt, %add3A, %lt3A : i32
    %jit3A = arith.constant 80 : i32
    %jit3A_12 = arith.constant 76 : i32
    %select_n3A = arith.select %lt3A_11, %jit3A, %jit3A_12 : i32
    %lt3A_13 = arith.constant 17 : i32
    %lt3A_14 = arith.cmpi slt, %add3A, %lt3A_13 : i32
    %convert_element_type3A = arith.extui %lt3A_14 : i1 to i32
    %cond3A = arith.constant 0 : i32
    %cond3A_15 = arith.cmpi ne, %convert_element_type3A, %cond3A : i32
    scf.if %cond3A_15 {
      %run_scoped3A = arith.constant 0 : i32
      "tpu.region"() ({
        %run_scoped3A_93 = tpu.sem_alloc : memref<!tpu.dma_semaphore, #tpu.memory_space<semaphore_mem>>
        %dma_start3A_94 = arith.constant 0 : i32
        %dma_start3A_95 = tpu.memref_slice %arg3[%run_scoped3A, %add3A_10, %dma_start3A_94] : memref<2x2500x128xi32, #tpu.memory_space<hbm>> -> memref<1x80x128xi32, #tpu.memory_space<hbm>>
        %dma_start3A_96 = tpu.memref_squeeze %dma_start3A_95 : memref<1x80x128xi32, #tpu.memory_space<hbm>> -> memref<80x128xi32, #tpu.memory_space<hbm>>
        %dma_start3A_97 = arith.constant 0 : i32
        %dma_start3A_98 = tpu.memref_slice %arg3[%run_scoped3A, %add3A_10, %dma_start3A_97] : memref<2x2500x128xi32, #tpu.memory_space<hbm>> -> memref<1x80x128xi32, #tpu.memory_space<hbm>>
        %dma_start3A_99 = tpu.memref_squeeze %dma_start3A_98 : memref<1x80x128xi32, #tpu.memory_space<hbm>> -> memref<80x128xi32, #tpu.memory_space<hbm>>
        tpu.enqueue_dma source(%dma_start3A_99 : memref<80x128xi32, #tpu.memory_space<hbm>>) target(%arg9 : memref<80x128xi32, #tpu.memory_space<vmem>>) target_semaphore(%run_scoped3A_93 : memref<!tpu.dma_semaphore, #tpu.memory_space<semaphore_mem>>)
        %dma_wait3A_100 = arith.constant 0 : i32
        %dma_wait3A_101 = tpu.memref_slice %arg3[%run_scoped3A, %add3A_10, %dma_wait3A_100] : memref<2x2500x128xi32, #tpu.memory_space<hbm>> -> memref<1x80x128xi32, #tpu.memory_space<hbm>>
        %dma_wait3A_102 = tpu.memref_squeeze %dma_wait3A_101 : memref<1x80x128xi32, #tpu.memory_space<hbm>> -> memref<80x128xi32, #tpu.memory_space<hbm>>
        %dma_wait3A_103 = arith.constant 0 : i32
        %dma_wait3A_104 = tpu.memref_slice %arg3[%run_scoped3A, %add3A_10, %dma_wait3A_103] : memref<2x2500x128xi32, #tpu.memory_space<hbm>> -> memref<1x80x128xi32, #tpu.memory_space<hbm>>
        %dma_wait3A_105 = tpu.memref_squeeze %dma_wait3A_104 : memref<1x80x128xi32, #tpu.memory_space<hbm>> -> memref<80x128xi32, #tpu.memory_space<hbm>>
        tpu.wait_dma2 semaphore(%run_scoped3A_93 : memref<!tpu.dma_semaphore, #tpu.memory_space<semaphore_mem>>) src(%dma_wait3A_105 : memref<80x128xi32, #tpu.memory_space<hbm>>) dst(%arg9 : memref<80x128xi32, #tpu.memory_space<vmem>>)
        tpu.yield
      }) : () -> ()
      %run_scoped3A_92 = arith.constant 1 : i32
      "tpu.region"() ({
        %run_scoped3A_93 = tpu.sem_alloc : memref<!tpu.dma_semaphore, #tpu.memory_space<semaphore_mem>>
        %dma_start3A_94 = arith.constant 0 : i32
        %dma_start3A_95 = tpu.memref_slice %arg3[%run_scoped3A_92, %add3A_10, %dma_start3A_94] : memref<2x2500x128xi32, #tpu.memory_space<hbm>> -> memref<1x80x128xi32, #tpu.memory_space<hbm>>
        %dma_start3A_96 = tpu.memref_squeeze %dma_start3A_95 : memref<1x80x128xi32, #tpu.memory_space<hbm>> -> memref<80x128xi32, #tpu.memory_space<hbm>>
        %dma_start3A_97 = arith.constant 0 : i32
        %dma_start3A_98 = tpu.memref_slice %arg3[%run_scoped3A_92, %add3A_10, %dma_start3A_97] : memref<2x2500x128xi32, #tpu.memory_space<hbm>> -> memref<1x80x128xi32, #tpu.memory_space<hbm>>
        %dma_start3A_99 = tpu.memref_squeeze %dma_start3A_98 : memref<1x80x128xi32, #tpu.memory_space<hbm>> -> memref<80x128xi32, #tpu.memory_space<hbm>>
        tpu.enqueue_dma source(%dma_start3A_99 : memref<80x128xi32, #tpu.memory_space<hbm>>) target(%arg10 : memref<80x128xi32, #tpu.memory_space<vmem>>) target_semaphore(%run_scoped3A_93 : memref<!tpu.dma_semaphore, #tpu.memory_space<semaphore_mem>>)
        %dma_wait3A_100 = arith.constant 0 : i32
        %dma_wait3A_101 = tpu.memref_slice %arg3[%run_scoped3A_92, %add3A_10, %dma_wait3A_100] : memref<2x2500x128xi32, #tpu.memory_space<hbm>> -> memref<1x80x128xi32, #tpu.memory_space<hbm>>
        %dma_wait3A_102 = tpu.memref_squeeze %dma_wait3A_101 : memref<1x80x128xi32, #tpu.memory_space<hbm>> -> memref<80x128xi32, #tpu.memory_space<hbm>>
        %dma_wait3A_103 = arith.constant 0 : i32
        %dma_wait3A_104 = tpu.memref_slice %arg3[%run_scoped3A_92, %add3A_10, %dma_wait3A_103] : memref<2x2500x128xi32, #tpu.memory_space<hbm>> -> memref<1x80x128xi32, #tpu.memory_space<hbm>>
        %dma_wait3A_105 = tpu.memref_squeeze %dma_wait3A_104 : memref<1x80x128xi32, #tpu.memory_space<hbm>> -> memref<80x128xi32, #tpu.memory_space<hbm>>
        tpu.wait_dma2 semaphore(%run_scoped3A_93 : memref<!tpu.dma_semaphore, #tpu.memory_space<semaphore_mem>>) src(%dma_wait3A_105 : memref<80x128xi32, #tpu.memory_space<hbm>>) dst(%arg10 : memref<80x128xi32, #tpu.memory_space<vmem>>)
        tpu.yield
      }) : () -> ()
    } else {
    }
    %ge3A = arith.constant 17 : i32
    %ge3A_16 = arith.cmpi sge, %add3A, %ge3A : i32
    %convert_element_type3A_17 = arith.extui %ge3A_16 : i1 to i32
    %cond3A_18 = arith.constant 0 : i32
    %cond3A_19 = arith.cmpi ne, %convert_element_type3A_17, %cond3A_18 : i32
    scf.if %cond3A_19 {
      %run_scoped3A = arith.constant 0 : i32
      "tpu.region"() ({
        %run_scoped3A_93 = tpu.sem_alloc : memref<!tpu.dma_semaphore, #tpu.memory_space<semaphore_mem>>
        %dma_start3A_94 = arith.constant 0 : i32
        %dma_start3A_95 = arith.constant 0 : i32
        %dma_start3A_96 = tpu.memref_slice %arg9[%dma_start3A_94, %dma_start3A_95] : memref<80x128xi32, #tpu.memory_space<vmem>> -> memref<76x128xi32, #tpu.memory_space<vmem>>
        %dma_start3A_97 = arith.constant 0 : i32
        %dma_start3A_98 = tpu.memref_slice %arg3[%run_scoped3A, %add3A_10, %dma_start3A_97] : memref<2x2500x128xi32, #tpu.memory_space<hbm>> -> memref<1x76x128xi32, #tpu.memory_space<hbm>>
        %dma_start3A_99 = tpu.memref_squeeze %dma_start3A_98 : memref<1x76x128xi32, #tpu.memory_space<hbm>> -> memref<76x128xi32, #tpu.memory_space<hbm>>
        %dma_start3A_100 = arith.constant 0 : i32
        %dma_start3A_101 = arith.constant 0 : i32
        %dma_start3A_102 = tpu.memref_slice %arg9[%dma_start3A_100, %dma_start3A_101] : memref<80x128xi32, #tpu.memory_space<vmem>> -> memref<76x128xi32, #tpu.memory_space<vmem>>
        %dma_start3A_103 = arith.constant 0 : i32
        %dma_start3A_104 = tpu.memref_slice %arg3[%run_scoped3A, %add3A_10, %dma_start3A_103] : memref<2x2500x128xi32, #tpu.memory_space<hbm>> -> memref<1x76x128xi32, #tpu.memory_space<hbm>>
        %dma_start3A_105 = tpu.memref_squeeze %dma_start3A_104 : memref<1x76x128xi32, #tpu.memory_space<hbm>> -> memref<76x128xi32, #tpu.memory_space<hbm>>
        tpu.enqueue_dma source(%dma_start3A_105 : memref<76x128xi32, #tpu.memory_space<hbm>>) target(%dma_start3A_102 : memref<76x128xi32, #tpu.memory_space<vmem>>) target_semaphore(%run_scoped3A_93 : memref<!tpu.dma_semaphore, #tpu.memory_space<semaphore_mem>>)
        %dma_wait3A_106 = arith.constant 0 : i32
        %dma_wait3A_107 = arith.constant 0 : i32
        %dma_wait3A_108 = tpu.memref_slice %arg9[%dma_wait3A_106, %dma_wait3A_107] : memref<80x128xi32, #tpu.memory_space<vmem>> -> memref<76x128xi32, #tpu.memory_space<vmem>>
        %dma_wait3A_109 = arith.constant 0 : i32
        %dma_wait3A_110 = tpu.memref_slice %arg3[%run_scoped3A, %add3A_10, %dma_wait3A_109] : memref<2x2500x128xi32, #tpu.memory_space<hbm>> -> memref<1x76x128xi32, #tpu.memory_space<hbm>>
        %dma_wait3A_111 = tpu.memref_squeeze %dma_wait3A_110 : memref<1x76x128xi32, #tpu.memory_space<hbm>> -> memref<76x128xi32, #tpu.memory_space<hbm>>
        %dma_wait3A_112 = arith.constant 0 : i32
        %dma_wait3A_113 = arith.constant 0 : i32
        %dma_wait3A_114 = tpu.memref_slice %arg9[%dma_wait3A_112, %dma_wait3A_113] : memref<80x128xi32, #tpu.memory_space<vmem>> -> memref<76x128xi32, #tpu.memory_space<vmem>>
        %dma_wait3A_115 = arith.constant 0 : i32
        %dma_wait3A_116 = tpu.memref_slice %arg3[%run_scoped3A, %add3A_10, %dma_wait3A_115] : memref<2x2500x128xi32, #tpu.memory_space<hbm>> -> memref<1x76x128xi32, #tpu.memory_space<hbm>>
        %dma_wait3A_117 = tpu.memref_squeeze %dma_wait3A_116 : memref<1x76x128xi32, #tpu.memory_space<hbm>> -> memref<76x128xi32, #tpu.memory_space<hbm>>
        tpu.wait_dma2 semaphore(%run_scoped3A_93 : memref<!tpu.dma_semaphore, #tpu.memory_space<semaphore_mem>>) src(%dma_wait3A_117 : memref<76x128xi32, #tpu.memory_space<hbm>>) dst(%dma_wait3A_114 : memref<76x128xi32, #tpu.memory_space<vmem>>)
        tpu.yield
      }) : () -> ()
      %run_scoped3A_92 = arith.constant 1 : i32
      "tpu.region"() ({
        %run_scoped3A_93 = tpu.sem_alloc : memref<!tpu.dma_semaphore, #tpu.memory_space<semaphore_mem>>
        %dma_start3A_94 = arith.constant 0 : i32
        %dma_start3A_95 = arith.constant 0 : i32
        %dma_start3A_96 = tpu.memref_slice %arg10[%dma_start3A_94, %dma_start3A_95] : memref<80x128xi32, #tpu.memory_space<vmem>> -> memref<76x128xi32, #tpu.memory_space<vmem>>
        %dma_start3A_97 = arith.constant 0 : i32
        %dma_start3A_98 = tpu.memref_slice %arg3[%run_scoped3A_92, %add3A_10, %dma_start3A_97] : memref<2x2500x128xi32, #tpu.memory_space<hbm>> -> memref<1x76x128xi32, #tpu.memory_space<hbm>>
        %dma_start3A_99 = tpu.memref_squeeze %dma_start3A_98 : memref<1x76x128xi32, #tpu.memory_space<hbm>> -> memref<76x128xi32, #tpu.memory_space<hbm>>
        %dma_start3A_100 = arith.constant 0 : i32
        %dma_start3A_101 = arith.constant 0 : i32
        %dma_start3A_102 = tpu.memref_slice %arg10[%dma_start3A_100, %dma_start3A_101] : memref<80x128xi32, #tpu.memory_space<vmem>> -> memref<76x128xi32, #tpu.memory_space<vmem>>
        %dma_start3A_103 = arith.constant 0 : i32
        %dma_start3A_104 = tpu.memref_slice %arg3[%run_scoped3A_92, %add3A_10, %dma_start3A_103] : memref<2x2500x128xi32, #tpu.memory_space<hbm>> -> memref<1x76x128xi32, #tpu.memory_space<hbm>>
        %dma_start3A_105 = tpu.memref_squeeze %dma_start3A_104 : memref<1x76x128xi32, #tpu.memory_space<hbm>> -> memref<76x128xi32, #tpu.memory_space<hbm>>
        tpu.enqueue_dma source(%dma_start3A_105 : memref<76x128xi32, #tpu.memory_space<hbm>>) target(%dma_start3A_102 : memref<76x128xi32, #tpu.memory_space<vmem>>) target_semaphore(%run_scoped3A_93 : memref<!tpu.dma_semaphore, #tpu.memory_space<semaphore_mem>>)
        %dma_wait3A_106 = arith.constant 0 : i32
        %dma_wait3A_107 = arith.constant 0 : i32
        %dma_wait3A_108 = tpu.memref_slice %arg10[%dma_wait3A_106, %dma_wait3A_107] : memref<80x128xi32, #tpu.memory_space<vmem>> -> memref<76x128xi32, #tpu.memory_space<vmem>>
        %dma_wait3A_109 = arith.constant 0 : i32
        %dma_wait3A_110 = tpu.memref_slice %arg3[%run_scoped3A_92, %add3A_10, %dma_wait3A_109] : memref<2x2500x128xi32, #tpu.memory_space<hbm>> -> memref<1x76x128xi32, #tpu.memory_space<hbm>>
        %dma_wait3A_111 = tpu.memref_squeeze %dma_wait3A_110 : memref<1x76x128xi32, #tpu.memory_space<hbm>> -> memref<76x128xi32, #tpu.memory_space<hbm>>
        %dma_wait3A_112 = arith.constant 0 : i32
        %dma_wait3A_113 = arith.constant 0 : i32
        %dma_wait3A_114 = tpu.memref_slice %arg10[%dma_wait3A_112, %dma_wait3A_113] : memref<80x128xi32, #tpu.memory_space<vmem>> -> memref<76x128xi32, #tpu.memory_space<vmem>>
        %dma_wait3A_115 = arith.constant 0 : i32
        %dma_wait3A_116 = tpu.memref_slice %arg3[%run_scoped3A_92, %add3A_10, %dma_wait3A_115] : memref<2x2500x128xi32, #tpu.memory_space<hbm>> -> memref<1x76x128xi32, #tpu.memory_space<hbm>>
        %dma_wait3A_117 = tpu.memref_squeeze %dma_wait3A_116 : memref<1x76x128xi32, #tpu.memory_space<hbm>> -> memref<76x128xi32, #tpu.memory_space<hbm>>
        tpu.wait_dma2 semaphore(%run_scoped3A_93 : memref<!tpu.dma_semaphore, #tpu.memory_space<semaphore_mem>>) src(%dma_wait3A_117 : memref<76x128xi32, #tpu.memory_space<hbm>>) dst(%dma_wait3A_114 : memref<76x128xi32, #tpu.memory_space<vmem>>)
        tpu.yield
      }) : () -> ()
    } else {
    }
    "tpu.region"() ({
      %run_scoped3A = tpu.sem_alloc : memref<!tpu.dma_semaphore, #tpu.memory_space<semaphore_mem>>
      %dma_start3A_92 = arith.constant 0 : i32
      %dma_start3A_93 = tpu.memref_slice %arg6[%arg1, %dma_start3A_92] : memref<16x64xi32, #tpu.memory_space<hbm>> -> memref<1x64xi32, #tpu.memory_space<hbm>>
      %dma_start3A_94 = tpu.memref_squeeze %dma_start3A_93 : memref<1x64xi32, #tpu.memory_space<hbm>> -> memref<64xi32, #tpu.memory_space<hbm>>
      %dma_start3A_95 = arith.constant 0 : i32
      %dma_start3A_96 = tpu.memref_slice %arg6[%arg1, %dma_start3A_95] : memref<16x64xi32, #tpu.memory_space<hbm>> -> memref<1x64xi32, #tpu.memory_space<hbm>>
      %dma_start3A_97 = tpu.memref_squeeze %dma_start3A_96 : memref<1x64xi32, #tpu.memory_space<hbm>> -> memref<64xi32, #tpu.memory_space<hbm>>
      tpu.enqueue_dma source(%dma_start3A_97 : memref<64xi32, #tpu.memory_space<hbm>>) target(%arg20 : memref<64xi32, #tpu.memory_space<vmem>>) target_semaphore(%run_scoped3A : memref<!tpu.dma_semaphore, #tpu.memory_space<semaphore_mem>>)
      %dma_wait3A_98 = arith.constant 0 : i32
      %dma_wait3A_99 = tpu.memref_slice %arg6[%arg1, %dma_wait3A_98] : memref<16x64xi32, #tpu.memory_space<hbm>> -> memref<1x64xi32, #tpu.memory_space<hbm>>
      %dma_wait3A_100 = tpu.memref_squeeze %dma_wait3A_99 : memref<1x64xi32, #tpu.memory_space<hbm>> -> memref<64xi32, #tpu.memory_space<hbm>>
      %dma_wait3A_101 = arith.constant 0 : i32
      %dma_wait3A_102 = tpu.memref_slice %arg6[%arg1, %dma_wait3A_101] : memref<16x64xi32, #tpu.memory_space<hbm>> -> memref<1x64xi32, #tpu.memory_space<hbm>>
      %dma_wait3A_103 = tpu.memref_squeeze %dma_wait3A_102 : memref<1x64xi32, #tpu.memory_space<hbm>> -> memref<64xi32, #tpu.memory_space<hbm>>
      tpu.wait_dma2 semaphore(%run_scoped3A : memref<!tpu.dma_semaphore, #tpu.memory_space<semaphore_mem>>) src(%dma_wait3A_103 : memref<64xi32, #tpu.memory_space<hbm>>) dst(%arg20 : memref<64xi32, #tpu.memory_space<vmem>>)
      tpu.yield
    }) : () -> ()
    %barrier3A = arith.constant 0 : index
    tpu.barrier barrier_id(%barrier3A)
    %dma_start3A = arith.constant 0 : i32
    %dma_start3A_20 = arith.constant 0 : i32
    %dma_start3A_21 = tpu.memref_slice %arg9[%dma_start3A, %dma_start3A_20] : memref<80x128xi32, #tpu.memory_space<vmem>> -> memref<1x128xi32, #tpu.memory_space<vmem>>
    %dma_start3A_22 = tpu.memref_squeeze %dma_start3A_21 : memref<1x128xi32, #tpu.memory_space<vmem>> -> memref<128xi32, #tpu.memory_space<vmem>>
    %dma_start3A_23 = arith.constant 0 : i32
    %dma_start3A_24 = arith.constant 0 : i32
    %dma_start3A_25 = tpu.memref_slice %arg2[%dma_start3A_23, %dma_start3A_24] : memref<10240x16xf32, #tpu.memory_space<hbm>> -> memref<10240x16xf32, #tpu.memory_space<hbm>>
    tpu.enqueue_indirect_dma source(%dma_start3A_25 : memref<10240x16xf32, #tpu.memory_space<hbm>>) target(%arg11 : memref<128x16xf32, #tpu.memory_space<vmem>>) offsets(%dma_start3A_22 : memref<128xi32, #tpu.memory_space<vmem>>) semaphore(%arg23 : memref<!tpu.dma_semaphore, #tpu.memory_space<semaphore_mem>>)
    %dma_start3A_26 = arith.constant 1 : i32
    %dma_start3A_27 = arith.constant 0 : i32
    %dma_start3A_28 = tpu.memref_slice %arg9[%dma_start3A_26, %dma_start3A_27] : memref<80x128xi32, #tpu.memory_space<vmem>> -> memref<1x128xi32, #tpu.memory_space<vmem>>
    %dma_start3A_29 = tpu.memref_squeeze %dma_start3A_28 : memref<1x128xi32, #tpu.memory_space<vmem>> -> memref<128xi32, #tpu.memory_space<vmem>>
    %dma_start3A_30 = arith.constant 0 : i32
    %dma_start3A_31 = arith.constant 0 : i32
    %dma_start3A_32 = tpu.memref_slice %arg2[%dma_start3A_30, %dma_start3A_31] : memref<10240x16xf32, #tpu.memory_space<hbm>> -> memref<10240x16xf32, #tpu.memory_space<hbm>>
    tpu.enqueue_indirect_dma source(%dma_start3A_32 : memref<10240x16xf32, #tpu.memory_space<hbm>>) target(%arg12 : memref<128x16xf32, #tpu.memory_space<vmem>>) offsets(%dma_start3A_29 : memref<128xi32, #tpu.memory_space<vmem>>) semaphore(%arg24 : memref<!tpu.dma_semaphore, #tpu.memory_space<semaphore_mem>>)
    %dma_start3A_33 = arith.constant 2 : i32
    %dma_start3A_34 = arith.constant 0 : i32
    %dma_start3A_35 = tpu.memref_slice %arg9[%dma_start3A_33, %dma_start3A_34] : memref<80x128xi32, #tpu.memory_space<vmem>> -> memref<1x128xi32, #tpu.memory_space<vmem>>
    %dma_start3A_36 = tpu.memref_squeeze %dma_start3A_35 : memref<1x128xi32, #tpu.memory_space<vmem>> -> memref<128xi32, #tpu.memory_space<vmem>>
    %dma_start3A_37 = arith.constant 0 : i32
    %dma_start3A_38 = arith.constant 0 : i32
    %dma_start3A_39 = tpu.memref_slice %arg2[%dma_start3A_37, %dma_start3A_38] : memref<10240x16xf32, #tpu.memory_space<hbm>> -> memref<10240x16xf32, #tpu.memory_space<hbm>>
    tpu.enqueue_indirect_dma source(%dma_start3A_39 : memref<10240x16xf32, #tpu.memory_space<hbm>>) target(%arg13 : memref<128x16xf32, #tpu.memory_space<vmem>>) offsets(%dma_start3A_36 : memref<128xi32, #tpu.memory_space<vmem>>) semaphore(%arg25 : memref<!tpu.dma_semaphore, #tpu.memory_space<semaphore_mem>>)
    %dma_start3A_40 = arith.constant 3 : i32
    %dma_start3A_41 = arith.constant 0 : i32
    %dma_start3A_42 = tpu.memref_slice %arg9[%dma_start3A_40, %dma_start3A_41] : memref<80x128xi32, #tpu.memory_space<vmem>> -> memref<1x128xi32, #tpu.memory_space<vmem>>
    %dma_start3A_43 = tpu.memref_squeeze %dma_start3A_42 : memref<1x128xi32, #tpu.memory_space<vmem>> -> memref<128xi32, #tpu.memory_space<vmem>>
    %dma_start3A_44 = arith.constant 0 : i32
    %dma_start3A_45 = arith.constant 0 : i32
    %dma_start3A_46 = tpu.memref_slice %arg2[%dma_start3A_44, %dma_start3A_45] : memref<10240x16xf32, #tpu.memory_space<hbm>> -> memref<10240x16xf32, #tpu.memory_space<hbm>>
    tpu.enqueue_indirect_dma source(%dma_start3A_46 : memref<10240x16xf32, #tpu.memory_space<hbm>>) target(%arg14 : memref<128x16xf32, #tpu.memory_space<vmem>>) offsets(%dma_start3A_43 : memref<128xi32, #tpu.memory_space<vmem>>) semaphore(%arg26 : memref<!tpu.dma_semaphore, #tpu.memory_space<semaphore_mem>>)
    %dma_start3A_47 = arith.constant 4 : i32
    %dma_start3A_48 = arith.constant 0 : i32
    %dma_start3A_49 = tpu.memref_slice %arg9[%dma_start3A_47, %dma_start3A_48] : memref<80x128xi32, #tpu.memory_space<vmem>> -> memref<1x128xi32, #tpu.memory_space<vmem>>
    %dma_start3A_50 = tpu.memref_squeeze %dma_start3A_49 : memref<1x128xi32, #tpu.memory_space<vmem>> -> memref<128xi32, #tpu.memory_space<vmem>>
    %dma_start3A_51 = arith.constant 0 : i32
    %dma_start3A_52 = arith.constant 0 : i32
    %dma_start3A_53 = tpu.memref_slice %arg2[%dma_start3A_51, %dma_start3A_52] : memref<10240x16xf32, #tpu.memory_space<hbm>> -> memref<10240x16xf32, #tpu.memory_space<hbm>>
    tpu.enqueue_indirect_dma source(%dma_start3A_53 : memref<10240x16xf32, #tpu.memory_space<hbm>>) target(%arg15 : memref<128x16xf32, #tpu.memory_space<vmem>>) offsets(%dma_start3A_50 : memref<128xi32, #tpu.memory_space<vmem>>) semaphore(%arg27 : memref<!tpu.dma_semaphore, #tpu.memory_space<semaphore_mem>>)
    %dma_start3A_54 = arith.constant 5 : i32
    %dma_start3A_55 = arith.constant 0 : i32
    %dma_start3A_56 = tpu.memref_slice %arg9[%dma_start3A_54, %dma_start3A_55] : memref<80x128xi32, #tpu.memory_space<vmem>> -> memref<1x128xi32, #tpu.memory_space<vmem>>
    %dma_start3A_57 = tpu.memref_squeeze %dma_start3A_56 : memref<1x128xi32, #tpu.memory_space<vmem>> -> memref<128xi32, #tpu.memory_space<vmem>>
    %dma_start3A_58 = arith.constant 0 : i32
    %dma_start3A_59 = arith.constant 0 : i32
    %dma_start3A_60 = tpu.memref_slice %arg2[%dma_start3A_58, %dma_start3A_59] : memref<10240x16xf32, #tpu.memory_space<hbm>> -> memref<10240x16xf32, #tpu.memory_space<hbm>>
    tpu.enqueue_indirect_dma source(%dma_start3A_60 : memref<10240x16xf32, #tpu.memory_space<hbm>>) target(%arg16 : memref<128x16xf32, #tpu.memory_space<vmem>>) offsets(%dma_start3A_57 : memref<128xi32, #tpu.memory_space<vmem>>) semaphore(%arg28 : memref<!tpu.dma_semaphore, #tpu.memory_space<semaphore_mem>>)
    %dma_start3A_61 = arith.constant 6 : i32
    %dma_start3A_62 = arith.constant 0 : i32
    %dma_start3A_63 = tpu.memref_slice %arg9[%dma_start3A_61, %dma_start3A_62] : memref<80x128xi32, #tpu.memory_space<vmem>> -> memref<1x128xi32, #tpu.memory_space<vmem>>
    %dma_start3A_64 = tpu.memref_squeeze %dma_start3A_63 : memref<1x128xi32, #tpu.memory_space<vmem>> -> memref<128xi32, #tpu.memory_space<vmem>>
    %dma_start3A_65 = arith.constant 0 : i32
    %dma_start3A_66 = arith.constant 0 : i32
    %dma_start3A_67 = tpu.memref_slice %arg2[%dma_start3A_65, %dma_start3A_66] : memref<10240x16xf32, #tpu.memory_space<hbm>> -> memref<10240x16xf32, #tpu.memory_space<hbm>>
    tpu.enqueue_indirect_dma source(%dma_start3A_67 : memref<10240x16xf32, #tpu.memory_space<hbm>>) target(%arg17 : memref<128x16xf32, #tpu.memory_space<vmem>>) offsets(%dma_start3A_64 : memref<128xi32, #tpu.memory_space<vmem>>) semaphore(%arg29 : memref<!tpu.dma_semaphore, #tpu.memory_space<semaphore_mem>>)
    %dma_start3A_68 = arith.constant 7 : i32
    %dma_start3A_69 = arith.constant 0 : i32
    %dma_start3A_70 = tpu.memref_slice %arg9[%dma_start3A_68, %dma_start3A_69] : memref<80x128xi32, #tpu.memory_space<vmem>> -> memref<1x128xi32, #tpu.memory_space<vmem>>
    %dma_start3A_71 = tpu.memref_squeeze %dma_start3A_70 : memref<1x128xi32, #tpu.memory_space<vmem>> -> memref<128xi32, #tpu.memory_space<vmem>>
    %dma_start3A_72 = arith.constant 0 : i32
    %dma_start3A_73 = arith.constant 0 : i32
    %dma_start3A_74 = tpu.memref_slice %arg2[%dma_start3A_72, %dma_start3A_73] : memref<10240x16xf32, #tpu.memory_space<hbm>> -> memref<10240x16xf32, #tpu.memory_space<hbm>>
    tpu.enqueue_indirect_dma source(%dma_start3A_74 : memref<10240x16xf32, #tpu.memory_space<hbm>>) target(%arg18 : memref<128x16xf32, #tpu.memory_space<vmem>>) offsets(%dma_start3A_71 : memref<128xi32, #tpu.memory_space<vmem>>) semaphore(%arg30 : memref<!tpu.dma_semaphore, #tpu.memory_space<semaphore_mem>>)
    %scan3A = arith.constant 0 : i32
    %scan3A_75 = arith.constant 0 : i32
    %scan3A_76 = arith.constant 10 : i32
    %scan3A_77 = arith.addi %scan3A_75, %scan3A_76 : i32
    %scan3A_78 = arith.constant 1 : i32
    scf.for %scan3A_92 = %scan3A_75 to %scan3A_77 step %scan3A_78  : i32 {
      %mul3A_93 = arith.constant 8 : i32
      %mul3A_94 = arith.muli %mul3A_93, %scan3A_92 : i32
      %add3A_95 = arith.constant 0 : i32
      %add3A_96 = arith.addi %mul3A_94, %add3A_95 : i32
      %lt3A_97 = arith.cmpi slt, %add3A_96, %select_n3A : i32
      %convert_element_type3A_98 = arith.extui %lt3A_97 : i1 to i32
      %cond3A_99 = arith.constant 0 : i32
      %cond3A_100 = arith.cmpi ne, %convert_element_type3A_98, %cond3A_99 : i32
      scf.if %cond3A_100 {
        %dma_wait3A_143 = arith.constant 0 : i32
        %dma_wait3A_144 = tpu.memref_slice %arg9[%add3A_96, %dma_wait3A_143] : memref<80x128xi32, #tpu.memory_space<vmem>> -> memref<1x128xi32, #tpu.memory_space<vmem>>
        %dma_wait3A_145 = tpu.memref_squeeze %dma_wait3A_144 : memref<1x128xi32, #tpu.memory_space<vmem>> -> memref<128xi32, #tpu.memory_space<vmem>>
        %dma_wait3A_146 = arith.constant 0 : i32
        %dma_wait3A_147 = arith.constant 0 : i32
        %dma_wait3A_148 = tpu.memref_slice %arg2[%dma_wait3A_146, %dma_wait3A_147] : memref<10240x16xf32, #tpu.memory_space<hbm>> -> memref<10240x16xf32, #tpu.memory_space<hbm>>
        tpu.wait_indirect_dma semaphore(%arg23 : memref<!tpu.dma_semaphore, #tpu.memory_space<semaphore_mem>>) src(%dma_wait3A_148 : memref<10240x16xf32, #tpu.memory_space<hbm>>) dst(%arg11 : memref<128x16xf32, #tpu.memory_space<vmem>>)
        "tpu.region"() ({
          %run_scoped3A = tpu.sem_alloc : memref<!tpu.dma_semaphore, #tpu.memory_space<semaphore_mem>>
          %dma_start3A_155 = arith.constant 0 : i32
          %dma_start3A_156 = tpu.memref_slice %arg10[%add3A_96, %dma_start3A_155] : memref<80x128xi32, #tpu.memory_space<vmem>> -> memref<1x128xi32, #tpu.memory_space<vmem>>
          %dma_start3A_157 = tpu.memref_squeeze %dma_start3A_156 : memref<1x128xi32, #tpu.memory_space<vmem>> -> memref<128xi32, #tpu.memory_space<vmem>>
          %dma_start3A_158 = arith.constant 0 : i32
          %dma_start3A_159 = arith.constant 0 : i32
          %dma_start3A_160 = tpu.memref_slice %arg19[%dma_start3A_158, %dma_start3A_159] : memref<10240x16xf32, #tpu.memory_space<vmem_shared>> -> memref<10240x16xf32, #tpu.memory_space<vmem_shared>>
          tpu.enqueue_indirect_dma source(%arg11 : memref<128x16xf32, #tpu.memory_space<vmem>>) target(%dma_start3A_160 : memref<10240x16xf32, #tpu.memory_space<vmem_shared>>) offsets(%dma_start3A_157 : memref<128xi32, #tpu.memory_space<vmem>>) semaphore(%run_scoped3A : memref<!tpu.dma_semaphore, #tpu.memory_space<semaphore_mem>>) {add = true}
          %dma_wait3A_161 = arith.constant 0 : i32
          %dma_wait3A_162 = tpu.memref_slice %arg10[%add3A_96, %dma_wait3A_161] : memref<80x128xi32, #tpu.memory_space<vmem>> -> memref<1x128xi32, #tpu.memory_space<vmem>>
          %dma_wait3A_163 = tpu.memref_squeeze %dma_wait3A_162 : memref<1x128xi32, #tpu.memory_space<vmem>> -> memref<128xi32, #tpu.memory_space<vmem>>
          %dma_wait3A_164 = arith.constant 0 : i32
          %dma_wait3A_165 = arith.constant 0 : i32
          %dma_wait3A_166 = tpu.memref_slice %arg19[%dma_wait3A_164, %dma_wait3A_165] : memref<10240x16xf32, #tpu.memory_space<vmem_shared>> -> memref<10240x16xf32, #tpu.memory_space<vmem_shared>>
          tpu.wait_indirect_dma semaphore(%run_scoped3A : memref<!tpu.dma_semaphore, #tpu.memory_space<semaphore_mem>>) src(%arg11 : memref<128x16xf32, #tpu.memory_space<vmem>>) dst(%dma_wait3A_166 : memref<10240x16xf32, #tpu.memory_space<vmem_shared>>)
          tpu.yield
        }) : () -> ()
        %add3A_149 = arith.constant 8 : i32
        %add3A_150 = arith.addi %add3A_96, %add3A_149 : i32
        %lt3A_151 = arith.cmpi slt, %add3A_150, %select_n3A : i32
        %convert_element_type3A_152 = arith.extui %lt3A_151 : i1 to i32
        %cond3A_153 = arith.constant 0 : i32
        %cond3A_154 = arith.cmpi ne, %convert_element_type3A_152, %cond3A_153 : i32
        scf.if %cond3A_154 {
          %add3A_155 = arith.constant 8 : i32
          %add3A_156 = arith.addi %add3A_96, %add3A_155 : i32
          %dma_start3A_157 = arith.constant 0 : i32
          %dma_start3A_158 = tpu.memref_slice %arg9[%add3A_156, %dma_start3A_157] : memref<80x128xi32, #tpu.memory_space<vmem>> -> memref<1x128xi32, #tpu.memory_space<vmem>>
          %dma_start3A_159 = tpu.memref_squeeze %dma_start3A_158 : memref<1x128xi32, #tpu.memory_space<vmem>> -> memref<128xi32, #tpu.memory_space<vmem>>
          %dma_start3A_160 = arith.constant 0 : i32
          %dma_start3A_161 = arith.constant 0 : i32
          %dma_start3A_162 = tpu.memref_slice %arg2[%dma_start3A_160, %dma_start3A_161] : memref<10240x16xf32, #tpu.memory_space<hbm>> -> memref<10240x16xf32, #tpu.memory_space<hbm>>
          tpu.enqueue_indirect_dma source(%dma_start3A_162 : memref<10240x16xf32, #tpu.memory_space<hbm>>) target(%arg11 : memref<128x16xf32, #tpu.memory_space<vmem>>) offsets(%dma_start3A_159 : memref<128xi32, #tpu.memory_space<vmem>>) semaphore(%arg23 : memref<!tpu.dma_semaphore, #tpu.memory_space<semaphore_mem>>)
        } else {
        }
      } else {
      }
      %add3A_101 = arith.constant 1 : i32
      %add3A_102 = arith.addi %mul3A_94, %add3A_101 : i32
      %lt3A_103 = arith.cmpi slt, %add3A_102, %select_n3A : i32
      %convert_element_type3A_104 = arith.extui %lt3A_103 : i1 to i32
      %cond3A_105 = arith.constant 0 : i32
      %cond3A_106 = arith.cmpi ne, %convert_element_type3A_104, %cond3A_105 : i32
      scf.if %cond3A_106 {
        %dma_wait3A_143 = arith.constant 0 : i32
        %dma_wait3A_144 = tpu.memref_slice %arg9[%add3A_102, %dma_wait3A_143] : memref<80x128xi32, #tpu.memory_space<vmem>> -> memref<1x128xi32, #tpu.memory_space<vmem>>
        %dma_wait3A_145 = tpu.memref_squeeze %dma_wait3A_144 : memref<1x128xi32, #tpu.memory_space<vmem>> -> memref<128xi32, #tpu.memory_space<vmem>>
        %dma_wait3A_146 = arith.constant 0 : i32
        %dma_wait3A_147 = arith.constant 0 : i32
        %dma_wait3A_148 = tpu.memref_slice %arg2[%dma_wait3A_146, %dma_wait3A_147] : memref<10240x16xf32, #tpu.memory_space<hbm>> -> memref<10240x16xf32, #tpu.memory_space<hbm>>
        tpu.wait_indirect_dma semaphore(%arg24 : memref<!tpu.dma_semaphore, #tpu.memory_space<semaphore_mem>>) src(%dma_wait3A_148 : memref<10240x16xf32, #tpu.memory_space<hbm>>) dst(%arg12 : memref<128x16xf32, #tpu.memory_space<vmem>>)
        "tpu.region"() ({
          %run_scoped3A = tpu.sem_alloc : memref<!tpu.dma_semaphore, #tpu.memory_space<semaphore_mem>>
          %dma_start3A_155 = arith.constant 0 : i32
          %dma_start3A_156 = tpu.memref_slice %arg10[%add3A_102, %dma_start3A_155] : memref<80x128xi32, #tpu.memory_space<vmem>> -> memref<1x128xi32, #tpu.memory_space<vmem>>
          %dma_start3A_157 = tpu.memref_squeeze %dma_start3A_156 : memref<1x128xi32, #tpu.memory_space<vmem>> -> memref<128xi32, #tpu.memory_space<vmem>>
          %dma_start3A_158 = arith.constant 0 : i32
          %dma_start3A_159 = arith.constant 0 : i32
          %dma_start3A_160 = tpu.memref_slice %arg19[%dma_start3A_158, %dma_start3A_159] : memref<10240x16xf32, #tpu.memory_space<vmem_shared>> -> memref<10240x16xf32, #tpu.memory_space<vmem_shared>>
          tpu.enqueue_indirect_dma source(%arg12 : memref<128x16xf32, #tpu.memory_space<vmem>>) target(%dma_start3A_160 : memref<10240x16xf32, #tpu.memory_space<vmem_shared>>) offsets(%dma_start3A_157 : memref<128xi32, #tpu.memory_space<vmem>>) semaphore(%run_scoped3A : memref<!tpu.dma_semaphore, #tpu.memory_space<semaphore_mem>>) {add = true}
          %dma_wait3A_161 = arith.constant 0 : i32
          %dma_wait3A_162 = tpu.memref_slice %arg10[%add3A_102, %dma_wait3A_161] : memref<80x128xi32, #tpu.memory_space<vmem>> -> memref<1x128xi32, #tpu.memory_space<vmem>>
          %dma_wait3A_163 = tpu.memref_squeeze %dma_wait3A_162 : memref<1x128xi32, #tpu.memory_space<vmem>> -> memref<128xi32, #tpu.memory_space<vmem>>
          %dma_wait3A_164 = arith.constant 0 : i32
          %dma_wait3A_165 = arith.constant 0 : i32
          %dma_wait3A_166 = tpu.memref_slice %arg19[%dma_wait3A_164, %dma_wait3A_165] : memref<10240x16xf32, #tpu.memory_space<vmem_shared>> -> memref<10240x16xf32, #tpu.memory_space<vmem_shared>>
          tpu.wait_indirect_dma semaphore(%run_scoped3A : memref<!tpu.dma_semaphore, #tpu.memory_space<semaphore_mem>>) src(%arg12 : memref<128x16xf32, #tpu.memory_space<vmem>>) dst(%dma_wait3A_166 : memref<10240x16xf32, #tpu.memory_space<vmem_shared>>)
          tpu.yield
        }) : () -> ()
        %add3A_149 = arith.constant 8 : i32
        %add3A_150 = arith.addi %add3A_102, %add3A_149 : i32
        %lt3A_151 = arith.cmpi slt, %add3A_150, %select_n3A : i32
        %convert_element_type3A_152 = arith.extui %lt3A_151 : i1 to i32
        %cond3A_153 = arith.constant 0 : i32
        %cond3A_154 = arith.cmpi ne, %convert_element_type3A_152, %cond3A_153 : i32
        scf.if %cond3A_154 {
          %add3A_155 = arith.constant 8 : i32
          %add3A_156 = arith.addi %add3A_102, %add3A_155 : i32
          %dma_start3A_157 = arith.constant 0 : i32
          %dma_start3A_158 = tpu.memref_slice %arg9[%add3A_156, %dma_start3A_157] : memref<80x128xi32, #tpu.memory_space<vmem>> -> memref<1x128xi32, #tpu.memory_space<vmem>>
          %dma_start3A_159 = tpu.memref_squeeze %dma_start3A_158 : memref<1x128xi32, #tpu.memory_space<vmem>> -> memref<128xi32, #tpu.memory_space<vmem>>
          %dma_start3A_160 = arith.constant 0 : i32
          %dma_start3A_161 = arith.constant 0 : i32
          %dma_start3A_162 = tpu.memref_slice %arg2[%dma_start3A_160, %dma_start3A_161] : memref<10240x16xf32, #tpu.memory_space<hbm>> -> memref<10240x16xf32, #tpu.memory_space<hbm>>
          tpu.enqueue_indirect_dma source(%dma_start3A_162 : memref<10240x16xf32, #tpu.memory_space<hbm>>) target(%arg12 : memref<128x16xf32, #tpu.memory_space<vmem>>) offsets(%dma_start3A_159 : memref<128xi32, #tpu.memory_space<vmem>>) semaphore(%arg24 : memref<!tpu.dma_semaphore, #tpu.memory_space<semaphore_mem>>)
        } else {
        }
      } else {
      }
      %add3A_107 = arith.constant 2 : i32
      %add3A_108 = arith.addi %mul3A_94, %add3A_107 : i32
      %lt3A_109 = arith.cmpi slt, %add3A_108, %select_n3A : i32
      %convert_element_type3A_110 = arith.extui %lt3A_109 : i1 to i32
      %cond3A_111 = arith.constant 0 : i32
      %cond3A_112 = arith.cmpi ne, %convert_element_type3A_110, %cond3A_111 : i32
      scf.if %cond3A_112 {
        %dma_wait3A_143 = arith.constant 0 : i32
        %dma_wait3A_144 = tpu.memref_slice %arg9[%add3A_108, %dma_wait3A_143] : memref<80x128xi32, #tpu.memory_space<vmem>> -> memref<1x128xi32, #tpu.memory_space<vmem>>
        %dma_wait3A_145 = tpu.memref_squeeze %dma_wait3A_144 : memref<1x128xi32, #tpu.memory_space<vmem>> -> memref<128xi32, #tpu.memory_space<vmem>>
        %dma_wait3A_146 = arith.constant 0 : i32
        %dma_wait3A_147 = arith.constant 0 : i32
        %dma_wait3A_148 = tpu.memref_slice %arg2[%dma_wait3A_146, %dma_wait3A_147] : memref<10240x16xf32, #tpu.memory_space<hbm>> -> memref<10240x16xf32, #tpu.memory_space<hbm>>
        tpu.wait_indirect_dma semaphore(%arg25 : memref<!tpu.dma_semaphore, #tpu.memory_space<semaphore_mem>>) src(%dma_wait3A_148 : memref<10240x16xf32, #tpu.memory_space<hbm>>) dst(%arg13 : memref<128x16xf32, #tpu.memory_space<vmem>>)
        "tpu.region"() ({
          %run_scoped3A = tpu.sem_alloc : memref<!tpu.dma_semaphore, #tpu.memory_space<semaphore_mem>>
          %dma_start3A_155 = arith.constant 0 : i32
          %dma_start3A_156 = tpu.memref_slice %arg10[%add3A_108, %dma_start3A_155] : memref<80x128xi32, #tpu.memory_space<vmem>> -> memref<1x128xi32, #tpu.memory_space<vmem>>
          %dma_start3A_157 = tpu.memref_squeeze %dma_start3A_156 : memref<1x128xi32, #tpu.memory_space<vmem>> -> memref<128xi32, #tpu.memory_space<vmem>>
          %dma_start3A_158 = arith.constant 0 : i32
          %dma_start3A_159 = arith.constant 0 : i32
          %dma_start3A_160 = tpu.memref_slice %arg19[%dma_start3A_158, %dma_start3A_159] : memref<10240x16xf32, #tpu.memory_space<vmem_shared>> -> memref<10240x16xf32, #tpu.memory_space<vmem_shared>>
          tpu.enqueue_indirect_dma source(%arg13 : memref<128x16xf32, #tpu.memory_space<vmem>>) target(%dma_start3A_160 : memref<10240x16xf32, #tpu.memory_space<vmem_shared>>) offsets(%dma_start3A_157 : memref<128xi32, #tpu.memory_space<vmem>>) semaphore(%run_scoped3A : memref<!tpu.dma_semaphore, #tpu.memory_space<semaphore_mem>>) {add = true}
          %dma_wait3A_161 = arith.constant 0 : i32
          %dma_wait3A_162 = tpu.memref_slice %arg10[%add3A_108, %dma_wait3A_161] : memref<80x128xi32, #tpu.memory_space<vmem>> -> memref<1x128xi32, #tpu.memory_space<vmem>>
          %dma_wait3A_163 = tpu.memref_squeeze %dma_wait3A_162 : memref<1x128xi32, #tpu.memory_space<vmem>> -> memref<128xi32, #tpu.memory_space<vmem>>
          %dma_wait3A_164 = arith.constant 0 : i32
          %dma_wait3A_165 = arith.constant 0 : i32
          %dma_wait3A_166 = tpu.memref_slice %arg19[%dma_wait3A_164, %dma_wait3A_165] : memref<10240x16xf32, #tpu.memory_space<vmem_shared>> -> memref<10240x16xf32, #tpu.memory_space<vmem_shared>>
          tpu.wait_indirect_dma semaphore(%run_scoped3A : memref<!tpu.dma_semaphore, #tpu.memory_space<semaphore_mem>>) src(%arg13 : memref<128x16xf32, #tpu.memory_space<vmem>>) dst(%dma_wait3A_166 : memref<10240x16xf32, #tpu.memory_space<vmem_shared>>)
          tpu.yield
        }) : () -> ()
        %add3A_149 = arith.constant 8 : i32
        %add3A_150 = arith.addi %add3A_108, %add3A_149 : i32
        %lt3A_151 = arith.cmpi slt, %add3A_150, %select_n3A : i32
        %convert_element_type3A_152 = arith.extui %lt3A_151 : i1 to i32
        %cond3A_153 = arith.constant 0 : i32
        %cond3A_154 = arith.cmpi ne, %convert_element_type3A_152, %cond3A_153 : i32
        scf.if %cond3A_154 {
          %add3A_155 = arith.constant 8 : i32
          %add3A_156 = arith.addi %add3A_108, %add3A_155 : i32
          %dma_start3A_157 = arith.constant 0 : i32
          %dma_start3A_158 = tpu.memref_slice %arg9[%add3A_156, %dma_start3A_157] : memref<80x128xi32, #tpu.memory_space<vmem>> -> memref<1x128xi32, #tpu.memory_space<vmem>>
          %dma_start3A_159 = tpu.memref_squeeze %dma_start3A_158 : memref<1x128xi32, #tpu.memory_space<vmem>> -> memref<128xi32, #tpu.memory_space<vmem>>
          %dma_start3A_160 = arith.constant 0 : i32
          %dma_start3A_161 = arith.constant 0 : i32
          %dma_start3A_162 = tpu.memref_slice %arg2[%dma_start3A_160, %dma_start3A_161] : memref<10240x16xf32, #tpu.memory_space<hbm>> -> memref<10240x16xf32, #tpu.memory_space<hbm>>
          tpu.enqueue_indirect_dma source(%dma_start3A_162 : memref<10240x16xf32, #tpu.memory_space<hbm>>) target(%arg13 : memref<128x16xf32, #tpu.memory_space<vmem>>) offsets(%dma_start3A_159 : memref<128xi32, #tpu.memory_space<vmem>>) semaphore(%arg25 : memref<!tpu.dma_semaphore, #tpu.memory_space<semaphore_mem>>)
        } else {
        }
      } else {
      }
      %add3A_113 = arith.constant 3 : i32
      %add3A_114 = arith.addi %mul3A_94, %add3A_113 : i32
      %lt3A_115 = arith.cmpi slt, %add3A_114, %select_n3A : i32
      %convert_element_type3A_116 = arith.extui %lt3A_115 : i1 to i32
      %cond3A_117 = arith.constant 0 : i32
      %cond3A_118 = arith.cmpi ne, %convert_element_type3A_116, %cond3A_117 : i32
      scf.if %cond3A_118 {
        %dma_wait3A_143 = arith.constant 0 : i32
        %dma_wait3A_144 = tpu.memref_slice %arg9[%add3A_114, %dma_wait3A_143] : memref<80x128xi32, #tpu.memory_space<vmem>> -> memref<1x128xi32, #tpu.memory_space<vmem>>
        %dma_wait3A_145 = tpu.memref_squeeze %dma_wait3A_144 : memref<1x128xi32, #tpu.memory_space<vmem>> -> memref<128xi32, #tpu.memory_space<vmem>>
        %dma_wait3A_146 = arith.constant 0 : i32
        %dma_wait3A_147 = arith.constant 0 : i32
        %dma_wait3A_148 = tpu.memref_slice %arg2[%dma_wait3A_146, %dma_wait3A_147] : memref<10240x16xf32, #tpu.memory_space<hbm>> -> memref<10240x16xf32, #tpu.memory_space<hbm>>
        tpu.wait_indirect_dma semaphore(%arg26 : memref<!tpu.dma_semaphore, #tpu.memory_space<semaphore_mem>>) src(%dma_wait3A_148 : memref<10240x16xf32, #tpu.memory_space<hbm>>) dst(%arg14 : memref<128x16xf32, #tpu.memory_space<vmem>>)
        "tpu.region"() ({
          %run_scoped3A = tpu.sem_alloc : memref<!tpu.dma_semaphore, #tpu.memory_space<semaphore_mem>>
          %dma_start3A_155 = arith.constant 0 : i32
          %dma_start3A_156 = tpu.memref_slice %arg10[%add3A_114, %dma_start3A_155] : memref<80x128xi32, #tpu.memory_space<vmem>> -> memref<1x128xi32, #tpu.memory_space<vmem>>
          %dma_start3A_157 = tpu.memref_squeeze %dma_start3A_156 : memref<1x128xi32, #tpu.memory_space<vmem>> -> memref<128xi32, #tpu.memory_space<vmem>>
          %dma_start3A_158 = arith.constant 0 : i32
          %dma_start3A_159 = arith.constant 0 : i32
          %dma_start3A_160 = tpu.memref_slice %arg19[%dma_start3A_158, %dma_start3A_159] : memref<10240x16xf32, #tpu.memory_space<vmem_shared>> -> memref<10240x16xf32, #tpu.memory_space<vmem_shared>>
          tpu.enqueue_indirect_dma source(%arg14 : memref<128x16xf32, #tpu.memory_space<vmem>>) target(%dma_start3A_160 : memref<10240x16xf32, #tpu.memory_space<vmem_shared>>) offsets(%dma_start3A_157 : memref<128xi32, #tpu.memory_space<vmem>>) semaphore(%run_scoped3A : memref<!tpu.dma_semaphore, #tpu.memory_space<semaphore_mem>>) {add = true}
          %dma_wait3A_161 = arith.constant 0 : i32
          %dma_wait3A_162 = tpu.memref_slice %arg10[%add3A_114, %dma_wait3A_161] : memref<80x128xi32, #tpu.memory_space<vmem>> -> memref<1x128xi32, #tpu.memory_space<vmem>>
          %dma_wait3A_163 = tpu.memref_squeeze %dma_wait3A_162 : memref<1x128xi32, #tpu.memory_space<vmem>> -> memref<128xi32, #tpu.memory_space<vmem>>
          %dma_wait3A_164 = arith.constant 0 : i32
          %dma_wait3A_165 = arith.constant 0 : i32
          %dma_wait3A_166 = tpu.memref_slice %arg19[%dma_wait3A_164, %dma_wait3A_165] : memref<10240x16xf32, #tpu.memory_space<vmem_shared>> -> memref<10240x16xf32, #tpu.memory_space<vmem_shared>>
          tpu.wait_indirect_dma semaphore(%run_scoped3A : memref<!tpu.dma_semaphore, #tpu.memory_space<semaphore_mem>>) src(%arg14 : memref<128x16xf32, #tpu.memory_space<vmem>>) dst(%dma_wait3A_166 : memref<10240x16xf32, #tpu.memory_space<vmem_shared>>)
          tpu.yield
        }) : () -> ()
        %add3A_149 = arith.constant 8 : i32
        %add3A_150 = arith.addi %add3A_114, %add3A_149 : i32
        %lt3A_151 = arith.cmpi slt, %add3A_150, %select_n3A : i32
        %convert_element_type3A_152 = arith.extui %lt3A_151 : i1 to i32
        %cond3A_153 = arith.constant 0 : i32
        %cond3A_154 = arith.cmpi ne, %convert_element_type3A_152, %cond3A_153 : i32
        scf.if %cond3A_154 {
          %add3A_155 = arith.constant 8 : i32
          %add3A_156 = arith.addi %add3A_114, %add3A_155 : i32
          %dma_start3A_157 = arith.constant 0 : i32
          %dma_start3A_158 = tpu.memref_slice %arg9[%add3A_156, %dma_start3A_157] : memref<80x128xi32, #tpu.memory_space<vmem>> -> memref<1x128xi32, #tpu.memory_space<vmem>>
          %dma_start3A_159 = tpu.memref_squeeze %dma_start3A_158 : memref<1x128xi32, #tpu.memory_space<vmem>> -> memref<128xi32, #tpu.memory_space<vmem>>
          %dma_start3A_160 = arith.constant 0 : i32
          %dma_start3A_161 = arith.constant 0 : i32
          %dma_start3A_162 = tpu.memref_slice %arg2[%dma_start3A_160, %dma_start3A_161] : memref<10240x16xf32, #tpu.memory_space<hbm>> -> memref<10240x16xf32, #tpu.memory_space<hbm>>
          tpu.enqueue_indirect_dma source(%dma_start3A_162 : memref<10240x16xf32, #tpu.memory_space<hbm>>) target(%arg14 : memref<128x16xf32, #tpu.memory_space<vmem>>) offsets(%dma_start3A_159 : memref<128xi32, #tpu.memory_space<vmem>>) semaphore(%arg26 : memref<!tpu.dma_semaphore, #tpu.memory_space<semaphore_mem>>)
        } else {
        }
      } else {
      }
      %add3A_119 = arith.constant 4 : i32
      %add3A_120 = arith.addi %mul3A_94, %add3A_119 : i32
      %lt3A_121 = arith.cmpi slt, %add3A_120, %select_n3A : i32
      %convert_element_type3A_122 = arith.extui %lt3A_121 : i1 to i32
      %cond3A_123 = arith.constant 0 : i32
      %cond3A_124 = arith.cmpi ne, %convert_element_type3A_122, %cond3A_123 : i32
      scf.if %cond3A_124 {
        %dma_wait3A_143 = arith.constant 0 : i32
        %dma_wait3A_144 = tpu.memref_slice %arg9[%add3A_120, %dma_wait3A_143] : memref<80x128xi32, #tpu.memory_space<vmem>> -> memref<1x128xi32, #tpu.memory_space<vmem>>
        %dma_wait3A_145 = tpu.memref_squeeze %dma_wait3A_144 : memref<1x128xi32, #tpu.memory_space<vmem>> -> memref<128xi32, #tpu.memory_space<vmem>>
        %dma_wait3A_146 = arith.constant 0 : i32
        %dma_wait3A_147 = arith.constant 0 : i32
        %dma_wait3A_148 = tpu.memref_slice %arg2[%dma_wait3A_146, %dma_wait3A_147] : memref<10240x16xf32, #tpu.memory_space<hbm>> -> memref<10240x16xf32, #tpu.memory_space<hbm>>
        tpu.wait_indirect_dma semaphore(%arg27 : memref<!tpu.dma_semaphore, #tpu.memory_space<semaphore_mem>>) src(%dma_wait3A_148 : memref<10240x16xf32, #tpu.memory_space<hbm>>) dst(%arg15 : memref<128x16xf32, #tpu.memory_space<vmem>>)
        "tpu.region"() ({
          %run_scoped3A = tpu.sem_alloc : memref<!tpu.dma_semaphore, #tpu.memory_space<semaphore_mem>>
          %dma_start3A_155 = arith.constant 0 : i32
          %dma_start3A_156 = tpu.memref_slice %arg10[%add3A_120, %dma_start3A_155] : memref<80x128xi32, #tpu.memory_space<vmem>> -> memref<1x128xi32, #tpu.memory_space<vmem>>
          %dma_start3A_157 = tpu.memref_squeeze %dma_start3A_156 : memref<1x128xi32, #tpu.memory_space<vmem>> -> memref<128xi32, #tpu.memory_space<vmem>>
          %dma_start3A_158 = arith.constant 0 : i32
          %dma_start3A_159 = arith.constant 0 : i32
          %dma_start3A_160 = tpu.memref_slice %arg19[%dma_start3A_158, %dma_start3A_159] : memref<10240x16xf32, #tpu.memory_space<vmem_shared>> -> memref<10240x16xf32, #tpu.memory_space<vmem_shared>>
          tpu.enqueue_indirect_dma source(%arg15 : memref<128x16xf32, #tpu.memory_space<vmem>>) target(%dma_start3A_160 : memref<10240x16xf32, #tpu.memory_space<vmem_shared>>) offsets(%dma_start3A_157 : memref<128xi32, #tpu.memory_space<vmem>>) semaphore(%run_scoped3A : memref<!tpu.dma_semaphore, #tpu.memory_space<semaphore_mem>>) {add = true}
          %dma_wait3A_161 = arith.constant 0 : i32
          %dma_wait3A_162 = tpu.memref_slice %arg10[%add3A_120, %dma_wait3A_161] : memref<80x128xi32, #tpu.memory_space<vmem>> -> memref<1x128xi32, #tpu.memory_space<vmem>>
          %dma_wait3A_163 = tpu.memref_squeeze %dma_wait3A_162 : memref<1x128xi32, #tpu.memory_space<vmem>> -> memref<128xi32, #tpu.memory_space<vmem>>
          %dma_wait3A_164 = arith.constant 0 : i32
          %dma_wait3A_165 = arith.constant 0 : i32
          %dma_wait3A_166 = tpu.memref_slice %arg19[%dma_wait3A_164, %dma_wait3A_165] : memref<10240x16xf32, #tpu.memory_space<vmem_shared>> -> memref<10240x16xf32, #tpu.memory_space<vmem_shared>>
          tpu.wait_indirect_dma semaphore(%run_scoped3A : memref<!tpu.dma_semaphore, #tpu.memory_space<semaphore_mem>>) src(%arg15 : memref<128x16xf32, #tpu.memory_space<vmem>>) dst(%dma_wait3A_166 : memref<10240x16xf32, #tpu.memory_space<vmem_shared>>)
          tpu.yield
        }) : () -> ()
        %add3A_149 = arith.constant 8 : i32
        %add3A_150 = arith.addi %add3A_120, %add3A_149 : i32
        %lt3A_151 = arith.cmpi slt, %add3A_150, %select_n3A : i32
        %convert_element_type3A_152 = arith.extui %lt3A_151 : i1 to i32
        %cond3A_153 = arith.constant 0 : i32
        %cond3A_154 = arith.cmpi ne, %convert_element_type3A_152, %cond3A_153 : i32
        scf.if %cond3A_154 {
          %add3A_155 = arith.constant 8 : i32
          %add3A_156 = arith.addi %add3A_120, %add3A_155 : i32
          %dma_start3A_157 = arith.constant 0 : i32
          %dma_start3A_158 = tpu.memref_slice %arg9[%add3A_156, %dma_start3A_157] : memref<80x128xi32, #tpu.memory_space<vmem>> -> memref<1x128xi32, #tpu.memory_space<vmem>>
          %dma_start3A_159 = tpu.memref_squeeze %dma_start3A_158 : memref<1x128xi32, #tpu.memory_space<vmem>> -> memref<128xi32, #tpu.memory_space<vmem>>
          %dma_start3A_160 = arith.constant 0 : i32
          %dma_start3A_161 = arith.constant 0 : i32
          %dma_start3A_162 = tpu.memref_slice %arg2[%dma_start3A_160, %dma_start3A_161] : memref<10240x16xf32, #tpu.memory_space<hbm>> -> memref<10240x16xf32, #tpu.memory_space<hbm>>
          tpu.enqueue_indirect_dma source(%dma_start3A_162 : memref<10240x16xf32, #tpu.memory_space<hbm>>) target(%arg15 : memref<128x16xf32, #tpu.memory_space<vmem>>) offsets(%dma_start3A_159 : memref<128xi32, #tpu.memory_space<vmem>>) semaphore(%arg27 : memref<!tpu.dma_semaphore, #tpu.memory_space<semaphore_mem>>)
        } else {
        }
      } else {
      }
      %add3A_125 = arith.constant 5 : i32
      %add3A_126 = arith.addi %mul3A_94, %add3A_125 : i32
      %lt3A_127 = arith.cmpi slt, %add3A_126, %select_n3A : i32
      %convert_element_type3A_128 = arith.extui %lt3A_127 : i1 to i32
      %cond3A_129 = arith.constant 0 : i32
      %cond3A_130 = arith.cmpi ne, %convert_element_type3A_128, %cond3A_129 : i32
      scf.if %cond3A_130 {
        %dma_wait3A_143 = arith.constant 0 : i32
        %dma_wait3A_144 = tpu.memref_slice %arg9[%add3A_126, %dma_wait3A_143] : memref<80x128xi32, #tpu.memory_space<vmem>> -> memref<1x128xi32, #tpu.memory_space<vmem>>
        %dma_wait3A_145 = tpu.memref_squeeze %dma_wait3A_144 : memref<1x128xi32, #tpu.memory_space<vmem>> -> memref<128xi32, #tpu.memory_space<vmem>>
        %dma_wait3A_146 = arith.constant 0 : i32
        %dma_wait3A_147 = arith.constant 0 : i32
        %dma_wait3A_148 = tpu.memref_slice %arg2[%dma_wait3A_146, %dma_wait3A_147] : memref<10240x16xf32, #tpu.memory_space<hbm>> -> memref<10240x16xf32, #tpu.memory_space<hbm>>
        tpu.wait_indirect_dma semaphore(%arg28 : memref<!tpu.dma_semaphore, #tpu.memory_space<semaphore_mem>>) src(%dma_wait3A_148 : memref<10240x16xf32, #tpu.memory_space<hbm>>) dst(%arg16 : memref<128x16xf32, #tpu.memory_space<vmem>>)
        "tpu.region"() ({
          %run_scoped3A = tpu.sem_alloc : memref<!tpu.dma_semaphore, #tpu.memory_space<semaphore_mem>>
          %dma_start3A_155 = arith.constant 0 : i32
          %dma_start3A_156 = tpu.memref_slice %arg10[%add3A_126, %dma_start3A_155] : memref<80x128xi32, #tpu.memory_space<vmem>> -> memref<1x128xi32, #tpu.memory_space<vmem>>
          %dma_start3A_157 = tpu.memref_squeeze %dma_start3A_156 : memref<1x128xi32, #tpu.memory_space<vmem>> -> memref<128xi32, #tpu.memory_space<vmem>>
          %dma_start3A_158 = arith.constant 0 : i32
          %dma_start3A_159 = arith.constant 0 : i32
          %dma_start3A_160 = tpu.memref_slice %arg19[%dma_start3A_158, %dma_start3A_159] : memref<10240x16xf32, #tpu.memory_space<vmem_shared>> -> memref<10240x16xf32, #tpu.memory_space<vmem_shared>>
          tpu.enqueue_indirect_dma source(%arg16 : memref<128x16xf32, #tpu.memory_space<vmem>>) target(%dma_start3A_160 : memref<10240x16xf32, #tpu.memory_space<vmem_shared>>) offsets(%dma_start3A_157 : memref<128xi32, #tpu.memory_space<vmem>>) semaphore(%run_scoped3A : memref<!tpu.dma_semaphore, #tpu.memory_space<semaphore_mem>>) {add = true}
          %dma_wait3A_161 = arith.constant 0 : i32
          %dma_wait3A_162 = tpu.memref_slice %arg10[%add3A_126, %dma_wait3A_161] : memref<80x128xi32, #tpu.memory_space<vmem>> -> memref<1x128xi32, #tpu.memory_space<vmem>>
          %dma_wait3A_163 = tpu.memref_squeeze %dma_wait3A_162 : memref<1x128xi32, #tpu.memory_space<vmem>> -> memref<128xi32, #tpu.memory_space<vmem>>
          %dma_wait3A_164 = arith.constant 0 : i32
          %dma_wait3A_165 = arith.constant 0 : i32
          %dma_wait3A_166 = tpu.memref_slice %arg19[%dma_wait3A_164, %dma_wait3A_165] : memref<10240x16xf32, #tpu.memory_space<vmem_shared>> -> memref<10240x16xf32, #tpu.memory_space<vmem_shared>>
          tpu.wait_indirect_dma semaphore(%run_scoped3A : memref<!tpu.dma_semaphore, #tpu.memory_space<semaphore_mem>>) src(%arg16 : memref<128x16xf32, #tpu.memory_space<vmem>>) dst(%dma_wait3A_166 : memref<10240x16xf32, #tpu.memory_space<vmem_shared>>)
          tpu.yield
        }) : () -> ()
        %add3A_149 = arith.constant 8 : i32
        %add3A_150 = arith.addi %add3A_126, %add3A_149 : i32
        %lt3A_151 = arith.cmpi slt, %add3A_150, %select_n3A : i32
        %convert_element_type3A_152 = arith.extui %lt3A_151 : i1 to i32
        %cond3A_153 = arith.constant 0 : i32
        %cond3A_154 = arith.cmpi ne, %convert_element_type3A_152, %cond3A_153 : i32
        scf.if %cond3A_154 {
          %add3A_155 = arith.constant 8 : i32
          %add3A_156 = arith.addi %add3A_126, %add3A_155 : i32
          %dma_start3A_157 = arith.constant 0 : i32
          %dma_start3A_158 = tpu.memref_slice %arg9[%add3A_156, %dma_start3A_157] : memref<80x128xi32, #tpu.memory_space<vmem>> -> memref<1x128xi32, #tpu.memory_space<vmem>>
          %dma_start3A_159 = tpu.memref_squeeze %dma_start3A_158 : memref<1x128xi32, #tpu.memory_space<vmem>> -> memref<128xi32, #tpu.memory_space<vmem>>
          %dma_start3A_160 = arith.constant 0 : i32
          %dma_start3A_161 = arith.constant 0 : i32
          %dma_start3A_162 = tpu.memref_slice %arg2[%dma_start3A_160, %dma_start3A_161] : memref<10240x16xf32, #tpu.memory_space<hbm>> -> memref<10240x16xf32, #tpu.memory_space<hbm>>
          tpu.enqueue_indirect_dma source(%dma_start3A_162 : memref<10240x16xf32, #tpu.memory_space<hbm>>) target(%arg16 : memref<128x16xf32, #tpu.memory_space<vmem>>) offsets(%dma_start3A_159 : memref<128xi32, #tpu.memory_space<vmem>>) semaphore(%arg28 : memref<!tpu.dma_semaphore, #tpu.memory_space<semaphore_mem>>)
        } else {
        }
      } else {
      }
      %add3A_131 = arith.constant 6 : i32
      %add3A_132 = arith.addi %mul3A_94, %add3A_131 : i32
      %lt3A_133 = arith.cmpi slt, %add3A_132, %select_n3A : i32
      %convert_element_type3A_134 = arith.extui %lt3A_133 : i1 to i32
      %cond3A_135 = arith.constant 0 : i32
      %cond3A_136 = arith.cmpi ne, %convert_element_type3A_134, %cond3A_135 : i32
      scf.if %cond3A_136 {
        %dma_wait3A_143 = arith.constant 0 : i32
        %dma_wait3A_144 = tpu.memref_slice %arg9[%add3A_132, %dma_wait3A_143] : memref<80x128xi32, #tpu.memory_space<vmem>> -> memref<1x128xi32, #tpu.memory_space<vmem>>
        %dma_wait3A_145 = tpu.memref_squeeze %dma_wait3A_144 : memref<1x128xi32, #tpu.memory_space<vmem>> -> memref<128xi32, #tpu.memory_space<vmem>>
        %dma_wait3A_146 = arith.constant 0 : i32
        %dma_wait3A_147 = arith.constant 0 : i32
        %dma_wait3A_148 = tpu.memref_slice %arg2[%dma_wait3A_146, %dma_wait3A_147] : memref<10240x16xf32, #tpu.memory_space<hbm>> -> memref<10240x16xf32, #tpu.memory_space<hbm>>
        tpu.wait_indirect_dma semaphore(%arg29 : memref<!tpu.dma_semaphore, #tpu.memory_space<semaphore_mem>>) src(%dma_wait3A_148 : memref<10240x16xf32, #tpu.memory_space<hbm>>) dst(%arg17 : memref<128x16xf32, #tpu.memory_space<vmem>>)
        "tpu.region"() ({
          %run_scoped3A = tpu.sem_alloc : memref<!tpu.dma_semaphore, #tpu.memory_space<semaphore_mem>>
          %dma_start3A_155 = arith.constant 0 : i32
          %dma_start3A_156 = tpu.memref_slice %arg10[%add3A_132, %dma_start3A_155] : memref<80x128xi32, #tpu.memory_space<vmem>> -> memref<1x128xi32, #tpu.memory_space<vmem>>
          %dma_start3A_157 = tpu.memref_squeeze %dma_start3A_156 : memref<1x128xi32, #tpu.memory_space<vmem>> -> memref<128xi32, #tpu.memory_space<vmem>>
          %dma_start3A_158 = arith.constant 0 : i32
          %dma_start3A_159 = arith.constant 0 : i32
          %dma_start3A_160 = tpu.memref_slice %arg19[%dma_start3A_158, %dma_start3A_159] : memref<10240x16xf32, #tpu.memory_space<vmem_shared>> -> memref<10240x16xf32, #tpu.memory_space<vmem_shared>>
          tpu.enqueue_indirect_dma source(%arg17 : memref<128x16xf32, #tpu.memory_space<vmem>>) target(%dma_start3A_160 : memref<10240x16xf32, #tpu.memory_space<vmem_shared>>) offsets(%dma_start3A_157 : memref<128xi32, #tpu.memory_space<vmem>>) semaphore(%run_scoped3A : memref<!tpu.dma_semaphore, #tpu.memory_space<semaphore_mem>>) {add = true}
          %dma_wait3A_161 = arith.constant 0 : i32
          %dma_wait3A_162 = tpu.memref_slice %arg10[%add3A_132, %dma_wait3A_161] : memref<80x128xi32, #tpu.memory_space<vmem>> -> memref<1x128xi32, #tpu.memory_space<vmem>>
          %dma_wait3A_163 = tpu.memref_squeeze %dma_wait3A_162 : memref<1x128xi32, #tpu.memory_space<vmem>> -> memref<128xi32, #tpu.memory_space<vmem>>
          %dma_wait3A_164 = arith.constant 0 : i32
          %dma_wait3A_165 = arith.constant 0 : i32
          %dma_wait3A_166 = tpu.memref_slice %arg19[%dma_wait3A_164, %dma_wait3A_165] : memref<10240x16xf32, #tpu.memory_space<vmem_shared>> -> memref<10240x16xf32, #tpu.memory_space<vmem_shared>>
          tpu.wait_indirect_dma semaphore(%run_scoped3A : memref<!tpu.dma_semaphore, #tpu.memory_space<semaphore_mem>>) src(%arg17 : memref<128x16xf32, #tpu.memory_space<vmem>>) dst(%dma_wait3A_166 : memref<10240x16xf32, #tpu.memory_space<vmem_shared>>)
          tpu.yield
        }) : () -> ()
        %add3A_149 = arith.constant 8 : i32
        %add3A_150 = arith.addi %add3A_132, %add3A_149 : i32
        %lt3A_151 = arith.cmpi slt, %add3A_150, %select_n3A : i32
        %convert_element_type3A_152 = arith.extui %lt3A_151 : i1 to i32
        %cond3A_153 = arith.constant 0 : i32
        %cond3A_154 = arith.cmpi ne, %convert_element_type3A_152, %cond3A_153 : i32
        scf.if %cond3A_154 {
          %add3A_155 = arith.constant 8 : i32
          %add3A_156 = arith.addi %add3A_132, %add3A_155 : i32
          %dma_start3A_157 = arith.constant 0 : i32
          %dma_start3A_158 = tpu.memref_slice %arg9[%add3A_156, %dma_start3A_157] : memref<80x128xi32, #tpu.memory_space<vmem>> -> memref<1x128xi32, #tpu.memory_space<vmem>>
          %dma_start3A_159 = tpu.memref_squeeze %dma_start3A_158 : memref<1x128xi32, #tpu.memory_space<vmem>> -> memref<128xi32, #tpu.memory_space<vmem>>
          %dma_start3A_160 = arith.constant 0 : i32
          %dma_start3A_161 = arith.constant 0 : i32
          %dma_start3A_162 = tpu.memref_slice %arg2[%dma_start3A_160, %dma_start3A_161] : memref<10240x16xf32, #tpu.memory_space<hbm>> -> memref<10240x16xf32, #tpu.memory_space<hbm>>
          tpu.enqueue_indirect_dma source(%dma_start3A_162 : memref<10240x16xf32, #tpu.memory_space<hbm>>) target(%arg17 : memref<128x16xf32, #tpu.memory_space<vmem>>) offsets(%dma_start3A_159 : memref<128xi32, #tpu.memory_space<vmem>>) semaphore(%arg29 : memref<!tpu.dma_semaphore, #tpu.memory_space<semaphore_mem>>)
        } else {
        }
      } else {
      }
      %add3A_137 = arith.constant 7 : i32
      %add3A_138 = arith.addi %mul3A_94, %add3A_137 : i32
      %lt3A_139 = arith.cmpi slt, %add3A_138, %select_n3A : i32
      %convert_element_type3A_140 = arith.extui %lt3A_139 : i1 to i32
      %cond3A_141 = arith.constant 0 : i32
      %cond3A_142 = arith.cmpi ne, %convert_element_type3A_140, %cond3A_141 : i32
      scf.if %cond3A_142 {
        %dma_wait3A_143 = arith.constant 0 : i32
        %dma_wait3A_144 = tpu.memref_slice %arg9[%add3A_138, %dma_wait3A_143] : memref<80x128xi32, #tpu.memory_space<vmem>> -> memref<1x128xi32, #tpu.memory_space<vmem>>
        %dma_wait3A_145 = tpu.memref_squeeze %dma_wait3A_144 : memref<1x128xi32, #tpu.memory_space<vmem>> -> memref<128xi32, #tpu.memory_space<vmem>>
        %dma_wait3A_146 = arith.constant 0 : i32
        %dma_wait3A_147 = arith.constant 0 : i32
        %dma_wait3A_148 = tpu.memref_slice %arg2[%dma_wait3A_146, %dma_wait3A_147] : memref<10240x16xf32, #tpu.memory_space<hbm>> -> memref<10240x16xf32, #tpu.memory_space<hbm>>
        tpu.wait_indirect_dma semaphore(%arg30 : memref<!tpu.dma_semaphore, #tpu.memory_space<semaphore_mem>>) src(%dma_wait3A_148 : memref<10240x16xf32, #tpu.memory_space<hbm>>) dst(%arg18 : memref<128x16xf32, #tpu.memory_space<vmem>>)
        "tpu.region"() ({
          %run_scoped3A = tpu.sem_alloc : memref<!tpu.dma_semaphore, #tpu.memory_space<semaphore_mem>>
          %dma_start3A_155 = arith.constant 0 : i32
          %dma_start3A_156 = tpu.memref_slice %arg10[%add3A_138, %dma_start3A_155] : memref<80x128xi32, #tpu.memory_space<vmem>> -> memref<1x128xi32, #tpu.memory_space<vmem>>
          %dma_start3A_157 = tpu.memref_squeeze %dma_start3A_156 : memref<1x128xi32, #tpu.memory_space<vmem>> -> memref<128xi32, #tpu.memory_space<vmem>>
          %dma_start3A_158 = arith.constant 0 : i32
          %dma_start3A_159 = arith.constant 0 : i32
          %dma_start3A_160 = tpu.memref_slice %arg19[%dma_start3A_158, %dma_start3A_159] : memref<10240x16xf32, #tpu.memory_space<vmem_shared>> -> memref<10240x16xf32, #tpu.memory_space<vmem_shared>>
          tpu.enqueue_indirect_dma source(%arg18 : memref<128x16xf32, #tpu.memory_space<vmem>>) target(%dma_start3A_160 : memref<10240x16xf32, #tpu.memory_space<vmem_shared>>) offsets(%dma_start3A_157 : memref<128xi32, #tpu.memory_space<vmem>>) semaphore(%run_scoped3A : memref<!tpu.dma_semaphore, #tpu.memory_space<semaphore_mem>>) {add = true}
          %dma_wait3A_161 = arith.constant 0 : i32
          %dma_wait3A_162 = tpu.memref_slice %arg10[%add3A_138, %dma_wait3A_161] : memref<80x128xi32, #tpu.memory_space<vmem>> -> memref<1x128xi32, #tpu.memory_space<vmem>>
          %dma_wait3A_163 = tpu.memref_squeeze %dma_wait3A_162 : memref<1x128xi32, #tpu.memory_space<vmem>> -> memref<128xi32, #tpu.memory_space<vmem>>
          %dma_wait3A_164 = arith.constant 0 : i32
          %dma_wait3A_165 = arith.constant 0 : i32
          %dma_wait3A_166 = tpu.memref_slice %arg19[%dma_wait3A_164, %dma_wait3A_165] : memref<10240x16xf32, #tpu.memory_space<vmem_shared>> -> memref<10240x16xf32, #tpu.memory_space<vmem_shared>>
          tpu.wait_indirect_dma semaphore(%run_scoped3A : memref<!tpu.dma_semaphore, #tpu.memory_space<semaphore_mem>>) src(%arg18 : memref<128x16xf32, #tpu.memory_space<vmem>>) dst(%dma_wait3A_166 : memref<10240x16xf32, #tpu.memory_space<vmem_shared>>)
          tpu.yield
        }) : () -> ()
        %add3A_149 = arith.constant 8 : i32
        %add3A_150 = arith.addi %add3A_138, %add3A_149 : i32
        %lt3A_151 = arith.cmpi slt, %add3A_150, %select_n3A : i32
        %convert_element_type3A_152 = arith.extui %lt3A_151 : i1 to i32
        %cond3A_153 = arith.constant 0 : i32
        %cond3A_154 = arith.cmpi ne, %convert_element_type3A_152, %cond3A_153 : i32
        scf.if %cond3A_154 {
          %add3A_155 = arith.constant 8 : i32
          %add3A_156 = arith.addi %add3A_138, %add3A_155 : i32
          %dma_start3A_157 = arith.constant 0 : i32
          %dma_start3A_158 = tpu.memref_slice %arg9[%add3A_156, %dma_start3A_157] : memref<80x128xi32, #tpu.memory_space<vmem>> -> memref<1x128xi32, #tpu.memory_space<vmem>>
          %dma_start3A_159 = tpu.memref_squeeze %dma_start3A_158 : memref<1x128xi32, #tpu.memory_space<vmem>> -> memref<128xi32, #tpu.memory_space<vmem>>
          %dma_start3A_160 = arith.constant 0 : i32
          %dma_start3A_161 = arith.constant 0 : i32
          %dma_start3A_162 = tpu.memref_slice %arg2[%dma_start3A_160, %dma_start3A_161] : memref<10240x16xf32, #tpu.memory_space<hbm>> -> memref<10240x16xf32, #tpu.memory_space<hbm>>
          tpu.enqueue_indirect_dma source(%dma_start3A_162 : memref<10240x16xf32, #tpu.memory_space<hbm>>) target(%arg18 : memref<128x16xf32, #tpu.memory_space<vmem>>) offsets(%dma_start3A_159 : memref<128xi32, #tpu.memory_space<vmem>>) semaphore(%arg30 : memref<!tpu.dma_semaphore, #tpu.memory_space<semaphore_mem>>)
        } else {
        }
      } else {
      }
    }
    %scan3A_79 = arith.constant 10 : i32
    %barrier3A_80 = arith.constant 0 : index
    tpu.barrier barrier_id(%barrier3A_80)
    %dma_start3A_81 = arith.constant 0 : i32
    %dma_start3A_82 = arith.constant 0 : i32
    %dma_start3A_83 = tpu.memref_slice %arg19[%dma_start3A_81, %dma_start3A_82] : memref<10240x16xf32, #tpu.memory_space<vmem_shared>> -> memref<10240x16xf32, #tpu.memory_space<vmem_shared>>
    tpu.enqueue_indirect_dma source(%dma_start3A_83 : memref<10240x16xf32, #tpu.memory_space<vmem_shared>>) target(%arg21 : memref<64x16xf32, #tpu.memory_space<vmem>>) offsets(%arg20 : memref<64xi32, #tpu.memory_space<vmem>>) semaphore(%arg23 : memref<!tpu.dma_semaphore, #tpu.memory_space<semaphore_mem>>)
    %dma_wait3A = arith.constant 0 : i32
    %dma_wait3A_84 = arith.constant 0 : i32
    %dma_wait3A_85 = tpu.memref_slice %arg19[%dma_wait3A, %dma_wait3A_84] : memref<10240x16xf32, #tpu.memory_space<vmem_shared>> -> memref<10240x16xf32, #tpu.memory_space<vmem_shared>>
    tpu.wait_indirect_dma semaphore(%arg23 : memref<!tpu.dma_semaphore, #tpu.memory_space<semaphore_mem>>) src(%dma_wait3A_85 : memref<10240x16xf32, #tpu.memory_space<vmem_shared>>) dst(%arg21 : memref<64x16xf32, #tpu.memory_space<vmem>>)
    %mul3A_86 = arith.constant 64 : i32
    %mul3A_87 = arith.muli %arg1, %mul3A_86 : i32
    "tpu.region"() ({
      %run_scoped3A = tpu.sem_alloc : memref<!tpu.dma_semaphore, #tpu.memory_space<semaphore_mem>>
      %dma_start3A_92 = arith.constant 0 : i32
      %dma_start3A_93 = tpu.memref_slice %arg7[%arg0, %mul3A_87, %dma_start3A_92] : memref<2x1024x16xf32, #tpu.memory_space<hbm>> -> memref<1x64x16xf32, #tpu.memory_space<hbm>>
      %dma_start3A_94 = tpu.memref_squeeze %dma_start3A_93 : memref<1x64x16xf32, #tpu.memory_space<hbm>> -> memref<64x16xf32, #tpu.memory_space<hbm>>
      %dma_start3A_95 = arith.constant 0 : i32
      %dma_start3A_96 = tpu.memref_slice %arg7[%arg0, %mul3A_87, %dma_start3A_95] : memref<2x1024x16xf32, #tpu.memory_space<hbm>> -> memref<1x64x16xf32, #tpu.memory_space<hbm>>
      %dma_start3A_97 = tpu.memref_squeeze %dma_start3A_96 : memref<1x64x16xf32, #tpu.memory_space<hbm>> -> memref<64x16xf32, #tpu.memory_space<hbm>>
      tpu.enqueue_dma source(%arg21 : memref<64x16xf32, #tpu.memory_space<vmem>>) target(%dma_start3A_97 : memref<64x16xf32, #tpu.memory_space<hbm>>) target_semaphore(%run_scoped3A : memref<!tpu.dma_semaphore, #tpu.memory_space<semaphore_mem>>)
      %dma_wait3A_98 = arith.constant 0 : i32
      %dma_wait3A_99 = tpu.memref_slice %arg7[%arg0, %mul3A_87, %dma_wait3A_98] : memref<2x1024x16xf32, #tpu.memory_space<hbm>> -> memref<1x64x16xf32, #tpu.memory_space<hbm>>
      %dma_wait3A_100 = tpu.memref_squeeze %dma_wait3A_99 : memref<1x64x16xf32, #tpu.memory_space<hbm>> -> memref<64x16xf32, #tpu.memory_space<hbm>>
      %dma_wait3A_101 = arith.constant 0 : i32
      %dma_wait3A_102 = tpu.memref_slice %arg7[%arg0, %mul3A_87, %dma_wait3A_101] : memref<2x1024x16xf32, #tpu.memory_space<hbm>> -> memref<1x64x16xf32, #tpu.memory_space<hbm>>
      %dma_wait3A_103 = tpu.memref_squeeze %dma_wait3A_102 : memref<1x64x16xf32, #tpu.memory_space<hbm>> -> memref<64x16xf32, #tpu.memory_space<hbm>>
      tpu.wait_dma2 semaphore(%run_scoped3A : memref<!tpu.dma_semaphore, #tpu.memory_space<semaphore_mem>>) src(%arg21 : memref<64x16xf32, #tpu.memory_space<vmem>>) dst(%dma_wait3A_103 : memref<64x16xf32, #tpu.memory_space<hbm>>)
      tpu.yield
    }) : () -> ()
    %eq3A = arith.constant 0 : i32
    %eq3A_88 = arith.cmpi eq, %arg0, %eq3A : i32
    %convert_element_type3A_89 = arith.extui %eq3A_88 : i1 to i32
    %cond3A_90 = arith.constant 0 : i32
    %cond3A_91 = arith.cmpi ne, %convert_element_type3A_89, %cond3A_90 : i32
    scf.if %cond3A_91 {
      %dma_start3A_92 = arith.constant 0 : i32
      %dma_start3A_93 = arith.constant 0 : i32
      %dma_start3A_94 = tpu.memref_slice %arg5[%dma_start3A_92, %dma_start3A_93] : memref<10240x16xf32, #tpu.memory_space<hbm>> -> memref<10240x16xf32, #tpu.memory_space<hbm>>
      tpu.enqueue_indirect_dma source(%dma_start3A_94 : memref<10240x16xf32, #tpu.memory_space<hbm>>) target(%arg22 : memref<64x16xf32, #tpu.memory_space<vmem>>) offsets(%arg20 : memref<64xi32, #tpu.memory_space<vmem>>) semaphore(%arg24 : memref<!tpu.dma_semaphore, #tpu.memory_space<semaphore_mem>>)
      %dma_wait3A_95 = arith.constant 0 : i32
      %dma_wait3A_96 = arith.constant 0 : i32
      %dma_wait3A_97 = tpu.memref_slice %arg5[%dma_wait3A_95, %dma_wait3A_96] : memref<10240x16xf32, #tpu.memory_space<hbm>> -> memref<10240x16xf32, #tpu.memory_space<hbm>>
      tpu.wait_indirect_dma semaphore(%arg24 : memref<!tpu.dma_semaphore, #tpu.memory_space<semaphore_mem>>) src(%dma_wait3A_97 : memref<10240x16xf32, #tpu.memory_space<hbm>>) dst(%arg22 : memref<64x16xf32, #tpu.memory_space<vmem>>)
      %mul3A_98 = arith.constant 64 : i32
      %mul3A_99 = arith.muli %arg1, %mul3A_98 : i32
      "tpu.region"() ({
        %run_scoped3A = tpu.sem_alloc : memref<!tpu.dma_semaphore, #tpu.memory_space<semaphore_mem>>
        %dma_start3A_100 = arith.constant 0 : i32
        %dma_start3A_101 = tpu.memref_slice %arg8[%mul3A_99, %dma_start3A_100] : memref<1024x16xf32, #tpu.memory_space<hbm>> -> memref<64x16xf32, #tpu.memory_space<hbm>>
        %dma_start3A_102 = arith.constant 0 : i32
        %dma_start3A_103 = tpu.memref_slice %arg8[%mul3A_99, %dma_start3A_102] : memref<1024x16xf32, #tpu.memory_space<hbm>> -> memref<64x16xf32, #tpu.memory_space<hbm>>
        tpu.enqueue_dma source(%arg22 : memref<64x16xf32, #tpu.memory_space<vmem>>) target(%dma_start3A_103 : memref<64x16xf32, #tpu.memory_space<hbm>>) target_semaphore(%run_scoped3A : memref<!tpu.dma_semaphore, #tpu.memory_space<semaphore_mem>>)
        %dma_wait3A_104 = arith.constant 0 : i32
        %dma_wait3A_105 = tpu.memref_slice %arg8[%mul3A_99, %dma_wait3A_104] : memref<1024x16xf32, #tpu.memory_space<hbm>> -> memref<64x16xf32, #tpu.memory_space<hbm>>
        %dma_wait3A_106 = arith.constant 0 : i32
        %dma_wait3A_107 = tpu.memref_slice %arg8[%mul3A_99, %dma_wait3A_106] : memref<1024x16xf32, #tpu.memory_space<hbm>> -> memref<64x16xf32, #tpu.memory_space<hbm>>
        tpu.wait_dma2 semaphore(%run_scoped3A : memref<!tpu.dma_semaphore, #tpu.memory_space<semaphore_mem>>) src(%arg22 : memref<64x16xf32, #tpu.memory_space<vmem>>) dst(%dma_wait3A_107 : memref<64x16xf32, #tpu.memory_space<hbm>>)
        tpu.yield
      }) : () -> ()
    } else {
    }
    return
  }
}

module attributes {stable_mosaic.version = 14 : i64} {
  func.func @_mm1b_body(%arg0: i32, %arg1: memref<5120x32xf32, #tpu.memory_space<vmem>>, %arg2: memref<2x5120xf32, #tpu.memory_space<vmem>>, %arg3: memref<5120x32xf32, #tpu.memory_space<vmem>>, %arg4: memref<5120x1xf32, #tpu.memory_space<vmem>>, %arg5: memref<5120x1xf32, #tpu.memory_space<vmem>>, %arg6: memref<5120x16xf32, #tpu.memory_space<vmem>>) attributes {dimension_semantics = [#tpu.dimension_semantics<arbitrary>], iteration_bounds = array<i64: 2>, scalar_prefetch = 0 : i64, scratch_operands = 0 : i64, tpu.core_type = #tpu.core_type<tc>, window_params = [{transform_indices = @transform_0, window_bounds = array<i64: 5120, 32>}, {transform_indices = @transform_1, window_bounds = array<i64: 2, 5120>}, {transform_indices = @transform_2, window_bounds = array<i64: 5120, 32>}, {transform_indices = @transform_3, window_bounds = array<i64: 5120, 1>}, {transform_indices = @transform_4, window_bounds = array<i64: 5120, 1>}, {transform_indices = @transform_5, window_bounds = array<i64: 5120, 16>}]} {
    %get3A = arith.constant 0 : index
    %get3A_0 = arith.constant 0 : index
    %get3A_1 = vector.load %arg2[%get3A, %get3A_0] : memref<2x5120xf32, #tpu.memory_space<vmem>>, vector<2x5120xf32>
    %slice3A = vector.extract_strided_slice %get3A_1 {offsets = [1, 0], sizes = [1, 5120], strides = [1, 1]} : vector<2x5120xf32> to vector<1x5120xf32>
    %squeeze3A = vector.shape_cast %slice3A : vector<1x5120xf32> to vector<5120xf32>
    %max3A = arith.constant 1.000000e+00 : f32
    %max3A_2 = vector.broadcast %max3A : f32 to vector<5120xf32>
    %max3A_3 = arith.maximumf %squeeze3A, %max3A_2 : vector<5120xf32>
    %rsqrt3A = math.rsqrt %max3A_3 : vector<5120xf32>
    %reshape3A = vector.shape_cast %rsqrt3A : vector<5120xf32> to vector<5120x1xf32>
    %slice3A_4 = vector.extract_strided_slice %get3A_1 {offsets = [0, 0], sizes = [1, 5120], strides = [1, 1]} : vector<2x5120xf32> to vector<1x5120xf32>
    %squeeze3A_5 = vector.shape_cast %slice3A_4 : vector<1x5120xf32> to vector<5120xf32>
    %max3A_6 = arith.constant 1.000000e+00 : f32
    %max3A_7 = vector.broadcast %max3A_6 : f32 to vector<5120xf32>
    %max3A_8 = arith.maximumf %squeeze3A_5, %max3A_7 : vector<5120xf32>
    %rsqrt3A_9 = math.rsqrt %max3A_8 : vector<5120xf32>
    %reshape3A_10 = vector.shape_cast %rsqrt3A_9 : vector<5120xf32> to vector<5120x1xf32>
    %get3A_11 = arith.constant 0 : index
    %get3A_12 = arith.constant 0 : index
    %get3A_13 = vector.load %arg1[%get3A_11, %get3A_12] : memref<5120x32xf32, #tpu.memory_space<vmem>>, vector<5120x32xf32>
    %mul3A = vector.broadcast %reshape3A : vector<5120x1xf32> to vector<5120x32xf32>
    %mul3A_14 = arith.mulf %get3A_13, %mul3A : vector<5120x32xf32>
    %swap3A = arith.constant 0 : index
    %swap3A_15 = arith.constant 0 : index
    %swap3A_16 = vector.load %arg3[%swap3A, %swap3A_15] : memref<5120x32xf32, #tpu.memory_space<vmem>>, vector<5120x32xf32>
    tpu.vector_store %arg3[%swap3A, %swap3A_15], %mul3A_14 {strides = array<i32>} : memref<5120x32xf32, #tpu.memory_space<vmem>>, vector<5120x32xf32>,
    %swap3A_17 = arith.constant 0 : index
    %swap3A_18 = arith.constant 0 : index
    %swap3A_19 = vector.load %arg4[%swap3A_17, %swap3A_18] : memref<5120x1xf32, #tpu.memory_space<vmem>>, vector<5120x1xf32>
    tpu.vector_store %arg4[%swap3A_17, %swap3A_18], %reshape3A {strides = array<i32>} : memref<5120x1xf32, #tpu.memory_space<vmem>>, vector<5120x1xf32>,
    %swap3A_20 = arith.constant 0 : index
    %swap3A_21 = arith.constant 0 : index
    %swap3A_22 = vector.load %arg5[%swap3A_20, %swap3A_21] : memref<5120x1xf32, #tpu.memory_space<vmem>>, vector<5120x1xf32>
    tpu.vector_store %arg5[%swap3A_20, %swap3A_21], %reshape3A_10 {strides = array<i32>} : memref<5120x1xf32, #tpu.memory_space<vmem>>, vector<5120x1xf32>,
    %broadcast_in_dim3A = vector.shape_cast %reshape3A_10 : vector<5120x1xf32> to vector<5120x1xf32>
    %broadcast_in_dim3A_23 = vector.broadcast %broadcast_in_dim3A : vector<5120x1xf32> to vector<5120x16xf32>
    %swap3A_24 = arith.constant 0 : index
    %swap3A_25 = arith.constant 0 : index
    %swap3A_26 = vector.load %arg6[%swap3A_24, %swap3A_25] : memref<5120x16xf32, #tpu.memory_space<vmem>>, vector<5120x16xf32>
    tpu.vector_store %arg6[%swap3A_24, %swap3A_25], %broadcast_in_dim3A_23 {strides = array<i32>} : memref<5120x16xf32, #tpu.memory_space<vmem>>, vector<5120x16xf32>,
    return
  }
  func.func @transform_0(%arg0: i32) -> (i32, i32) {
    %c0_i32 = arith.constant 0 : i32
    %c0_i32_0 = arith.constant 0 : i32
    return %arg0, %c0_i32 : i32, i32
  }
  func.func @transform_1(%arg0: i32) -> (i32, i32) {
    %c0_i32 = arith.constant 0 : i32
    %c0_i32_0 = arith.constant 0 : i32
    return %c0_i32, %arg0 : i32, i32
  }
  func.func @transform_2(%arg0: i32) -> (i32, i32) {
    %c0_i32 = arith.constant 0 : i32
    %c0_i32_0 = arith.constant 0 : i32
    return %arg0, %c0_i32 : i32, i32
  }
  func.func @transform_3(%arg0: i32) -> (i32, i32) {
    %c0_i32 = arith.constant 0 : i32
    %c0_i32_0 = arith.constant 0 : i32
    return %arg0, %c0_i32 : i32, i32
  }
  func.func @transform_4(%arg0: i32) -> (i32, i32) {
    %c0_i32 = arith.constant 0 : i32
    %c0_i32_0 = arith.constant 0 : i32
    return %arg0, %c0_i32 : i32, i32
  }
  func.func @transform_5(%arg0: i32) -> (i32, i32) {
    %c0_i32 = arith.constant 0 : i32
    %c0_i32_0 = arith.constant 0 : i32
    return %arg0, %c0_i32 : i32, i32
  }
}

module attributes {stable_mosaic.version = 14 : i64} {
  func.func @_mm1a_body(%arg0: i32, %arg1: memref<2048x128xf32, #tpu.memory_space<vmem>>, %arg2: memref<128x32xf32, #tpu.memory_space<vmem>>, %arg3: memref<2048x32xf32, #tpu.memory_space<vmem>>) attributes {dimension_semantics = [#tpu.dimension_semantics<arbitrary>], iteration_bounds = array<i64: 5>, scalar_prefetch = 0 : i64, scratch_operands = 0 : i64, tpu.core_type = #tpu.core_type<tc>, window_params = [{transform_indices = @transform_0, window_bounds = array<i64: 2048, 128>}, {pipeline_mode = #tpu.pipeline_mode<synchronous>, transform_indices = @transform_1, window_bounds = array<i64: 128, 32>}, {transform_indices = @transform_2, window_bounds = array<i64: 2048, 32>}]} {
    %get3A = arith.constant 0 : index
    %get3A_0 = arith.constant 0 : index
    %get3A_1 = vector.load %arg1[%get3A, %get3A_0] : memref<2048x128xf32, #tpu.memory_space<vmem>>, vector<2048x128xf32>
    %get3A_2 = arith.constant 0 : index
    %get3A_3 = arith.constant 0 : index
    %get3A_4 = vector.load %arg2[%get3A_2, %get3A_3] : memref<128x32xf32, #tpu.memory_space<vmem>>, vector<128x32xf32>
    %dot_general3A = arith.constant dense<0.000000e+00> : vector<2048x32xf32>
    %dot_general3A_5 = tpu.matmul %get3A_1, %get3A_4, %dot_general3A {dimension_numbers = #tpu.dot_dimension_numbers<[1], [0], [0], [1], [0, 0, 1, 1], [], []>, transpose_lhs_hint = false} : vector<2048x128xf32>, vector<128x32xf32>, vector<2048x32xf32> -> vector<2048x32xf32>
    %swap3A = arith.constant 0 : index
    %swap3A_6 = arith.constant 0 : index
    %swap3A_7 = vector.load %arg3[%swap3A, %swap3A_6] : memref<2048x32xf32, #tpu.memory_space<vmem>>, vector<2048x32xf32>
    tpu.vector_store %arg3[%swap3A, %swap3A_6], %dot_general3A_5 {strides = array<i32>} : memref<2048x32xf32, #tpu.memory_space<vmem>>, vector<2048x32xf32>,
    return
  }
  func.func @transform_0(%arg0: i32) -> (i32, i32) {
    %c0_i32 = arith.constant 0 : i32
    %c0_i32_0 = arith.constant 0 : i32
    return %arg0, %c0_i32 : i32, i32
  }
  func.func @transform_1(%arg0: i32) -> (i32, i32) {
    %c0_i32 = arith.constant 0 : i32
    %c0_i32_0 = arith.constant 0 : i32
    %c0_i32_1 = arith.constant 0 : i32
    return %c0_i32, %c0_i32_0 : i32, i32
  }
  func.func @transform_2(%arg0: i32) -> (i32, i32) {
    %c0_i32 = arith.constant 0 : i32
    %c0_i32_0 = arith.constant 0 : i32
    return %arg0, %c0_i32 : i32, i32
  }
}

module attributes {stable_mosaic.version = 14 : i64} {
  func.func @_mm2_body(%arg0: i32, %arg1: memref<2x5120x32xf32, #tpu.memory_space<vmem>>, %arg2: memref<5120x1xf32, #tpu.memory_space<vmem>>, %arg3: memref<5120x1xf32, #tpu.memory_space<vmem>>, %arg4: memref<32x16xf32, #tpu.memory_space<vmem>>, %arg5: memref<5120x16xf32, #tpu.memory_space<vmem>>) attributes {dimension_semantics = [#tpu.dimension_semantics<arbitrary>], iteration_bounds = array<i64: 2>, scalar_prefetch = 0 : i64, scratch_operands = 0 : i64, tpu.core_type = #tpu.core_type<tc>, window_params = [{transform_indices = @transform_0, window_bounds = array<i64: 2, 5120, 32>}, {transform_indices = @transform_1, window_bounds = array<i64: 5120, 1>}, {transform_indices = @transform_2, window_bounds = array<i64: 5120, 1>}, {pipeline_mode = #tpu.pipeline_mode<synchronous>, transform_indices = @transform_3, window_bounds = array<i64: 32, 16>}, {transform_indices = @transform_4, window_bounds = array<i64: 5120, 16>}]} {
    %get3A = arith.constant 0 : index
    %get3A_0 = arith.constant 0 : index
    %get3A_1 = arith.constant 0 : index
    %get3A_2 = vector.load %arg1[%get3A, %get3A_0, %get3A_1] : memref<2x5120x32xf32, #tpu.memory_space<vmem>>, vector<2x5120x32xf32>
    %slice3A = vector.extract_strided_slice %get3A_2 {offsets = [0, 0, 0], sizes = [1, 5120, 32], strides = [1, 1, 1]} : vector<2x5120x32xf32> to vector<1x5120x32xf32>
    %squeeze3A = vector.shape_cast %slice3A : vector<1x5120x32xf32> to vector<5120x32xf32>
    %slice3A_3 = vector.extract_strided_slice %get3A_2 {offsets = [1, 0, 0], sizes = [1, 5120, 32], strides = [1, 1, 1]} : vector<2x5120x32xf32> to vector<1x5120x32xf32>
    %squeeze3A_4 = vector.shape_cast %slice3A_3 : vector<1x5120x32xf32> to vector<5120x32xf32>
    %add3A = arith.addf %squeeze3A, %squeeze3A_4 : vector<5120x32xf32>
    %get3A_5 = arith.constant 0 : index
    %get3A_6 = arith.constant 0 : index
    %get3A_7 = vector.load %arg3[%get3A_5, %get3A_6] : memref<5120x1xf32, #tpu.memory_space<vmem>>, vector<5120x1xf32>
    %mul3A = vector.broadcast %get3A_7 : vector<5120x1xf32> to vector<5120x32xf32>
    %mul3A_8 = arith.mulf %add3A, %mul3A : vector<5120x32xf32>
    %max3A = arith.constant 0.000000e+00 : f32
    %max3A_9 = vector.broadcast %max3A : f32 to vector<5120x32xf32>
    %max3A_10 = arith.maximumf %mul3A_8, %max3A_9 : vector<5120x32xf32>
    %get3A_11 = arith.constant 0 : index
    %get3A_12 = arith.constant 0 : index
    %get3A_13 = vector.load %arg4[%get3A_11, %get3A_12] : memref<32x16xf32, #tpu.memory_space<vmem>>, vector<32x16xf32>
    %dot_general3A = arith.constant dense<0.000000e+00> : vector<5120x16xf32>
    %dot_general3A_14 = tpu.matmul %max3A_10, %get3A_13, %dot_general3A {dimension_numbers = #tpu.dot_dimension_numbers<[1], [0], [0], [1], [0, 0, 1, 1], [], []>, transpose_lhs_hint = false} : vector<5120x32xf32>, vector<32x16xf32>, vector<5120x16xf32> -> vector<5120x16xf32>
    %get3A_15 = arith.constant 0 : index
    %get3A_16 = arith.constant 0 : index
    %get3A_17 = vector.load %arg2[%get3A_15, %get3A_16] : memref<5120x1xf32, #tpu.memory_space<vmem>>, vector<5120x1xf32>
    %mul3A_18 = vector.broadcast %get3A_17 : vector<5120x1xf32> to vector<5120x16xf32>
    %mul3A_19 = arith.mulf %dot_general3A_14, %mul3A_18 : vector<5120x16xf32>
    %swap3A = arith.constant 0 : index
    %swap3A_20 = arith.constant 0 : index
    %swap3A_21 = vector.load %arg5[%swap3A, %swap3A_20] : memref<5120x16xf32, #tpu.memory_space<vmem>>, vector<5120x16xf32>
    tpu.vector_store %arg5[%swap3A, %swap3A_20], %mul3A_19 {strides = array<i32>} : memref<5120x16xf32, #tpu.memory_space<vmem>>, vector<5120x16xf32>,
    return
  }
  func.func @transform_0(%arg0: i32) -> (i32, i32, i32) {
    %c0_i32 = arith.constant 0 : i32
    %c0_i32_0 = arith.constant 0 : i32
    %c0_i32_1 = arith.constant 0 : i32
    return %c0_i32, %arg0, %c0_i32_0 : i32, i32, i32
  }
  func.func @transform_1(%arg0: i32) -> (i32, i32) {
    %c0_i32 = arith.constant 0 : i32
    %c0_i32_0 = arith.constant 0 : i32
    return %arg0, %c0_i32 : i32, i32
  }
  func.func @transform_2(%arg0: i32) -> (i32, i32) {
    %c0_i32 = arith.constant 0 : i32
    %c0_i32_0 = arith.constant 0 : i32
    return %arg0, %c0_i32 : i32, i32
  }
  func.func @transform_3(%arg0: i32) -> (i32, i32) {
    %c0_i32 = arith.constant 0 : i32
    %c0_i32_0 = arith.constant 0 : i32
    %c0_i32_1 = arith.constant 0 : i32
    return %c0_i32, %c0_i32_0 : i32, i32
  }
  func.func @transform_4(%arg0: i32) -> (i32, i32) {
    %c0_i32 = arith.constant 0 : i32
    %c0_i32_0 = arith.constant 0 : i32
    return %arg0, %c0_i32 : i32, i32
  }
}

module attributes {stable_mosaic.version = 14 : i64} {
  func.func @_dec_body(%arg0: i32, %arg1: memref<2x200x16xf32, #tpu.memory_space<vmem>>, %arg2: memref<200x16xf32, #tpu.memory_space<vmem>>, %arg3: memref<2x1024x16xf32, #tpu.memory_space<vmem>>, %arg4: memref<1024x16xf32, #tpu.memory_space<vmem>>, %arg5: memref<2x200x1000xf32, #tpu.memory_space<vmem>>) attributes {dimension_semantics = [#tpu.dimension_semantics<arbitrary>], iteration_bounds = array<i64: 5>, scalar_prefetch = 0 : i64, scratch_operands = 0 : i64, tpu.core_type = #tpu.core_type<tc>, window_params = [{transform_indices = @transform_0, window_bounds = array<i64: 2, 200, 16>}, {transform_indices = @transform_1, window_bounds = array<i64: 200, 16>}, {pipeline_mode = #tpu.pipeline_mode<synchronous>, transform_indices = @transform_2, window_bounds = array<i64: 2, 1024, 16>}, {pipeline_mode = #tpu.pipeline_mode<synchronous>, transform_indices = @transform_3, window_bounds = array<i64: 1024, 16>}, {transform_indices = @transform_4, window_bounds = array<i64: 2, 200, 1000>}]} {
    %get3A = arith.constant 0 : index
    %get3A_0 = arith.constant 0 : index
    %get3A_1 = arith.constant 0 : index
    %get3A_2 = vector.load %arg1[%get3A, %get3A_0, %get3A_1] : memref<2x200x16xf32, #tpu.memory_space<vmem>>, vector<2x200x16xf32>
    %slice3A = vector.extract_strided_slice %get3A_2 {offsets = [0, 0, 0], sizes = [1, 200, 16], strides = [1, 1, 1]} : vector<2x200x16xf32> to vector<1x200x16xf32>
    %squeeze3A = vector.shape_cast %slice3A : vector<1x200x16xf32> to vector<200x16xf32>
    %slice3A_3 = vector.extract_strided_slice %get3A_2 {offsets = [1, 0, 0], sizes = [1, 200, 16], strides = [1, 1, 1]} : vector<2x200x16xf32> to vector<1x200x16xf32>
    %squeeze3A_4 = vector.shape_cast %slice3A_3 : vector<1x200x16xf32> to vector<200x16xf32>
    %add3A = arith.addf %squeeze3A, %squeeze3A_4 : vector<200x16xf32>
    %get3A_5 = arith.constant 0 : index
    %get3A_6 = arith.constant 0 : index
    %get3A_7 = vector.load %arg2[%get3A_5, %get3A_6] : memref<200x16xf32, #tpu.memory_space<vmem>>, vector<200x16xf32>
    %mul3A = arith.mulf %add3A, %get3A_7 : vector<200x16xf32>
    %get3A_8 = arith.constant 0 : index
    %get3A_9 = arith.constant 0 : index
    %get3A_10 = arith.constant 0 : index
    %get3A_11 = vector.load %arg3[%get3A_8, %get3A_9, %get3A_10] : memref<2x1024x16xf32, #tpu.memory_space<vmem>>, vector<2x1024x16xf32>
    %slice3A_12 = vector.extract_strided_slice %get3A_11 {offsets = [0, 0, 0], sizes = [1, 1024, 16], strides = [1, 1, 1]} : vector<2x1024x16xf32> to vector<1x1024x16xf32>
    %squeeze3A_13 = vector.shape_cast %slice3A_12 : vector<1x1024x16xf32> to vector<1024x16xf32>
    %slice3A_14 = vector.extract_strided_slice %get3A_11 {offsets = [1, 0, 0], sizes = [1, 1024, 16], strides = [1, 1, 1]} : vector<2x1024x16xf32> to vector<1x1024x16xf32>
    %squeeze3A_15 = vector.shape_cast %slice3A_14 : vector<1x1024x16xf32> to vector<1024x16xf32>
    %add3A_16 = arith.addf %squeeze3A_13, %squeeze3A_15 : vector<1024x16xf32>
    %get3A_17 = arith.constant 0 : index
    %get3A_18 = arith.constant 0 : index
    %get3A_19 = vector.load %arg4[%get3A_17, %get3A_18] : memref<1024x16xf32, #tpu.memory_space<vmem>>, vector<1024x16xf32>
    %mul3A_20 = arith.mulf %add3A_16, %get3A_19 : vector<1024x16xf32>
    %slice3A_21 = vector.extract_strided_slice %mul3A_20 {offsets = [0, 0], sizes = [1000, 16], strides = [1, 1]} : vector<1024x16xf32> to vector<1000x16xf32>
    %dot_general3A = arith.constant dense<0.000000e+00> : vector<200x1000xf32>
    %dot_general3A_22 = tpu.matmul %mul3A, %slice3A_21, %dot_general3A {dimension_numbers = #tpu.dot_dimension_numbers<[1], [1], [0], [0], [0, 0, 1, 0], [], []>, transpose_lhs_hint = false} : vector<200x16xf32>, vector<1000x16xf32>, vector<200x1000xf32> -> vector<200x1000xf32>
    %mul3A_23 = arith.mulf %mul3A, %mul3A : vector<200x16xf32>
    %reduce_sum3A = arith.constant dense<0.000000e+00> : vector<200xf32>
    %reduce_sum3A_24 = vector.multi_reduction <add>, %mul3A_23, %reduce_sum3A [1] : vector<200x16xf32> to vector<200xf32>
    %mul3A_25 = arith.mulf %slice3A_21, %slice3A_21 : vector<1000x16xf32>
    %reduce_sum3A_26 = arith.constant dense<0.000000e+00> : vector<1000xf32>
    %reduce_sum3A_27 = vector.multi_reduction <add>, %mul3A_25, %reduce_sum3A_26 [1] : vector<1000x16xf32> to vector<1000xf32>
    %broadcast_in_dim3A = vector.shape_cast %reduce_sum3A_24 : vector<200xf32> to vector<200x1xf32>
    %broadcast_in_dim3A_28 = vector.shape_cast %reduce_sum3A_27 : vector<1000xf32> to vector<1x1000xf32>
    %add3A_29 = vector.broadcast %broadcast_in_dim3A : vector<200x1xf32> to vector<200x1000xf32>
    %add3A_30 = vector.broadcast %broadcast_in_dim3A_28 : vector<1x1000xf32> to vector<200x1000xf32>
    %add3A_31 = arith.addf %add3A_29, %add3A_30 : vector<200x1000xf32>
    %mul3A_32 = arith.constant 2.000000e+00 : f32
    %mul3A_33 = vector.broadcast %mul3A_32 : f32 to vector<200x1000xf32>
    %mul3A_34 = arith.mulf %mul3A_33, %dot_general3A_22 : vector<200x1000xf32>
    %sub3A = arith.subf %add3A_31, %mul3A_34 : vector<200x1000xf32>
    %max3A = arith.constant 0.000000e+00 : f32
    %max3A_35 = vector.broadcast %max3A : f32 to vector<200x1000xf32>
    %max3A_36 = arith.maximumf %sub3A, %max3A_35 : vector<200x1000xf32>
    %swap3A = arith.constant 0 : index
    %swap3A_37 = arith.constant 0 : index
    %swap3A_38 = arith.constant 0 : index
    %swap3A_39 = vector.load %arg5[%swap3A, %swap3A_37, %swap3A_38] : memref<2x200x1000xf32, #tpu.memory_space<vmem>>, vector<1x200x1000xf32>
    %swap3A_40 = vector.shape_cast %swap3A_39 : vector<1x200x1000xf32> to vector<200x1000xf32>
    %swap3A_41 = vector.shape_cast %dot_general3A_22 : vector<200x1000xf32> to vector<1x200x1000xf32>
    tpu.vector_store %arg5[%swap3A, %swap3A_37, %swap3A_38], %swap3A_41 {strides = array<i32>} : memref<2x200x1000xf32, #tpu.memory_space<vmem>>, vector<1x200x1000xf32>,
    %add3A_42 = arith.constant 9.99999996E-13 : f32
    %add3A_43 = vector.broadcast %add3A_42 : f32 to vector<200x1000xf32>
    %add3A_44 = arith.addf %max3A_36, %add3A_43 : vector<200x1000xf32>
    %sqrt3A = math.sqrt %add3A_44 : vector<200x1000xf32>
    %swap3A_45 = arith.constant 1 : index
    %swap3A_46 = arith.constant 0 : index
    %swap3A_47 = arith.constant 0 : index
    %swap3A_48 = vector.load %arg5[%swap3A_45, %swap3A_46, %swap3A_47] : memref<2x200x1000xf32, #tpu.memory_space<vmem>>, vector<1x200x1000xf32>
    %swap3A_49 = vector.shape_cast %swap3A_48 : vector<1x200x1000xf32> to vector<200x1000xf32>
    %swap3A_50 = vector.shape_cast %sqrt3A : vector<200x1000xf32> to vector<1x200x1000xf32>
    tpu.vector_store %arg5[%swap3A_45, %swap3A_46, %swap3A_47], %swap3A_50 {strides = array<i32>} : memref<2x200x1000xf32, #tpu.memory_space<vmem>>, vector<1x200x1000xf32>,
    return
  }
  func.func @transform_0(%arg0: i32) -> (i32, i32, i32) {
    %c0_i32 = arith.constant 0 : i32
    %c0_i32_0 = arith.constant 0 : i32
    %c0_i32_1 = arith.constant 0 : i32
    return %c0_i32, %arg0, %c0_i32_0 : i32, i32, i32
  }
  func.func @transform_1(%arg0: i32) -> (i32, i32) {
    %c0_i32 = arith.constant 0 : i32
    %c0_i32_0 = arith.constant 0 : i32
    return %arg0, %c0_i32 : i32, i32
  }
  func.func @transform_2(%arg0: i32) -> (i32, i32, i32) {
    %c0_i32 = arith.constant 0 : i32
    %c0_i32_0 = arith.constant 0 : i32
    %c0_i32_1 = arith.constant 0 : i32
    %c0_i32_2 = arith.constant 0 : i32
    return %c0_i32, %c0_i32_0, %c0_i32_1 : i32, i32, i32
  }
  func.func @transform_3(%arg0: i32) -> (i32, i32) {
    %c0_i32 = arith.constant 0 : i32
    %c0_i32_0 = arith.constant 0 : i32
    %c0_i32_1 = arith.constant 0 : i32
    return %c0_i32, %c0_i32_0 : i32, i32
  }
  func.func @transform_4(%arg0: i32) -> (i32, i32, i32) {
    %c0_i32 = arith.constant 0 : i32
    %c0_i32_0 = arith.constant 0 : i32
    %c0_i32_1 = arith.constant 0 : i32
    return %c0_i32, %arg0, %c0_i32_0 : i32, i32, i32
  }
}

</mosaic_0001>

<sc_bundles>
// kernel: kernel.12.cloned.1.call-start
scs
__scs_entry_jumppad:
0x0: {  	(pc) =	sbr.rel $0x88, $3  }
0x1: {  	(tag) =	ssettag $0x0;
	lr =	simm.s32 $0x1  }
0x2: {  	[smem:$0x3F9C] =	sst lr;
	_ =	strace $0xD0000000  }
0x3: {  	_ = 	snop  }
0x4: {  	_ = 	snop  }
0x5: {  	_ = 	snop  }
0x6: {  	_ = 	snop  }
0x7: {  	_ = 	snop  }
__scs_overlays_trampoline_lowered:
0x8: {  	[smem:$0x3FAB] =	sst s0  }
0x9: {  	[smem:$0x3FAC] =	sst s1  }
0xa: {  	[smem:$0x3FAD] =	sst s2  }
0xb: {  	[smem:$0x3FAE] =	sst s3  }
0xc: {  	[smem:$0x3FAF] =	sst s4  }
0xd: {  	[smem:$0x3FB0] =	sst s5  }
0xe: {  	[smem:$0x3FB1] =	sst s6  }
0xf: {  	[smem:$0x3FB2] =	sst s7  }
0x10: {  	[smem:$0x3FB3] =	sst s8  }
0x11: {  	[smem:$0x3FB4] =	sst s9;
	s0 =	simm.s32 @!p0 $0x0  }
0x12: {  	s1 =	sld [smem:$0x3F9A];
	s0 =	simm.s32 @p0 $0x1  }
0x13: {  	[smem:$0x3FB5] =	sst s0;
	s0 =	simm.s32 @!p1 $0x0  }
0x14: {  	s2 =	sld [smem:$0x3F99];
	s0 =	simm.s32 @p1 $0x1  }
0x15: {  	[smem:$0x3FB6] =	sst s0;
	s0 =	simm.s32 @!p2 $0x0  }
0x16: {  	s3 =	sld [smem:$0x3FDB];
	s0 =	simm.s32 @p2 $0x1  }
0x17: {  	s4 =	simm.s32 $0x1BF5;
	[smem:$0x3FB8] =	sst s0  }
0x18: {  	s0 =	sld [smem:$0x3F9B];
	_ =	swait.ge [sflag:s4], $0x0  }
0x19: {  	s7 =	sld [smem:$0x3F9C]  }
0x1a: {  	s8 =	sadd.s32 $0xFFFFE003, lr  }
0x1b: {  	s9 =	sadd.s32 $0xFFFFFEF7, lr;
	s5 =	simm.s32 $0xFFFFFFFF;
	p2 =	slt.u32 s8, $0xFFFFF086  }
0x1c: {  	p1 =	slt.u32 s9, $0xF7A;
	s5 =	simm.s32 @!p2 $0x0  }
0x1d: {  	s5 =	simm.s32 @p1 $0x1;
	p0 =	seq.s32 s7, s2  }
0x1e: {  	s7 =	smul.u32 @!p0 $0xF7A, s2;
	p2 =	seq.s32 @!p0 s5, $0x0  }
0x1f: {  	s9 =	smul.u32 $0xF7A, s1;
	s8 =	simm.s32 @!p0 $0x1BF5;
	p2 =	por !p2, p0  }
0x20: {  	[sflag:s8] =	ssyncset.s32 @!p0 $0xFFFFF086;
	s6 =	sadd.s32 @!p0 s3, s7;
	s7 =	simm.s32 @!p0 $0x108  }
0x21: {  	s3 =	sadd.s32 s3, s9;
	s6 =	sadd.s32 @!p0 $0x88, s6;
	s7 =	simm.s32 @p2 $0x1082  }
0x22: {  	[simem:s7], [sflag:s8] =	dma.local @!p0 [hbm:s6], $0xF7A  }
0x23: {  	s9 =	sor.u32 $0xD0000000, s2;
	s6 =	simm.s32 $0x108;
	_ =	swait.ge @!p0 [sflag:s8], $0x0  }
0x24: {  	s3 =	sadd.s32 $0x88, s3;
	s6 =	simm.s32 @!p1 $0x1082;
	[sflag:s4] =	ssyncset.s32 $0xFFFFF086  }
0x25: {  	[simem:s6], [sflag:s4] =	dma.local [hbm:s3], $0xF7A  }
0x26: {  	[smem:$0x3F9C] =	sst s1;
	(tag) =	ssettag s2;
	_ =	strace s9  }
0x27: {  	s1 =	sld [smem:$0x3FAC]  }
0x28: {  	s2 =	sld [smem:$0x3FAD]  }
0x29: {  	s4 =	sld [smem:$0x3FAF]  }
0x2a: {  	p0 =	seq.s32 s5, $0x0;
	s5 =	sld [smem:$0x3FB0]  }
0x2b: {  	s6 =	sld [smem:$0x3FB1]  }
0x2c: {  	s7 =	sld [smem:$0x3FB2]  }
0x2d: {  	s3 =	simm.s32 $0x108;
	s8 =	sld [smem:$0x3FB3]  }
0x2e: {  	s3 =	simm.s32 @!p0 $0x1082;
	s9 =	sld [smem:$0x3FB4]  }
0x2f: {  	lr =	sadd.s32 s0, s3;
	s0 =	sld [smem:$0x3FAB]  }
0x30: {  	s3 =	sld [smem:$0x3FAE]  }
0x31: {  	[smem:$0x3FB7] =	sst s10  }
0x32: {  	s10 =	sld [smem:$0x3FB5];
	_ =	sdelay $0x3  }
0x33: {  	p0 =	seq.s32 s10, $0x1;
	s10 =	sld [smem:$0x3FB7];
	_ =	sdelay $0x3  }
0x34: {  	[smem:$0x3FB7] =	sst s10  }
0x35: {  	s10 =	sld [smem:$0x3FB6];
	_ =	sdelay $0x3  }
0x36: {  	p1 =	seq.s32 s10, $0x1;
	s10 =	sld [smem:$0x3FB7];
	_ =	sdelay $0x3  }
0x37: {  	[smem:$0x3FB7] =	sst s10  }
0x38: {  	s10 =	sld [smem:$0x3FB8]  }
0x39: {  	_ = 	snop;
	(pc) =	sbr.ind lr, $3  }
0x3a: {  	_ = 	snop  }
0x3b: {  	_ = 	snop  }
0x3c: {  	p2 =	seq.s32 s10, $0x1;
	s10 =	sld [smem:$0x3FB7]  }
0x3d: {  	_ =	shalt  }
0x3e: {  	_ =	shalt  }
0x3f: {  	_ =	shalt  }
0x40: {  	_ =	shalt  }
0x41: {  	_ =	shalt  }
0x42: {  	_ =	shalt  }
0x43: {  	_ =	shalt  }
0x44: {  	_ =	shalt  }
0x45: {  	_ =	shalt  }
0x46: {  	_ =	shalt  }
0x47: {  	_ =	shalt  }
0x48: {  	_ =	shalt  }
0x49: {  	_ =	shalt  }
0x4a: {  	_ =	shalt  }
0x4b: {  	_ =	shalt  }
0x4c: {  	_ =	shalt  }
0x4d: {  	_ =	shalt  }
0x4e: {  	_ =	shalt  }
0x4f: {  	_ =	shalt  }
0x50: {  	_ =	shalt  }
0x51: {  	_ =	shalt  }
0x52: {  	_ =	shalt  }
0x53: {  	_ =	shalt  }
0x54: {  	_ =	shalt  }
0x55: {  	_ =	shalt  }
0x56: {  	_ =	shalt  }
0x57: {  	_ =	shalt  }
0x58: {  	_ =	shalt  }
0x59: {  	_ =	shalt  }
0x5a: {  	_ =	shalt  }
0x5b: {  	_ =	shalt  }
0x5c: {  	_ =	shalt  }
0x5d: {  	_ =	shalt  }
0x5e: {  	_ =	shalt  }
0x5f: {  	_ =	shalt  }
0x60: {  	_ =	shalt  }
0x61: {  	_ =	shalt  }
0x62: {  	_ =	shalt  }
0x63: {  	_ =	shalt  }
0x64: {  	_ =	shalt  }
0x65: {  	_ =	shalt  }
0x66: {  	_ =	shalt  }
0x67: {  	_ =	shalt  }
0x68: {  	_ =	shalt  }
0x69: {  	_ =	shalt  }
0x6a: {  	_ =	shalt  }
0x6b: {  	_ =	shalt  }
0x6c: {  	_ =	shalt  }
0x6d: {  	_ =	shalt  }
0x6e: {  	_ =	shalt  }
0x6f: {  	_ =	shalt  }
0x70: {  	_ =	shalt  }
0x71: {  	_ =	shalt  }
0x72: {  	_ =	shalt  }
0x73: {  	_ =	shalt  }
0x74: {  	_ =	shalt  }
0x75: {  	_ =	shalt  }
0x76: {  	_ =	shalt  }
0x77: {  	_ =	shalt  }
0x78: {  	_ =	shalt  }
0x79: {  	_ =	shalt  }
0x7a: {  	_ =	shalt  }
0x7b: {  	_ =	shalt  }
0x7c: {  	_ =	shalt  }
0x7d: {  	_ =	shalt  }
0x7e: {  	_ =	shalt  }
0x7f: {  	_ =	shalt  }
0x80: {  	_ =	shalt  }
0x81: {  	_ =	shalt  }
0x82: {  	_ =	shalt  }
0x83: {  	_ =	shalt  }
0x84: {  	_ =	shalt  }
0x85: {  	_ =	shalt  }
0x86: {  	_ =	shalt  }
0x87: {  	_ =	shalt  }
.Lfunc_end0:
.L_simem_size_0:
called_computation.1_lowered:
.L_overlay_start_0:
0x88: {  	s2 =	sld [smem:$0x3FD9]  }
0x89: {  	s3 =	sld [smem:$0x3FFE];
	_ =	sdelay $0x1  }
0x8a: {  	s1 =	srdreg.scid  }
0x8b: {  	s0 =	sand.u32 $0x1, s1  }
0x8c: {  	s17 =	sshll.u32 s0, $0xA;
	s2 =	sadd.s32 s3, s2  }
0x8d: {  	s2 =	sadd.s32 s2, s17  }
0x8e: {  	[smem:$0x3FC3] =	sst s2  }
0x8f: {  	_ = 	snop  }
0x90: {  	s2 =	sld [smem:$0x3FD0];
	(tm) =	ssettm $0x1  }
0x91: {  	s18 =	sld [smem:$0x3FFB];
	_ =	sdelay $0x3  }
0x92: {  	_ =	strace s18  }
0x93: {  	s3 =	sld [smem:$0x3FFC];
	_ =	sdelay $0x3  }
0x94: {  	_ =	strace s3  }
0x95: {  	s3 =	sld [smem:$0x3FFD];
	_ =	sdelay $0x3  }
0x96: {  	_ =	strace s3  }
0x97: {  	_ =	strace $0x8FFFFFFF  }
0x98: {  	s19 =	sld [smem:$0x3FDB];
	_ =	sdelay $0x1  }
0x99: {  	s4 =	simm.s32 $_scs_section_size  }
0x9a: {  	s5 =	simm.s32 $_size__tile_overlayer_lowered;
	s6 =	simm.s32 $_tile_overlayer_lowered  }
0x9b: {  	s22 =	simm.s32 $0x1BFF;
	s21 =	sshll.u32 s6, $0x1;
	s3 =	sadd.s32 s4, s19  }
0x9c: {  	s7 =	simm.s32 $0x0;
	s20 =	sshll.u32 s5, $0x1;
	s5 =	sadd.s32 s21, s3  }
0x9d: {  	[timem:s7], [sflag:s22] =	dma.local [hbm:s5], s20  }
0x9e: {  	_ =	swait.ge [sflag:s22], s20  }
0x9f: {  	s4 =	ssub.s32 $0x0, s20;
	[sflag:s22] =	ssyncset.done $0x0  }
0xa0: {  	[sflag:s22] =	ssyncadd.s32 s4;
	_ =	sdelay $0x1  }
0xa1: {  	s23 =	simm.s32 $0x1B8B  }
0xa2: {  	_ =	swait.ge [sflag:s23], $0x1  }
0xa3: {  	[sflag:s23] =	ssyncset.done $0x0  }
0xa4: {  	s25 =	simm.s32 $0x1B8E;
	s24 =	sld [smem:$0x3FFE];
	[sflag:s23] =	ssyncadd.s32 $0xFFFFFFFF  }
0xa5: {  	s26 =	simm.s32 $execute0_lowered;
	[smem:$0x3FD2] =	sst s25  }
0xa6: {  	s5 =	sshll.u32 s26, $0x1;
	_ =	strace $0x80000049;
	[dreg:$0x1] =	wrdreg $0xFFFFFFFF  }
0xa7: {  	s28 =	simm.s32 $_size_execute0_lowered;
	s3 =	sadd.s32 s3, s5;
	[dreg:$0x0] =	wrdreg $0x0  }
0xa8: {  	s5 =	sshll.u32 s28, $0x1;
	[dreg:$0x2] =	wrdreg s3  }
0xa9: {  	[dreg:$0x3] =	wrdreg s5  }
0xaa: {  	[dreg:$0x4] =	wrdreg $0xC0  }
0xab: {  	_ =	task [dreg:s7], $0x5FFFF  }
0xac: {  	[dreg:$0x1] =	wrdreg $0xFFFFFFFF  }
0xad: {  	[dreg:$0x0] =	wrdreg $0x60  }
0xae: {  	[dreg:$0x2] =	wrdreg s24  }
0xaf: {  	[dreg:$0x3] =	wrdreg s2  }
0xb0: {  	[dreg:$0x4] =	wrdreg $0xD0000  }
0xb1: {  	[dreg:$0x5] =	wrdreg $0x9  }
0xb2: {  	_ =	task.clear_ibuf [dreg:s7], $0x6FFFF;
	_ =	strace $0x90000049  }
0xb3: {  	s29 =	simm.s32 $0x9;
	_ =	strace $0x8000004B  }
0xb4: {  	_ =	swait.ge [sflag:s29], $0x1  }
0xb5: {  	[sflag:s29] =	ssyncadd.s32 $0xFFFFFFFF  }
0xb6: {  	_ =	strace $0x9000004B  }
0xb7: {  	_ =	sfence  }
0xb8: {  	s30 =	sld [smem:$0x0];
	_ =	sdelay $0x2  }
0xb9: {  	s31 =	sshll.u32 s1, $0xD;
	s1 =	sshrl.u32 s1, $0x2  }
0xba: {  	s3 =	sand.u32 $0x4000, s31;
	s1 =	sadd.s32 s1, s30  }
0xbb: {  	s0 =	sor.u32 s3, s0;
	s1 =	sshll.u32 s1, $0x11  }
0xbc: {  	s0 =	sor.u32 s1, s0  }
0xbd: {  	s0 =	sadd.s32 $0x8F2B, s0  }
0xbe: {  	[sflag:s0] =	ssyncadd.remote.s32 $0x1  }
0xbf: {  	_ =	sfence.sel $0xFFFF  }
0xc0: {  	[dreg:$0x0] =	wrdreg $0xFFFFFFFF;
	(pc) =	sbr.abs _section_cstart, $3  }
0xc1: {  	[dreg:$0x1] =	wrdreg $0xFFFFFFFF  }
0xc2: {  	_ =	task.clear_ibuf [dreg:s7], $0x2FFFF;
	_ =	strace $0x9FFFFFFF  }
0xc3: {  	(tm) =	ssettm $0x7FFFFFFF  }
tec
execute0_lowered:
.L_overlay_start_1:
0x0: {  	(tag) =	ssettag $0x1  }
0x1: {  	s0 =	rddreg [dreg:$0x0]  }
0x2: {  	s1 =	srdreg.scid;
	s3 =	rddreg [dreg:$0x1]  }
0x3: {  	s2 =	rddreg [dreg:$0x2];
	s14 =	stileid.u32  }
0x4: {  	s5 =	simm.s32 $0x0;
	s28 =	simm.s32 $0x380;
	s29 =	simm.s32 $0xC000  }
0x5: {  	s30 =	simm.s32 $0x0;
	s1 =	sand.u32 $0x1, s1;
	[smem:$0x7FF] =	sst s5  }
0x6: {  	s9 =	sadd.s32 $0x2200, s0;
	s11 =	smul.u32 $0x5000, s14;
	s5 =	sadd.s32 $0x1FC00, s0  }
0x7: {  	s26 =	sshll.u32 s14, $0x6;
	s4 =	sshll.u32 s1, $0x4;
	_ =	strace $0x8000004A  }
0x8: {  	s7 =	ssub.s32 $0x2, s1;
	s1 =	smul.u32 $0x50000, s1;
	s12 =	sor.u32 s14, s4  }
0x9: {  	s10 =	sshrl.u32 s7, $0x1;
	s13 =	sadd.s32 s11, s2;
	s4 =	smin.u32 s12, $0x11  }
0xa: {  	s14 =	simm.s32 $0x80;
	s24 =	smax.u32 s12, $0x11;
	s6 =	smul.u32 $0x50, s4  }
0xb: {  	s25 =	ssub.s32 s7, s10;
	p0 =	slt.u32 s12, $0x11;
	s8 =	smul.u32 $0x4C, s24  }
0xc: {  	s7 =	simm.s32 $0x50;
	s1 =	sadd.s32 s11, s1;
	s4 =	sadd.s32 $0x15C00, s0  }
0xd: {  	s7 =	simm.s32 @!p0 $0x4C;
	s1 =	sshrl.u32 s1, $0x3;
	s6 =	sadd.s32 s6, s8  }
0xe: {  	s11 =	smax.u32 s25, $0x1;
	p0 =	sgt.u32 s12, $0x10;
	s8 =	sshll.u32 s6, $0x4  }
0xf: {  	s12 =	sshrl.u32 s13, $0x3;
	s13 =	simm.s32 $0x9;
	s8 =	sadd.s32 $0xFFFFAF40, s8  }
0x10: {  	s24 =	simm.s32 $0xA000;
	s25 =	simm.s32 $0x300;
	s31 =	sand.u32 $0x1FFFFFC0, s8  }
0x11: {  	s6 =	sor.u32 $0x1C09, s26;
	s26 =	simm.s32 $0xB000;
	s10 =	sadd.s32 s9, s31  }
0x12: {  	s8 =	sadd.s32 s9, s8;
	s9 =	sadd.s32 $0x9C40, s10;
	s10 =	sadd.s32 s3, s1  }
.LBB2_1:
0x13: {  	[spmem:s12], [sflag:s6] =	dma.local [hbm:s5], $0xA00  }
0x14: {  	_ =	swait.ge [sflag:s13], $0xA00  }
0x15: {  	[sflag:s13] =	ssyncset.done $0x0  }
0x16: {  	s0 =	simm.s32 @p0 $0x0;
	s1 =	simm.s32 @p0 $0x9;
	[sflag:s13] =	ssyncadd.s32 $0xFFFFF600  }
0x17: {  	[tilespmem:s0], [sflag:$0x9] =	stream.linear.gather @p0 [hbm4b:s8+s0], $0x2600, $0x38;
	[tilespmem:$0x12000] =	vst v63  }
0x18: {  	_ =	swait.ge @p0 [sflag:s1], $0x2600  }
0x19: {  	[sflag:s1] =	ssyncset.done @p0 $0x0  }
0x1a: {  	s3 =	simm.s32 @p0 $0x2800;
	[sflag:s1] =	ssyncadd.s32 @p0 $0xFFFFDA00  }
0x1b: {  	[tilespmem:s3], [sflag:$0x9] =	stream.linear.gather @p0 [hbm4b:s9+s0], $0x2600, $0x38;
	[tilespmem:$0x12000] =	vst v63  }
0x1c: {  	_ =	swait.ge @p0 [sflag:s1], $0x2600  }
0x1d: {  	[sflag:s1] =	ssyncset.done @p0 $0x0  }
0x1e: {  	s0 =	simm.s32 @!p0 $0x0;
	[sflag:s1] =	ssyncadd.s32 @p0 $0xFFFFDA00;
	s1 =	simm.s32 @!p0 $0x9  }
0x1f: {  	[tilespmem:s0], [sflag:$0x9] =	stream.linear.gather @!p0 [hbm4b:s8+s0], $0x2800, $0x38;
	[tilespmem:$0x12000] =	vst v63  }
0x20: {  	_ =	swait.ge @!p0 [sflag:s1], $0x2800  }
0x21: {  	[sflag:s1] =	ssyncset.done @!p0 $0x0  }
0x22: {  	s3 =	simm.s32 @!p0 $0x2800;
	[sflag:s1] =	ssyncadd.s32 @!p0 $0xFFFFD800  }
0x23: {  	[tilespmem:s3], [sflag:$0x9] =	stream.linear.gather @!p0 [hbm4b:s9+s0], $0x2800, $0x38;
	[tilespmem:$0x12000] =	vst v63  }
0x24: {  	_ =	swait.ge @!p0 [sflag:s1], $0x2800  }
0x25: {  	[sflag:s1] =	ssyncset.done @!p0 $0x0  }
0x26: {  	[sflag:s1] =	ssyncadd.s32 @!p0 $0xFFFFD800  }
0x27: {  	s15 =	simm.s32 $0x5000;
	s3 =	simm.s32 $0x0;
	[bflag:$0x0] =	sbarrier.arrive $0xFFFF  }
0x28: {  	[tilespmem:s15], [sflag:$0x1] =	stream.indirect.gather [hbm4b:s4+s14], $0x20, s3, s14, $0xb8;
	[tilespmem:$0x12000] =	vst v63  }
0x29: {  	s16 =	simm.s32 $0x6000  }
0x2a: {  	[tilespmem:s16], [sflag:$0x2] =	stream.indirect.gather [hbm4b:s4+s14], $0x20, s14, s14, $0xb8;
	[tilespmem:$0x12000] =	vst v63  }
0x2b: {  	s17 =	simm.s32 $0x100;
	s18 =	simm.s32 $0x7000  }
0x2c: {  	[tilespmem:s18], [sflag:$0x3] =	stream.indirect.gather [hbm4b:s4+s14], $0x20, s17, s14, $0xb8;
	[tilespmem:$0x12000] =	vst v63  }
0x2d: {  	s19 =	simm.s32 $0x180;
	s20 =	simm.s32 $0x8000  }
0x2e: {  	[tilespmem:s20], [sflag:$0x4] =	stream.indirect.gather [hbm4b:s4+s14], $0x20, s19, s14, $0xb8;
	[tilespmem:$0x12000] =	vst v63  }
0x2f: {  	s21 =	simm.s32 $0x200;
	s22 =	simm.s32 $0x9000  }
0x30: {  	[tilespmem:s22], [sflag:$0x5] =	stream.indirect.gather [hbm4b:s4+s14], $0x20, s21, s14, $0xb8;
	[tilespmem:$0x12000] =	vst v63  }
0x31: {  	s23 =	simm.s32 $0x280  }
0x32: {  	[tilespmem:s24], [sflag:$0x6] =	stream.indirect.gather [hbm4b:s4+s14], $0x20, s23, s14, $0xb8;
	[tilespmem:$0x12000] =	vst v63  }
0x33: {  	p1 =	sle.u32 s7, $0x0  }
0x34: {  	[tilespmem:s26], [sflag:$0x7] =	stream.indirect.gather [hbm4b:s4+s14], $0x20, s25, s14, $0xb8;
	[tilespmem:$0x12000] =	vst v63  }
0x35: {  	s0 =	simm.s32 @!p1 $0x1  }
0x36: {  	[tilespmem:s29], [sflag:$0x8] =	stream.indirect.gather [hbm4b:s4+s14], $0x20, s28, s14, $0xb8;
	[tilespmem:$0x12000] =	vst v63  }
0x37: {  	s31 =	simm.s32 @!p1 $0x5000;
	_ =	swait.ge @!p1 [sflag:s0], $0x1000  }
0x38: {  	p2 =	sle.u32 @!p1 s7, $0x8;
	s1 =	simm.s32 @!p1 $0x9;
	[sflag:s0] =	ssyncset.done @!p1 $0x0  }
0x39: {  	s3 =	simm.s32 @!p1 $0x2800;
	[sflag:s0] =	ssyncadd.s32 @!p1 $0xFFFFF000;
	s0 =	simm.s32 @!p1 $0x80  }
0x3a: {  	[spmem:s2] =	stream.indirect.scatter.add.f32 @!p1 [tilespmem:s31], [sflag:$0x9], $0x20, s3, s0, $0xb8;
	[tilespmem:$0x12000] =	vst v63  }
0x3b: {  	p3 =	por p2, p1;
	p2 =	sle.u32 s7, $0x1;
	_ =	swait.ge @!p1 [sflag:s1], $0x1000  }
0x3c: {  	s0 =	simm.s32 @!p3 $0x400;
	s3 =	simm.s32 @!p2 $0x2;
	[sflag:s1] =	ssyncset.done @!p1 $0x0  }
0x3d: {  	s31 =	simm.s32 @!p3 $0x5000;
	[sflag:s1] =	ssyncadd.s32 @!p1 $0xFFFFF000;
	s1 =	simm.s32 @!p3 $0x80  }
0x3e: {  	[tilespmem:s31], [sflag:$0x1] =	stream.indirect.gather @!p3 [hbm4b:s4+s1], $0x20, s0, s1, $0xb8;
	[tilespmem:$0x12000] =	vst v63  }
0x3f: {  	s0 =	simm.s32 @!p2 $0x2880;
	_ =	swait.ge @!p2 [sflag:s3], $0x1000  }
0x40: {  	p3 =	sle.u32 @!p2 s7, $0x9;
	s1 =	simm.s32 @!p2 $0x9;
	[sflag:s3] =	ssyncset.done @!p2 $0x0  }
0x41: {  	s31 =	simm.s32 @!p2 $0x80;
	[sflag:s3] =	ssyncadd.s32 @!p2 $0xFFFFF000;
	s3 =	simm.s32 @!p2 $0x6000  }
0x42: {  	[spmem:s2] =	stream.indirect.scatter.add.f32 @!p2 [tilespmem:s3], [sflag:$0x9], $0x20, s0, s31, $0xb8;
	[tilespmem:$0x12000] =	vst v63  }
0x43: {  	p1 =	sle.u32 s7, $0x2;
	p3 =	por p3, p2;
	_ =	swait.ge @!p2 [sflag:s1], $0x1000  }
0x44: {  	s0 =	simm.s32 @!p3 $0x6000;
	s3 =	simm.s32 @!p3 $0x480;
	[sflag:s1] =	ssyncset.done @!p2 $0x0  }
0x45: {  	s31 =	simm.s32 @!p1 $0x3;
	[sflag:s1] =	ssyncadd.s32 @!p2 $0xFFFFF000;
	s1 =	simm.s32 @!p3 $0x80  }
0x46: {  	[tilespmem:s0], [sflag:$0x2] =	stream.indirect.gather @!p3 [hbm4b:s4+s1], $0x20, s3, s1, $0xb8;
	[tilespmem:$0x12000] =	vst v63  }
0x47: {  	p2 =	sle.u32 @!p1 s7, $0xA;
	_ =	swait.ge @!p1 [sflag:s31], $0x1000  }
0x48: {  	s0 =	simm.s32 @!p1 $0x2900;
	s1 =	simm.s32 @!p1 $0x7000;
	[sflag:s31] =	ssyncset.done @!p1 $0x0  }
0x49: {  	s3 =	simm.s32 @!p1 $0x80;
	[sflag:s31] =	ssyncadd.s32 @!p1 $0xFFFFF000;
	s31 =	simm.s32 @!p1 $0x9  }
0x4a: {  	[spmem:s2] =	stream.indirect.scatter.add.f32 @!p1 [tilespmem:s1], [sflag:$0x9], $0x20, s0, s3, $0xb8;
	[tilespmem:$0x12000] =	vst v63  }
0x4b: {  	p3 =	por p2, p1;
	p2 =	sle.u32 s7, $0x3;
	_ =	swait.ge @!p1 [sflag:s31], $0x1000  }
0x4c: {  	s0 =	simm.s32 @!p3 $0x7000;
	s1 =	simm.s32 @!p3 $0x500;
	[sflag:s31] =	ssyncset.done @!p1 $0x0  }
0x4d: {  	s3 =	simm.s32 @!p3 $0x80;
	[sflag:s31] =	ssyncadd.s32 @!p1 $0xFFFFF000;
	s31 =	simm.s32 @!p2 $0x4  }
0x4e: {  	[tilespmem:s0], [sflag:$0x3] =	stream.indirect.gather @!p3 [hbm4b:s4+s3], $0x20, s1, s3, $0xb8;
	[tilespmem:$0x12000] =	vst v63  }
0x4f: {  	p1 =	sle.u32 @!p2 s7, $0xB;
	_ =	swait.ge @!p2 [sflag:s31], $0x1000  }
0x50: {  	s0 =	simm.s32 @!p2 $0x2980;
	s1 =	simm.s32 @!p2 $0x80;
	[sflag:s31] =	ssyncset.done @!p2 $0x0  }
0x51: {  	s3 =	simm.s32 @!p2 $0x8000;
	[sflag:s31] =	ssyncadd.s32 @!p2 $0xFFFFF000;
	s31 =	simm.s32 @!p2 $0x9  }
0x52: {  	[spmem:s2] =	stream.indirect.scatter.add.f32 @!p2 [tilespmem:s3], [sflag:$0x9], $0x20, s0, s1, $0xb8;
	[tilespmem:$0x12000] =	vst v63  }
0x53: {  	p1 =	por p1, p2;
	p3 =	sle.u32 s7, $0x4;
	_ =	swait.ge @!p2 [sflag:s31], $0x1000  }
0x54: {  	s0 =	simm.s32 @!p1 $0x580;
	s1 =	simm.s32 @!p1 $0x8000;
	[sflag:s31] =	ssyncset.done @!p2 $0x0  }
0x55: {  	s3 =	simm.s32 @!p1 $0x80;
	[sflag:s31] =	ssyncadd.s32 @!p2 $0xFFFFF000;
	s31 =	simm.s32 @!p3 $0x5  }
0x56: {  	[tilespmem:s1], [sflag:$0x4] =	stream.indirect.gather @!p1 [hbm4b:s4+s3], $0x20, s0, s3, $0xb8;
	[tilespmem:$0x12000] =	vst v63  }
0x57: {  	p2 =	sle.u32 @!p3 s7, $0xC;
	_ =	swait.ge @!p3 [sflag:s31], $0x1000  }
0x58: {  	s0 =	simm.s32 @!p3 $0x2A00;
	s1 =	simm.s32 @!p3 $0x9;
	[sflag:s31] =	ssyncset.done @!p3 $0x0  }
0x59: {  	s3 =	simm.s32 @!p3 $0x80;
	[sflag:s31] =	ssyncadd.s32 @!p3 $0xFFFFF000;
	s31 =	simm.s32 @!p3 $0x9000  }
0x5a: {  	[spmem:s2] =	stream.indirect.scatter.add.f32 @!p3 [tilespmem:s31], [sflag:$0x9], $0x20, s0, s3, $0xb8;
	[tilespmem:$0x12000] =	vst v63  }
0x5b: {  	p1 =	sle.u32 s7, $0x5;
	p2 =	por p2, p3;
	_ =	swait.ge @!p3 [sflag:s1], $0x1000  }
0x5c: {  	s0 =	simm.s32 @!p2 $0x9000;
	s3 =	simm.s32 @!p2 $0x600;
	[sflag:s1] =	ssyncset.done @!p3 $0x0  }
0x5d: {  	s31 =	simm.s32 @!p1 $0x6;
	[sflag:s1] =	ssyncadd.s32 @!p3 $0xFFFFF000;
	s1 =	simm.s32 @!p2 $0x80  }
0x5e: {  	[tilespmem:s0], [sflag:$0x5] =	stream.indirect.gather @!p2 [hbm4b:s4+s1], $0x20, s3, s1, $0xb8;
	[tilespmem:$0x12000] =	vst v63  }
0x5f: {  	s0 =	simm.s32 @!p1 $0xA000;
	_ =	swait.ge @!p1 [sflag:s31], $0x1000  }
0x60: {  	p2 =	sle.u32 @!p1 s7, $0xD;
	s1 =	simm.s32 @!p1 $0x2A80;
	[sflag:s31] =	ssyncset.done @!p1 $0x0  }
0x61: {  	s3 =	simm.s32 @!p1 $0x80;
	[sflag:s31] =	ssyncadd.s32 @!p1 $0xFFFFF000;
	s31 =	simm.s32 @!p1 $0x9  }
0x62: {  	[spmem:s2] =	stream.indirect.scatter.add.f32 @!p1 [tilespmem:s0], [sflag:$0x9], $0x20, s1, s3, $0xb8;
	[tilespmem:$0x12000] =	vst v63  }
0x63: {  	p3 =	por p2, p1;
	p2 =	sle.u32 s7, $0x6;
	_ =	swait.ge @!p1 [sflag:s31], $0x1000  }
0x64: {  	s0 =	simm.s32 @!p3 $0xA000;
	s1 =	simm.s32 @!p3 $0x680;
	[sflag:s31] =	ssyncset.done @!p1 $0x0  }
0x65: {  	s3 =	simm.s32 @!p3 $0x80;
	[sflag:s31] =	ssyncadd.s32 @!p1 $0xFFFFF000;
	s31 =	simm.s32 @!p2 $0x7  }
0x66: {  	[tilespmem:s0], [sflag:$0x6] =	stream.indirect.gather @!p3 [hbm4b:s4+s3], $0x20, s1, s3, $0xb8;
	[tilespmem:$0x12000] =	vst v63  }
0x67: {  	p1 =	sle.u32 @!p2 s7, $0xE;
	s0 =	simm.s32 @!p2 $0x2B00;
	_ =	swait.ge @!p2 [sflag:s31], $0x1000  }
0x68: {  	s1 =	simm.s32 @!p2 $0x80;
	s3 =	simm.s32 @!p2 $0xB000;
	[sflag:s31] =	ssyncset.done @!p2 $0x0  }
0x69: {  	p1 =	por p1, p2;
	[sflag:s31] =	ssyncadd.s32 @!p2 $0xFFFFF000;
	s31 =	simm.s32 @!p2 $0x9  }
0x6a: {  	[spmem:s2] =	stream.indirect.scatter.add.f32 @!p2 [tilespmem:s3], [sflag:$0x9], $0x20, s0, s1, $0xb8;
	[tilespmem:$0x12000] =	vst v63  }
0x6b: {  	s0 =	simm.s32 @!p1 $0x700;
	_ =	swait.ge @!p2 [sflag:s31], $0x1000  }
0x6c: {  	s1 =	simm.s32 @!p1 $0x80;
	s3 =	simm.s32 @!p1 $0xB000;
	[sflag:s31] =	ssyncset.done @!p2 $0x0  }
0x6d: {  	[sflag:s31] =	ssyncadd.s32 @!p2 $0xFFFFF000;
	p2 =	sle.u32 s7, $0x7;
	s31 =	simm.s32 $0x0  }
0x6e: {  	[tilespmem:s3], [sflag:$0x7] =	stream.indirect.gather @!p1 [hbm4b:s4+s1], $0x20, s0, s1, $0xb8;
	[tilespmem:$0x12000] =	vst v63  }
0x6f: {  	s0 =	simm.s32 $0x8;
	s3 =	simm.s32 $0x1000;
	s1 =	simm.s32 $0x0  }
.LBB2_2:
0x70: {  	s15 =	simm.s32 @!p2 $0x8  }
0x71: {  	s16 =	sshra.s32 @!p2 s31, $0x2;
	s17 =	sadd.s32 @!p2 $0xF, s1;
	s1 =	smov.u32 s0  }
0x72: {  	s18 =	simm.s32 @!p2 $0x80;
	_ =	swait.ge @!p2 [sflag:s15], $0x1000;
	s16 =	sadd.s32 @!p2 $0x2B80, s16  }
0x73: {  	s0 =	sadd.s32 $0x8, s0;
	p1 =	sge.u32 @!p2 s17, s7;
	[sflag:s15] =	ssyncset.done @!p2 $0x0  }
0x74: {  	p4 =	por p1, p2;
	[sflag:s15] =	ssyncadd.s32 @!p2 $0xFFFFF000;
	s15 =	simm.s32 @!p2 $0xC000  }
0x75: {  	s17 =	simm.s32 @!p2 $0x9;
	s31 =	sshra.s32 @!p4 s31, $0x2;
	s19 =	simm.s32 @!p4 $0xC000  }
0x76: {  	[spmem:s2] =	stream.indirect.scatter.add.f32 @!p2 [tilespmem:s15], [sflag:$0x9], $0x20, s16, s18, $0xb8;
	[tilespmem:$0x12000] =	vst v63  }
0x77: {  	p1 =	sne.s32 s0, $0x50;
	s15 =	sadd.s32 @!p4 $0x780, s31;
	_ =	swait.ge @!p2 [sflag:s17], $0x1000  }
0x78: {  	s16 =	simm.s32 @!p4 $0x80;
	s31 =	smov.u32 s3;
	[sflag:s17] =	ssyncset.done @!p2 $0x0  }
0x79: {  	p3 =	sge.u32 s1, s7;
	s18 =	sadd.s32 $0x2, s1;
	[sflag:s17] =	ssyncadd.s32 @!p2 $0xFFFFF000  }
0x7a: {  	[tilespmem:s19], [sflag:$0x8] =	stream.indirect.gather @!p4 [hbm4b:s4+s16], $0x20, s15, s16, $0xb8;
	[tilespmem:$0x12000] =	vst v63  }
0x7b: {  	s17 =	simm.s32 @!p3 $0x9;
	s15 =	simm.s32 @!p3 $0x1;
	s16 =	sshra.s32 @!p3 s3, $0x2  }
0x7c: {  	s19 =	sadd.s32 @!p3 $0x8, s1;
	s16 =	sadd.s32 @!p3 $0x2800, s16;
	_ =	swait.ge @!p3 [sflag:s15], $0x1000  }
0x7d: {  	p2 =	sge.u32 s18, s7;
	p4 =	sge.u32 @!p3 s19, s7;
	[sflag:s15] =	ssyncset.done @!p3 $0x0  }
0x7e: {  	s18 =	simm.s32 @!p3 $0x5000;
	[sflag:s15] =	ssyncadd.s32 @!p3 $0xFFFFF000;
	s15 =	simm.s32 @!p3 $0x80  }
0x7f: {  	[spmem:s2] =	stream.indirect.scatter.add.f32 @!p3 [tilespmem:s18], [sflag:$0x9], $0x20, s16, s15, $0xb8;
	[tilespmem:$0x12000] =	vst v63  }
0x80: {  	p4 =	por p4, p3;
	s15 =	sshra.s32 @!p2 s3, $0x2;
	_ =	swait.ge @!p3 [sflag:s17], $0x1000  }
0x81: {  	s16 =	sshra.s32 @!p4 s3, $0x2;
	s18 =	sadd.s32 $0x1, s1;
	[sflag:s17] =	ssyncset.done @!p3 $0x0  }
0x82: {  	s16 =	sadd.s32 @!p4 $0x400, s16;
	[sflag:s17] =	ssyncadd.s32 @!p3 $0xFFFFF000;
	p3 =	sge.u32 s18, s7  }
0x83: {  	s17 =	simm.s32 @!p4 $0x80;
	s18 =	simm.s32 @!p3 $0x2;
	s19 =	sshra.s32 @!p3 s3, $0x2  }
0x84: {  	s20 =	simm.s32 @!p4 $0x5000;
	s21 =	sadd.s32 @!p3 $0x9, s1;
	s19 =	sadd.s32 @!p3 $0x2880, s19  }
0x85: {  	s15 =	sadd.s32 @!p2 $0x2900, s15;
	p5 =	sge.u32 @!p3 s21, s7;
	s21 =	sadd.s32 @!p2 $0xA, s1  }
0x86: {  	[tilespmem:s20], [sflag:$0x1] =	stream.indirect.gather @!p4 [hbm4b:s4+s17], $0x20, s16, s17, $0xb8;
	[tilespmem:$0x12000] =	vst v63  }
0x87: {  	p5 =	por p5, p3;
	s16 =	simm.s32 @!p3 $0x9;
	_ =	swait.ge @!p3 [sflag:s18], $0x1000  }
0x88: {  	s17 =	simm.s32 @!p3 $0x80;
	s20 =	simm.s32 @!p3 $0x6000;
	[sflag:s18] =	ssyncset.done @!p3 $0x0  }
0x89: {  	s22 =	simm.s32 @!p5 $0x6000;
	[sflag:s18] =	ssyncadd.s32 @!p3 $0xFFFFF000;
	s18 =	sshra.s32 @!p5 s3, $0x2  }
0x8a: {  	[spmem:s2] =	stream.indirect.scatter.add.f32 @!p3 [tilespmem:s20], [sflag:$0x9], $0x20, s19, s17, $0xb8;
	[tilespmem:$0x12000] =	vst v63  }
0x8b: {  	s17 =	sadd.s32 @!p5 $0x480, s18;
	s18 =	simm.s32 @!p2 $0x3;
	_ =	swait.ge @!p3 [sflag:s16], $0x1000  }
0x8c: {  	p4 =	sge.u32 @!p2 s21, s7;
	s19 =	simm.s32 @!p2 $0x7000;
	[sflag:s16] =	ssyncset.done @!p3 $0x0  }
0x8d: {  	p4 =	por p4, p2;
	[sflag:s16] =	ssyncadd.s32 @!p3 $0xFFFFF000;
	s16 =	simm.s32 @!p5 $0x80  }
0x8e: {  	[tilespmem:s22], [sflag:$0x2] =	stream.indirect.gather @!p5 [hbm4b:s4+s16], $0x20, s17, s16, $0xb8;
	[tilespmem:$0x12000] =	vst v63  }
0x8f: {  	s16 =	simm.s32 @!p2 $0x80;
	s17 =	simm.s32 @!p4 $0x7000;
	_ =	swait.ge @!p2 [sflag:s18], $0x1000  }
0x90: {  	s21 =	sshra.s32 @!p4 s3, $0x2;
	s20 =	simm.s32 @!p2 $0x9;
	[sflag:s18] =	ssyncset.done @!p2 $0x0  }
0x91: {  	[sflag:s18] =	ssyncadd.s32 @!p2 $0xFFFFF000;
	s18 =	sadd.s32 @!p4 $0x500, s21;
	s21 =	sadd.s32 $0x3, s1  }
0x92: {  	[spmem:s2] =	stream.indirect.scatter.add.f32 @!p2 [tilespmem:s19], [sflag:$0x9], $0x20, s15, s16, $0xb8;
	[tilespmem:$0x12000] =	vst v63  }
0x93: {  	s15 =	simm.s32 @!p4 $0x80;
	p3 =	sge.u32 s21, s7;
	_ =	swait.ge @!p2 [sflag:s20], $0x1000  }
0x94: {  	s16 =	simm.s32 @!p3 $0x4;
	s19 =	sshra.s32 @!p3 s3, $0x2;
	[sflag:s20] =	ssyncset.done @!p2 $0x0  }
0x95: {  	s19 =	sadd.s32 @!p3 $0x2980, s19;
	[sflag:s20] =	ssyncadd.s32 @!p2 $0xFFFFF000;
	s20 =	sadd.s32 @!p3 $0xB, s1  }
0x96: {  	[tilespmem:s17], [sflag:$0x3] =	stream.indirect.gather @!p4 [hbm4b:s4+s15], $0x20, s18, s15, $0xb8;
	[tilespmem:$0x12000] =	vst v63  }
0x97: {  	s15 =	simm.s32 @!p3 $0x80;
	s17 =	simm.s32 @!p3 $0x8000;
	_ =	swait.ge @!p3 [sflag:s16], $0x1000  }
0x98: {  	s18 =	simm.s32 @!p3 $0x9;
	p2 =	sge.u32 @!p3 s20, s7;
	[sflag:s16] =	ssyncset.done @!p3 $0x0  }
0x99: {  	p5 =	por p2, p3;
	[sflag:s16] =	ssyncadd.s32 @!p3 $0xFFFFF000;
	s16 =	sadd.s32 $0x5, s1  }
0x9a: {  	s21 =	sadd.s32 $0x4, s1;
	s20 =	sshra.s32 @!p5 s3, $0x2;
	p2 =	sge.u32 s16, s7  }
0x9b: {  	s16 =	sadd.s32 @!p5 $0x580, s20;
	s20 =	simm.s32 @!p5 $0x8000;
	s22 =	simm.s32 @!p2 $0xA000  }
0x9c: {  	[spmem:s2] =	stream.indirect.scatter.add.f32 @!p3 [tilespmem:s17], [sflag:$0x9], $0x20, s19, s15, $0xb8;
	[tilespmem:$0x12000] =	vst v63  }
0x9d: {  	p4 =	sge.u32 s21, s7;
	s15 =	simm.s32 @!p5 $0x80;
	_ =	swait.ge @!p3 [sflag:s18], $0x1000  }
0x9e: {  	s17 =	simm.s32 @!p4 $0x5;
	s19 =	sshra.s32 @!p4 s3, $0x2;
	[sflag:s18] =	ssyncset.done @!p3 $0x0  }
0x9f: {  	[sflag:s18] =	ssyncadd.s32 @!p3 $0xFFFFF000;
	s18 =	sadd.s32 @!p4 $0x2A00, s19;
	s19 =	sadd.s32 @!p4 $0xC, s1  }
0xa0: {  	s21 =	sadd.s32 @!p2 $0xD, s1;
	p3 =	sge.u32 @!p4 s19, s7;
	s19 =	sshra.s32 @!p2 s3, $0x2  }
0xa1: {  	[tilespmem:s20], [sflag:$0x4] =	stream.indirect.gather @!p5 [hbm4b:s4+s15], $0x20, s16, s15, $0xb8;
	[tilespmem:$0x12000] =	vst v63  }
0xa2: {  	s15 =	simm.s32 @!p4 $0x9;
	p3 =	por p3, p4;
	_ =	swait.ge @!p4 [sflag:s17], $0x1000  }
0xa3: {  	s16 =	simm.s32 @!p4 $0x80;
	s20 =	simm.s32 @!p4 $0x9000;
	[sflag:s17] =	ssyncset.done @!p4 $0x0  }
0xa4: {  	s23 =	simm.s32 @!p3 $0x9000;
	[sflag:s17] =	ssyncadd.s32 @!p4 $0xFFFFF000;
	s17 =	sshra.s32 @!p3 s3, $0x2  }
0xa5: {  	[spmem:s2] =	stream.indirect.scatter.add.f32 @!p4 [tilespmem:s20], [sflag:$0x9], $0x20, s18, s16, $0xb8;
	[tilespmem:$0x12000] =	vst v63  }
0xa6: {  	s16 =	sadd.s32 @!p3 $0x600, s17;
	s17 =	sadd.s32 @!p2 $0x2A80, s19;
	_ =	swait.ge @!p4 [sflag:s15], $0x1000  }
0xa7: {  	p5 =	sge.u32 @!p2 s21, s7;
	s18 =	simm.s32 @!p2 $0x6;
	[sflag:s15] =	ssyncset.done @!p4 $0x0  }
0xa8: {  	[sflag:s15] =	ssyncadd.s32 @!p4 $0xFFFFF000;
	s15 =	simm.s32 @!p3 $0x80;
	p4 =	por p5, p2  }
0xa9: {  	[tilespmem:s23], [sflag:$0x5] =	stream.indirect.gather @!p3 [hbm4b:s4+s15], $0x20, s16, s15, $0xb8;
	[tilespmem:$0x12000] =	vst v63  }
0xaa: {  	s15 =	simm.s32 @!p2 $0x80;
	s16 =	simm.s32 @!p4 $0xA000;
	_ =	swait.ge @!p2 [sflag:s18], $0x1000  }
0xab: {  	s19 =	simm.s32 @!p2 $0x9;
	s20 =	sshra.s32 @!p4 s3, $0x2;
	[sflag:s18] =	ssyncset.done @!p2 $0x0  }
0xac: {  	[sflag:s18] =	ssyncadd.s32 @!p2 $0xFFFFF000;
	s18 =	sadd.s32 @!p4 $0x680, s20;
	s20 =	sadd.s32 $0x6, s1  }
0xad: {  	[spmem:s2] =	stream.indirect.scatter.add.f32 @!p2 [tilespmem:s22], [sflag:$0x9], $0x20, s17, s15, $0xb8;
	[tilespmem:$0x12000] =	vst v63  }
0xae: {  	s15 =	simm.s32 @!p4 $0x80;
	p3 =	sge.u32 s20, s7;
	_ =	swait.ge @!p2 [sflag:s19], $0x1000  }
0xaf: {  	s17 =	simm.s32 @!p3 $0x7;
	s20 =	sshra.s32 @!p3 s3, $0x2;
	[sflag:s19] =	ssyncset.done @!p2 $0x0  }
0xb0: {  	[sflag:s19] =	ssyncadd.s32 @!p2 $0xFFFFF000;
	s19 =	sadd.s32 @!p3 $0x2B00, s20;
	s20 =	sadd.s32 @!p3 $0xE, s1  }
0xb1: {  	[tilespmem:s16], [sflag:$0x6] =	stream.indirect.gather @!p4 [hbm4b:s4+s15], $0x20, s18, s15, $0xb8;
	[tilespmem:$0x12000] =	vst v63  }
0xb2: {  	s15 =	simm.s32 @!p3 $0x80;
	s16 =	simm.s32 @!p3 $0xB000;
	_ =	swait.ge @!p3 [sflag:s17], $0x1000  }
0xb3: {  	s18 =	simm.s32 @!p3 $0x9;
	p2 =	sge.u32 @!p3 s20, s7;
	[sflag:s17] =	ssyncset.done @!p3 $0x0  }
0xb4: {  	p2 =	por p2, p3;
	[sflag:s17] =	ssyncadd.s32 @!p3 $0xFFFFF000  }
0xb5: {  	[spmem:s2] =	stream.indirect.scatter.add.f32 @!p3 [tilespmem:s16], [sflag:$0x9], $0x20, s19, s15, $0xb8;
	[tilespmem:$0x12000] =	vst v63  }
.Ltmp0:
0xb6: {  	s15 =	sshra.s32 @!p2 s3, $0x2;
	_ =	swait.ge @!p3 [sflag:s18], $0x1000;
	(pc) =	sbr.rel @p1 .LBB2_2-.Ltmp0, $4  }
0xb7: {  	s16 =	sadd.s32 $0x7, s1;
	s15 =	sadd.s32 @!p2 $0x700, s15;
	[sflag:s18] =	ssyncset.done @!p3 $0x0  }
0xb8: {  	s17 =	simm.s32 @!p2 $0x80;
	[sflag:s18] =	ssyncadd.s32 @!p3 $0xFFFFF000;
	s18 =	simm.s32 @!p2 $0xB000  }
0xb9: {  	[tilespmem:s18], [sflag:$0x7] =	stream.indirect.gather @!p2 [hbm4b:s4+s17], $0x20, s15, s17, $0xb8;
	[tilespmem:$0x12000] =	vst v63  }
0xba: {  	s3 =	sadd.s32 $0x1000, s3;
	p2 =	sge.u32 s16, s7  }
0xbb: {  	s0 =	simm.s32 @!p2 $0x8;
	s3 =	sshra.s32 @!p2 s31, $0x2  }
0xbc: {  	s1 =	sadd.s32 @!p2 $0xF, s1;
	s15 =	simm.s32 @!p2 $0x80;
	_ =	swait.ge @!p2 [sflag:s0], $0x1000  }
0xbd: {  	s3 =	sadd.s32 @!p2 $0x2B80, s3;
	p1 =	sge.u32 @!p2 s1, s7;
	[sflag:s0] =	ssyncset.done @!p2 $0x0  }
0xbe: {  	s1 =	simm.s32 @!p2 $0x9;
	[sflag:s0] =	ssyncadd.s32 @!p2 $0xFFFFF000;
	s0 =	simm.s32 @!p2 $0xC000  }
0xbf: {  	[spmem:s2] =	stream.indirect.scatter.add.f32 @!p2 [tilespmem:s0], [sflag:$0x9], $0x20, s3, s15, $0xb8;
	[tilespmem:$0x12000] =	vst v63  }
0xc0: {  	s30 =	sadd.s32 $0x1, s30;
	p1 =	por p1, p2;
	_ =	swait.ge @!p2 [sflag:s1], $0x1000  }
0xc1: {  	s0 =	sshra.s32 @!p1 s31, $0x2;
	s3 =	simm.s32 @!p1 $0xC000;
	[sflag:s1] =	ssyncset.done @!p2 $0x0  }
0xc2: {  	s15 =	simm.s32 @!p1 $0x80;
	s0 =	sadd.s32 @!p1 $0x780, s0;
	[sflag:s1] =	ssyncadd.s32 @!p2 $0xFFFFF000  }
0xc3: {  	[tilespmem:s3], [sflag:$0x8] =	stream.indirect.gather @!p1 [hbm4b:s4+s15], $0x20, s0, s15, $0xb8;
	[tilespmem:$0x12000] =	vst v63  }
0xc4: {  	p1 =	sne.s32 s30, s11  }
.Ltmp1:
0xc5: {  	[bflag:$0x0] =	sbarrier.arrive $0xFFFF;
	(pc) =	sbr.rel @p1 .LBB2_1-.Ltmp1, $4  }
0xc6: {  	[hbm:s10], [sflag:s6] =	dma.local [spmem:s12], $0xA00  }
0xc7: {  	_ =	swait.ge [sflag:s13], $0xA00  }
0xc8: {  	[sflag:s13] =	ssyncset.done $0x0  }
0xc9: {  	[sflag:s13] =	ssyncadd.s32 $0xFFFFF600  }
0xca: {  	_ =	sfence.sel $0x180000  }
0xcb: {  	[bflag:$0x0] =	sbarrier.arrive $0xFFFF  }
0xcc: {  	_ =	strace $0x9000004A  }
0xcd: {  	s0 =	stileid.u32;
	[bflag:$0x2] =	sbarrier.arrive $0xFFFF  }
0xce: {  	p0 =	sne.s32 s0, $0x0;
	s0 =	rddreg [dreg:$0x3]  }
0xcf: {  	s0 =	sadd.s32 @!p0 $0x100000, s0  }
0xd0: {  	[sflag:s0] =	ssyncadd.tile.s32 @!p0 $0x1;
	_ =	shalt  }
.Lfunc_end2:
_tile_overlayer_lowered:
.L_overlay_start_2:
0xd1: {  	(tag) =	ssettag $0x2  }
0xd2: {  	s0 =	rddreg [dreg:$0x0];
	s2 =	stileid.u32  }
0xd3: {  	s1 =	rddreg [dreg:$0x1];
	p0 =	sne.s32 s2, $0x0  }
0xd4: {  	s3 =	rddreg [dreg:$0x2];
	[bflag:$0x3] =	sbarrier.arrive $0xFFFF;
	s2 =	simm.s32 @!p0 $0x1C09  }
0xd5: {  	[timem:s3], [sflag:s2] =	dma.local @!p0 [hbm:s0], s1  }
0xd6: {  	s0 =	simm.s32 @!p0 $0x9  }
0xd7: {  	_ =	swait.ge @!p0 [sflag:s0], s1  }
0xd8: {  	s1 =	ssub.s32 @!p0 $0x0, s1;
	[sflag:s0] =	ssyncset.done @!p0 $0x0  }
0xd9: {  	[sflag:s0] =	ssyncadd.s32 @!p0 s1  }
0xda: {  	[bflag:$0x3] =	sbarrier.arrive $0xFFFF  }
0xdb: {  	_ =	shalt  }

// kernel: kernel.15.cloned.1.call-start
scs
__scs_entry_jumppad:
0x0: {  	(pc) =	sbr.rel $0x88, $3  }
0x1: {  	(tag) =	ssettag $0x0;
	lr =	simm.s32 $0x1  }
0x2: {  	[smem:$0x3F9C] =	sst lr;
	_ =	strace $0xD0000000  }
0x3: {  	_ = 	snop  }
0x4: {  	_ = 	snop  }
0x5: {  	_ = 	snop  }
0x6: {  	_ = 	snop  }
0x7: {  	_ = 	snop  }
__scs_overlays_trampoline_lowered:
0x8: {  	[smem:$0x3FAB] =	sst s0  }
0x9: {  	[smem:$0x3FAC] =	sst s1  }
0xa: {  	[smem:$0x3FAD] =	sst s2  }
0xb: {  	[smem:$0x3FAE] =	sst s3  }
0xc: {  	[smem:$0x3FAF] =	sst s4  }
0xd: {  	[smem:$0x3FB0] =	sst s5  }
0xe: {  	[smem:$0x3FB1] =	sst s6  }
0xf: {  	[smem:$0x3FB2] =	sst s7  }
0x10: {  	[smem:$0x3FB3] =	sst s8  }
0x11: {  	[smem:$0x3FB4] =	sst s9;
	s0 =	simm.s32 @!p0 $0x0  }
0x12: {  	s1 =	sld [smem:$0x3F9A];
	s0 =	simm.s32 @p0 $0x1  }
0x13: {  	[smem:$0x3FB5] =	sst s0;
	s0 =	simm.s32 @!p1 $0x0  }
0x14: {  	s2 =	sld [smem:$0x3F99];
	s0 =	simm.s32 @p1 $0x1  }
0x15: {  	[smem:$0x3FB6] =	sst s0;
	s0 =	simm.s32 @!p2 $0x0  }
0x16: {  	s3 =	sld [smem:$0x3FDB];
	s0 =	simm.s32 @p2 $0x1  }
0x17: {  	s4 =	simm.s32 $0x1BF5;
	[smem:$0x3FB8] =	sst s0  }
0x18: {  	s0 =	sld [smem:$0x3F9B];
	_ =	swait.ge [sflag:s4], $0x0  }
0x19: {  	s7 =	sld [smem:$0x3F9C]  }
0x1a: {  	s8 =	sadd.s32 $0xFFFFE003, lr  }
0x1b: {  	s9 =	sadd.s32 $0xFFFFFEF7, lr;
	s5 =	simm.s32 $0xFFFFFFFF;
	p2 =	slt.u32 s8, $0xFFFFF086  }
0x1c: {  	p1 =	slt.u32 s9, $0xF7A;
	s5 =	simm.s32 @!p2 $0x0  }
0x1d: {  	s5 =	simm.s32 @p1 $0x1;
	p0 =	seq.s32 s7, s2  }
0x1e: {  	s7 =	smul.u32 @!p0 $0xF7A, s2;
	p2 =	seq.s32 @!p0 s5, $0x0  }
0x1f: {  	s9 =	smul.u32 $0xF7A, s1;
	s8 =	simm.s32 @!p0 $0x1BF5;
	p2 =	por !p2, p0  }
0x20: {  	[sflag:s8] =	ssyncset.s32 @!p0 $0xFFFFF086;
	s6 =	sadd.s32 @!p0 s3, s7;
	s7 =	simm.s32 @!p0 $0x108  }
0x21: {  	s3 =	sadd.s32 s3, s9;
	s6 =	sadd.s32 @!p0 $0x88, s6;
	s7 =	simm.s32 @p2 $0x1082  }
0x22: {  	[simem:s7], [sflag:s8] =	dma.local @!p0 [hbm:s6], $0xF7A  }
0x23: {  	s9 =	sor.u32 $0xD0000000, s2;
	s6 =	simm.s32 $0x108;
	_ =	swait.ge @!p0 [sflag:s8], $0x0  }
0x24: {  	s3 =	sadd.s32 $0x88, s3;
	s6 =	simm.s32 @!p1 $0x1082;
	[sflag:s4] =	ssyncset.s32 $0xFFFFF086  }
0x25: {  	[simem:s6], [sflag:s4] =	dma.local [hbm:s3], $0xF7A  }
0x26: {  	[smem:$0x3F9C] =	sst s1;
	(tag) =	ssettag s2;
	_ =	strace s9  }
0x27: {  	s1 =	sld [smem:$0x3FAC]  }
0x28: {  	s2 =	sld [smem:$0x3FAD]  }
0x29: {  	s4 =	sld [smem:$0x3FAF]  }
0x2a: {  	p0 =	seq.s32 s5, $0x0;
	s5 =	sld [smem:$0x3FB0]  }
0x2b: {  	s6 =	sld [smem:$0x3FB1]  }
0x2c: {  	s7 =	sld [smem:$0x3FB2]  }
0x2d: {  	s3 =	simm.s32 $0x108;
	s8 =	sld [smem:$0x3FB3]  }
0x2e: {  	s3 =	simm.s32 @!p0 $0x1082;
	s9 =	sld [smem:$0x3FB4]  }
0x2f: {  	lr =	sadd.s32 s0, s3;
	s0 =	sld [smem:$0x3FAB]  }
0x30: {  	s3 =	sld [smem:$0x3FAE]  }
0x31: {  	[smem:$0x3FB7] =	sst s10  }
0x32: {  	s10 =	sld [smem:$0x3FB5];
	_ =	sdelay $0x3  }
0x33: {  	p0 =	seq.s32 s10, $0x1;
	s10 =	sld [smem:$0x3FB7];
	_ =	sdelay $0x3  }
0x34: {  	[smem:$0x3FB7] =	sst s10  }
0x35: {  	s10 =	sld [smem:$0x3FB6];
	_ =	sdelay $0x3  }
0x36: {  	p1 =	seq.s32 s10, $0x1;
	s10 =	sld [smem:$0x3FB7];
	_ =	sdelay $0x3  }
0x37: {  	[smem:$0x3FB7] =	sst s10  }
0x38: {  	s10 =	sld [smem:$0x3FB8]  }
0x39: {  	_ = 	snop;
	(pc) =	sbr.ind lr, $3  }
0x3a: {  	_ = 	snop  }
0x3b: {  	_ = 	snop  }
0x3c: {  	p2 =	seq.s32 s10, $0x1;
	s10 =	sld [smem:$0x3FB7]  }
0x3d: {  	_ =	shalt  }
0x3e: {  	_ =	shalt  }
0x3f: {  	_ =	shalt  }
0x40: {  	_ =	shalt  }
0x41: {  	_ =	shalt  }
0x42: {  	_ =	shalt  }
0x43: {  	_ =	shalt  }
0x44: {  	_ =	shalt  }
0x45: {  	_ =	shalt  }
0x46: {  	_ =	shalt  }
0x47: {  	_ =	shalt  }
0x48: {  	_ =	shalt  }
0x49: {  	_ =	shalt  }
0x4a: {  	_ =	shalt  }
0x4b: {  	_ =	shalt  }
0x4c: {  	_ =	shalt  }
0x4d: {  	_ =	shalt  }
0x4e: {  	_ =	shalt  }
0x4f: {  	_ =	shalt  }
0x50: {  	_ =	shalt  }
0x51: {  	_ =	shalt  }
0x52: {  	_ =	shalt  }
0x53: {  	_ =	shalt  }
0x54: {  	_ =	shalt  }
0x55: {  	_ =	shalt  }
0x56: {  	_ =	shalt  }
0x57: {  	_ =	shalt  }
0x58: {  	_ =	shalt  }
0x59: {  	_ =	shalt  }
0x5a: {  	_ =	shalt  }
0x5b: {  	_ =	shalt  }
0x5c: {  	_ =	shalt  }
0x5d: {  	_ =	shalt  }
0x5e: {  	_ =	shalt  }
0x5f: {  	_ =	shalt  }
0x60: {  	_ =	shalt  }
0x61: {  	_ =	shalt  }
0x62: {  	_ =	shalt  }
0x63: {  	_ =	shalt  }
0x64: {  	_ =	shalt  }
0x65: {  	_ =	shalt  }
0x66: {  	_ =	shalt  }
0x67: {  	_ =	shalt  }
0x68: {  	_ =	shalt  }
0x69: {  	_ =	shalt  }
0x6a: {  	_ =	shalt  }
0x6b: {  	_ =	shalt  }
0x6c: {  	_ =	shalt  }
0x6d: {  	_ =	shalt  }
0x6e: {  	_ =	shalt  }
0x6f: {  	_ =	shalt  }
0x70: {  	_ =	shalt  }
0x71: {  	_ =	shalt  }
0x72: {  	_ =	shalt  }
0x73: {  	_ =	shalt  }
0x74: {  	_ =	shalt  }
0x75: {  	_ =	shalt  }
0x76: {  	_ =	shalt  }
0x77: {  	_ =	shalt  }
0x78: {  	_ =	shalt  }
0x79: {  	_ =	shalt  }
0x7a: {  	_ =	shalt  }
0x7b: {  	_ =	shalt  }
0x7c: {  	_ =	shalt  }
0x7d: {  	_ =	shalt  }
0x7e: {  	_ =	shalt  }
0x7f: {  	_ =	shalt  }
0x80: {  	_ =	shalt  }
0x81: {  	_ =	shalt  }
0x82: {  	_ =	shalt  }
0x83: {  	_ =	shalt  }
0x84: {  	_ =	shalt  }
0x85: {  	_ =	shalt  }
0x86: {  	_ =	shalt  }
0x87: {  	_ =	shalt  }
.Lfunc_end0:
.L_simem_size_0:
called_computation.2_lowered:
.L_overlay_start_0:
0x88: {  	s2 =	sld [smem:$0x3FD9]  }
0x89: {  	s3 =	sld [smem:$0x3FFE];
	_ =	sdelay $0x1  }
0x8a: {  	s1 =	srdreg.scid  }
0x8b: {  	s0 =	sand.u32 $0x1, s1  }
0x8c: {  	s17 =	sshll.u32 s0, $0xA;
	s2 =	sadd.s32 s3, s2  }
0x8d: {  	s2 =	sadd.s32 s2, s17  }
0x8e: {  	[smem:$0x3FC3] =	sst s2  }
0x8f: {  	_ = 	snop  }
0x90: {  	s2 =	sld [smem:$0x3FD0];
	(tm) =	ssettm $0x1  }
0x91: {  	s18 =	sld [smem:$0x3FFB];
	_ =	sdelay $0x3  }
0x92: {  	_ =	strace s18  }
0x93: {  	s3 =	sld [smem:$0x3FFC];
	_ =	sdelay $0x3  }
0x94: {  	_ =	strace s3  }
0x95: {  	s3 =	sld [smem:$0x3FFD];
	_ =	sdelay $0x3  }
0x96: {  	_ =	strace s3  }
0x97: {  	_ =	strace $0x8FFFFFFF  }
0x98: {  	s19 =	sld [smem:$0x3FDB];
	_ =	sdelay $0x1  }
0x99: {  	s4 =	simm.s32 $_scs_section_size  }
0x9a: {  	s5 =	simm.s32 $_size__tile_overlayer_lowered;
	s6 =	simm.s32 $_tile_overlayer_lowered  }
0x9b: {  	s22 =	simm.s32 $0x1BFF;
	s21 =	sshll.u32 s6, $0x1;
	s3 =	sadd.s32 s4, s19  }
0x9c: {  	s7 =	simm.s32 $0x0;
	s20 =	sshll.u32 s5, $0x1;
	s5 =	sadd.s32 s21, s3  }
0x9d: {  	[timem:s7], [sflag:s22] =	dma.local [hbm:s5], s20  }
0x9e: {  	_ =	swait.ge [sflag:s22], s20  }
0x9f: {  	s4 =	ssub.s32 $0x0, s20;
	[sflag:s22] =	ssyncset.done $0x0  }
0xa0: {  	[sflag:s22] =	ssyncadd.s32 s4;
	_ =	sdelay $0x1  }
0xa1: {  	s23 =	simm.s32 $0x1B8B  }
0xa2: {  	_ =	swait.ge [sflag:s23], $0x1  }
0xa3: {  	[sflag:s23] =	ssyncset.done $0x0  }
0xa4: {  	s25 =	simm.s32 $0x1B8E;
	s24 =	sld [smem:$0x3FFE];
	[sflag:s23] =	ssyncadd.s32 $0xFFFFFFFF  }
0xa5: {  	s26 =	simm.s32 $execute0_lowered;
	[smem:$0x3FD2] =	sst s25  }
0xa6: {  	s5 =	sshll.u32 s26, $0x1;
	_ =	strace $0x8000004C;
	[dreg:$0x1] =	wrdreg $0xFFFFFFFF  }
0xa7: {  	s28 =	simm.s32 $_size_execute0_lowered;
	s3 =	sadd.s32 s3, s5;
	[dreg:$0x0] =	wrdreg $0x0  }
0xa8: {  	s5 =	sshll.u32 s28, $0x1;
	[dreg:$0x2] =	wrdreg s3  }
0xa9: {  	[dreg:$0x3] =	wrdreg s5  }
0xaa: {  	[dreg:$0x4] =	wrdreg $0xC0  }
0xab: {  	_ =	task [dreg:s7], $0x5FFFF  }
0xac: {  	[dreg:$0x1] =	wrdreg $0xFFFFFFFF  }
0xad: {  	[dreg:$0x0] =	wrdreg $0x60  }
0xae: {  	[dreg:$0x2] =	wrdreg s2  }
0xaf: {  	[dreg:$0x3] =	wrdreg s24  }
0xb0: {  	[dreg:$0x4] =	wrdreg $0x90000  }
0xb1: {  	[dreg:$0x5] =	wrdreg $0x9  }
0xb2: {  	_ =	task.clear_ibuf [dreg:s7], $0x6FFFF;
	_ =	strace $0x9000004C  }
0xb3: {  	s29 =	simm.s32 $0x9;
	_ =	strace $0x8000004E  }
0xb4: {  	_ =	swait.ge [sflag:s29], $0x1  }
0xb5: {  	[sflag:s29] =	ssyncadd.s32 $0xFFFFFFFF  }
0xb6: {  	_ =	strace $0x9000004E  }
0xb7: {  	_ =	sfence  }
0xb8: {  	s30 =	sld [smem:$0x0];
	_ =	sdelay $0x2  }
0xb9: {  	s31 =	sshll.u32 s1, $0xD;
	s1 =	sshrl.u32 s1, $0x2  }
0xba: {  	s3 =	sand.u32 $0x4000, s31;
	s1 =	sadd.s32 s1, s30  }
0xbb: {  	s0 =	sor.u32 s3, s0;
	s1 =	sshll.u32 s1, $0x11  }
0xbc: {  	s0 =	sor.u32 s1, s0  }
0xbd: {  	s0 =	sadd.s32 $0x8F2B, s0  }
0xbe: {  	[sflag:s0] =	ssyncadd.remote.s32 $0x1  }
0xbf: {  	_ =	sfence.sel $0xFFFF  }
0xc0: {  	[dreg:$0x0] =	wrdreg $0xFFFFFFFF;
	(pc) =	sbr.abs _section_cstart, $3  }
0xc1: {  	[dreg:$0x1] =	wrdreg $0xFFFFFFFF  }
0xc2: {  	_ =	task.clear_ibuf [dreg:s7], $0x2FFFF;
	_ =	strace $0x9FFFFFFF  }
0xc3: {  	(tm) =	ssettm $0x7FFFFFFF  }
tec
execute0_lowered:
.L_overlay_start_1:
0x0: {  	(tag) =	ssettag $0x1  }
0x1: {  	s1 =	rddreg [dreg:$0x0]  }
0x2: {  	s0 =	rddreg [dreg:$0x1]  }
0x3: {  	s2 =	rddreg [dreg:$0x2]  }
0x4: {  	s3 =	simm.s32 $0x0;
	s4 =	srdreg.scid;
	s5 =	stileid.u32  }
0x5: {  	s18 =	simm.s32 $0x80;
	s20 =	simm.s32 $0xB840;
	s21 =	simm.s32 $0x1  }
0x6: {  	s22 =	simm.s32 $0x0;
	[smem:$0x7FF] =	sst s3;
	s4 =	sand.u32 $0x1, s4  }
0x7: {  	s10 =	sadd.s32 $0x2200, s0;
	s7 =	sadd.s32 $0x15C00, s0;
	s24 =	sadd.s32 $0x20800, s0  }
0x8: {  	s25 =	smul.u32 $0xA000, s5;
	s9 =	sshll.u32 s5, $0x3;
	s12 =	sshll.u32 s5, $0x7  }
0x9: {  	s28 =	sshll.u32 s5, $0x6;
	_ =	strace $0x8000004D;
	[dreg:$0x4] =	wrdreg s7  }
0xa: {  	s6 =	sshll.u32 s4, $0x4;
	[dreg:$0x5] =	wrdreg s24;
	s13 =	ssub.s32 $0x2, s4  }
0xb: {  	s14 =	sadd.s32 s9, s0;
	s0 =	sadd.s32 s12, s0;
	s15 =	sor.u32 s5, s6  }
0xc: {  	s31 =	sshll.u32 s4, $0xB;
	p1 =	sne.s32 s4, $0x0;
	s8 =	smin.u32 s15, $0x11  }
0xd: {  	s26 =	sshrl.u32 s13, $0x1;
	s11 =	smax.u32 s15, $0x11;
	s8 =	smul.u32 $0x50, s8  }
0xe: {  	s7 =	sshrl.u32 s25, $0x2;
	s12 =	sadd.s32 s31, s0;
	s11 =	smul.u32 $0x4C, s11  }
0xf: {  	s16 =	ssub.s32 s13, s26;
	s17 =	sadd.s32 s7, s2;
	p0 =	slt.u32 s15, $0x11  }
0x10: {  	s7 =	simm.s32 $0x50;
	s12 =	sadd.s32 $0x16A00, s12;
	s8 =	sadd.s32 s8, s11  }
0x11: {  	s13 =	sadd.s32 $0x16200, s0;
	s7 =	simm.s32 @!p0 $0x4C;
	s8 =	sshll.u32 s8, $0x4  }
0x12: {  	p0 =	sgt.u32 s15, $0x10;
	s15 =	sshrl.u32 s17, $0x3;
	s29 =	sadd.s32 $0xFFFFAF40, s8  }
0x13: {  	s17 =	simm.s32 $0xB800;
	s11 =	sadd.s32 $0x20600, s14;
	s30 =	sand.u32 $0x1FFFFFC0, s29  }
0x14: {  	s14 =	smax.u32 s16, $0x1;
	s9 =	sadd.s32 s10, s29;
	s10 =	sadd.s32 s10, s30  }
0x15: {  	s16 =	simm.s32 $0x9;
	s8 =	sor.u32 $0x1C09, s28;
	s10 =	sadd.s32 $0x9C40, s10  }
.LBB2_1:
0x16: {  	s0 =	rddreg [dreg:$0x4]  }
0x17: {  	[spmem:s15], [sflag:s8] =	dma.local [hbm:s0], $0x500  }
0x18: {  	_ =	swait.ge [sflag:s16], $0x500  }
0x19: {  	[sflag:s16] =	ssyncset.done $0x0  }
0x1a: {  	s23 =	simm.s32 @p0 $0x0;
	s24 =	simm.s32 @p0 $0x9;
	[sflag:s16] =	ssyncadd.s32 $0xFFFFFB00  }
0x1b: {  	[tilespmem:s23], [sflag:$0x9] =	stream.linear.gather @p0 [hbm4b:s9+s23], $0x2600, $0x38;
	[tilespmem:$0xC040] =	vst v63  }
0x1c: {  	_ =	swait.ge @p0 [sflag:s24], $0x2600  }
0x1d: {  	[sflag:s24] =	ssyncset.done @p0 $0x0  }
0x1e: {  	s25 =	simm.s32 @p0 $0x2800;
	[sflag:s24] =	ssyncadd.s32 @p0 $0xFFFFDA00  }
0x1f: {  	[tilespmem:s25], [sflag:$0x9] =	stream.linear.gather @p0 [hbm4b:s10+s23], $0x2600, $0x38;
	[tilespmem:$0xC040] =	vst v63  }
0x20: {  	_ =	swait.ge @p0 [sflag:s24], $0x2600  }
0x21: {  	[sflag:s24] =	ssyncset.done @p0 $0x0  }
0x22: {  	s23 =	simm.s32 @!p0 $0x0;
	[sflag:s24] =	ssyncadd.s32 @p0 $0xFFFFDA00;
	s24 =	simm.s32 @!p0 $0x9  }
0x23: {  	[tilespmem:s23], [sflag:$0x9] =	stream.linear.gather @!p0 [hbm4b:s9+s23], $0x2800, $0x38;
	[tilespmem:$0xC040] =	vst v63  }
0x24: {  	_ =	swait.ge @!p0 [sflag:s24], $0x2800  }
0x25: {  	[sflag:s24] =	ssyncset.done @!p0 $0x0  }
0x26: {  	s25 =	simm.s32 @!p0 $0x2800;
	[sflag:s24] =	ssyncadd.s32 @!p0 $0xFFFFD800  }
0x27: {  	[tilespmem:s25], [sflag:$0x9] =	stream.linear.gather @!p0 [hbm4b:s10+s23], $0x2800, $0x38;
	[tilespmem:$0xC040] =	vst v63  }
0x28: {  	_ =	swait.ge @!p0 [sflag:s24], $0x2800  }
0x29: {  	[sflag:s24] =	ssyncset.done @!p0 $0x0  }
0x2a: {  	[sflag:s24] =	ssyncadd.s32 @!p0 $0xFFFFD800  }
0x2b: {  	[tilespmem:s17], [sflag:$0x9] =	stream.linear.gather [hbm4b:s11+s3], $0x40, $0x38;
	[tilespmem:$0xC040] =	vst v63  }
0x2c: {  	_ =	swait.ge [sflag:s16], $0x40  }
0x2d: {  	[sflag:s16] =	ssyncset.done $0x0  }
0x2e: {  	[sflag:s16] =	ssyncadd.s32 $0xFFFFFFC0  }
0x2f: {  	s31 =	simm.s32 $0x5000;
	[bflag:$0x0] =	sbarrier.arrive $0xFFFF  }
0x30: {  	[tilespmem:s31], [sflag:$0x1] =	stream.indirect.gather [hbm4b:s1+s18], $0x10, s3, s18, $0xb8;
	[tilespmem:$0xC040] =	vst v63  }
0x31: {  	s4 =	simm.s32 $0x5800  }
0x32: {  	[tilespmem:s4], [sflag:$0x2] =	stream.indirect.gather [hbm4b:s1+s18], $0x10, s18, s18, $0xb8;
	[tilespmem:$0xC040] =	vst v63  }
0x33: {  	s5 =	simm.s32 $0x100;
	s4 =	simm.s32 $0x6000  }
0x34: {  	[tilespmem:s4], [sflag:$0x3] =	stream.indirect.gather [hbm4b:s1+s18], $0x10, s5, s18, $0xb8;
	[tilespmem:$0xC040] =	vst v63  }
0x35: {  	s6 =	simm.s32 $0x180;
	s19 =	simm.s32 $0x6800  }
0x36: {  	[tilespmem:s19], [sflag:$0x4] =	stream.indirect.gather [hbm4b:s1+s18], $0x10, s6, s18, $0xb8;
	[tilespmem:$0xC040] =	vst v63  }
0x37: {  	s23 =	simm.s32 $0x200;
	s24 =	simm.s32 $0x7000  }
0x38: {  	[tilespmem:s24], [sflag:$0x5] =	stream.indirect.gather [hbm4b:s1+s18], $0x10, s23, s18, $0xb8;
	[tilespmem:$0xC040] =	vst v63  }
0x39: {  	s26 =	simm.s32 $0x7800;
	s25 =	simm.s32 $0x280  }
0x3a: {  	[tilespmem:s26], [sflag:$0x6] =	stream.indirect.gather [hbm4b:s1+s18], $0x10, s25, s18, $0xb8;
	[tilespmem:$0xC040] =	vst v63  }
0x3b: {  	s28 =	simm.s32 $0x300;
	s29 =	simm.s32 $0x8000;
	p2 =	sle.u32 s7, $0x0  }
0x3c: {  	[tilespmem:s29], [sflag:$0x7] =	stream.indirect.gather [hbm4b:s1+s18], $0x10, s28, s18, $0xb8;
	[tilespmem:$0xC040] =	vst v63  }
0x3d: {  	s30 =	simm.s32 $0x380;
	s31 =	simm.s32 $0x8800;
	s23 =	simm.s32 @!p2 $0x1  }
0x3e: {  	[tilespmem:s31], [sflag:$0x8] =	stream.indirect.gather [hbm4b:s1+s18], $0x10, s30, s18, $0xb8;
	[tilespmem:$0xC040] =	vst v63  }
0x3f: {  	p3 =	sle.u32 @!p2 s7, $0x8;
	_ =	swait.ge @!p2 [sflag:s23], $0x800  }
0x40: {  	s24 =	simm.s32 @!p2 $0x9;
	s25 =	simm.s32 @!p2 $0x2800;
	[sflag:s23] =	ssyncset.done @!p2 $0x0  }
0x41: {  	s26 =	simm.s32 @!p2 $0x5000;
	[sflag:s23] =	ssyncadd.s32 @!p2 $0xFFFFF800;
	s23 =	simm.s32 @!p2 $0x80  }
0x42: {  	[spmem:s2] =	stream.indirect.scatter.add.f32 @!p2 [tilespmem:s26], [sflag:$0x9], $0x10, s25, s23, $0xb8;
	[tilespmem:$0xC040] =	vst v63  }
0x43: {  	p4 =	por p3, p2;
	p3 =	sle.u32 s7, $0x1;
	_ =	swait.ge @!p2 [sflag:s24], $0x800  }
0x44: {  	s23 =	simm.s32 @!p4 $0x400;
	s25 =	simm.s32 @!p3 $0x2;
	[sflag:s24] =	ssyncset.done @!p2 $0x0  }
0x45: {  	s26 =	simm.s32 @!p4 $0x5000;
	[sflag:s24] =	ssyncadd.s32 @!p2 $0xFFFFF800;
	s24 =	simm.s32 @!p4 $0x80  }
0x46: {  	[tilespmem:s26], [sflag:$0x1] =	stream.indirect.gather @!p4 [hbm4b:s1+s24], $0x10, s23, s24, $0xb8;
	[tilespmem:$0xC040] =	vst v63  }
0x47: {  	s23 =	simm.s32 @!p3 $0x2880;
	_ =	swait.ge @!p3 [sflag:s25], $0x800  }
0x48: {  	p4 =	sle.u32 @!p3 s7, $0x9;
	s24 =	simm.s32 @!p3 $0x9;
	[sflag:s25] =	ssyncset.done @!p3 $0x0  }
0x49: {  	s26 =	simm.s32 @!p3 $0x80;
	[sflag:s25] =	ssyncadd.s32 @!p3 $0xFFFFF800;
	s25 =	simm.s32 @!p3 $0x5800  }
0x4a: {  	[spmem:s2] =	stream.indirect.scatter.add.f32 @!p3 [tilespmem:s25], [sflag:$0x9], $0x10, s23, s26, $0xb8;
	[tilespmem:$0xC040] =	vst v63  }
0x4b: {  	p2 =	sle.u32 s7, $0x2;
	p4 =	por p4, p3;
	_ =	swait.ge @!p3 [sflag:s24], $0x800  }
0x4c: {  	s23 =	simm.s32 @!p4 $0x5800;
	s25 =	simm.s32 @!p4 $0x480;
	[sflag:s24] =	ssyncset.done @!p3 $0x0  }
0x4d: {  	s26 =	simm.s32 @!p2 $0x3;
	[sflag:s24] =	ssyncadd.s32 @!p3 $0xFFFFF800;
	s24 =	simm.s32 @!p4 $0x80  }
0x4e: {  	[tilespmem:s23], [sflag:$0x2] =	stream.indirect.gather @!p4 [hbm4b:s1+s24], $0x10, s25, s24, $0xb8;
	[tilespmem:$0xC040] =	vst v63  }
0x4f: {  	p3 =	sle.u32 @!p2 s7, $0xA;
	_ =	swait.ge @!p2 [sflag:s26], $0x800  }
0x50: {  	s23 =	simm.s32 @!p2 $0x2900;
	s24 =	simm.s32 @!p2 $0x6000;
	[sflag:s26] =	ssyncset.done @!p2 $0x0  }
0x51: {  	s25 =	simm.s32 @!p2 $0x80;
	[sflag:s26] =	ssyncadd.s32 @!p2 $0xFFFFF800;
	s26 =	simm.s32 @!p2 $0x9  }
0x52: {  	[spmem:s2] =	stream.indirect.scatter.add.f32 @!p2 [tilespmem:s24], [sflag:$0x9], $0x10, s23, s25, $0xb8;
	[tilespmem:$0xC040] =	vst v63  }
0x53: {  	p4 =	por p3, p2;
	p3 =	sle.u32 s7, $0x3;
	_ =	swait.ge @!p2 [sflag:s26], $0x800  }
0x54: {  	s23 =	simm.s32 @!p4 $0x6000;
	s24 =	simm.s32 @!p4 $0x500;
	[sflag:s26] =	ssyncset.done @!p2 $0x0  }
0x55: {  	s25 =	simm.s32 @!p4 $0x80;
	[sflag:s26] =	ssyncadd.s32 @!p2 $0xFFFFF800;
	s26 =	simm.s32 @!p3 $0x4  }
0x56: {  	[tilespmem:s23], [sflag:$0x3] =	stream.indirect.gather @!p4 [hbm4b:s1+s25], $0x10, s24, s25, $0xb8;
	[tilespmem:$0xC040] =	vst v63  }
0x57: {  	p2 =	sle.u32 @!p3 s7, $0xB;
	_ =	swait.ge @!p3 [sflag:s26], $0x800  }
0x58: {  	s23 =	simm.s32 @!p3 $0x2980;
	s24 =	simm.s32 @!p3 $0x80;
	[sflag:s26] =	ssyncset.done @!p3 $0x0  }
0x59: {  	s25 =	simm.s32 @!p3 $0x6800;
	[sflag:s26] =	ssyncadd.s32 @!p3 $0xFFFFF800;
	s26 =	simm.s32 @!p3 $0x9  }
0x5a: {  	[spmem:s2] =	stream.indirect.scatter.add.f32 @!p3 [tilespmem:s25], [sflag:$0x9], $0x10, s23, s24, $0xb8;
	[tilespmem:$0xC040] =	vst v63  }
0x5b: {  	p2 =	por p2, p3;
	p4 =	sle.u32 s7, $0x4;
	_ =	swait.ge @!p3 [sflag:s26], $0x800  }
0x5c: {  	s23 =	simm.s32 @!p2 $0x580;
	s24 =	simm.s32 @!p2 $0x6800;
	[sflag:s26] =	ssyncset.done @!p3 $0x0  }
0x5d: {  	s25 =	simm.s32 @!p2 $0x80;
	[sflag:s26] =	ssyncadd.s32 @!p3 $0xFFFFF800;
	s26 =	simm.s32 @!p4 $0x5  }
0x5e: {  	[tilespmem:s24], [sflag:$0x4] =	stream.indirect.gather @!p2 [hbm4b:s1+s25], $0x10, s23, s25, $0xb8;
	[tilespmem:$0xC040] =	vst v63  }
0x5f: {  	p3 =	sle.u32 @!p4 s7, $0xC;
	_ =	swait.ge @!p4 [sflag:s26], $0x800  }
0x60: {  	s23 =	simm.s32 @!p4 $0x2A00;
	s24 =	simm.s32 @!p4 $0x9;
	[sflag:s26] =	ssyncset.done @!p4 $0x0  }
0x61: {  	s25 =	simm.s32 @!p4 $0x80;
	[sflag:s26] =	ssyncadd.s32 @!p4 $0xFFFFF800;
	s26 =	simm.s32 @!p4 $0x7000  }
0x62: {  	[spmem:s2] =	stream.indirect.scatter.add.f32 @!p4 [tilespmem:s26], [sflag:$0x9], $0x10, s23, s25, $0xb8;
	[tilespmem:$0xC040] =	vst v63  }
0x63: {  	p2 =	sle.u32 s7, $0x5;
	p3 =	por p3, p4;
	_ =	swait.ge @!p4 [sflag:s24], $0x800  }
0x64: {  	s23 =	simm.s32 @!p3 $0x7000;
	s25 =	simm.s32 @!p3 $0x600;
	[sflag:s24] =	ssyncset.done @!p4 $0x0  }
0x65: {  	s26 =	simm.s32 @!p2 $0x6;
	[sflag:s24] =	ssyncadd.s32 @!p4 $0xFFFFF800;
	s24 =	simm.s32 @!p3 $0x80  }
0x66: {  	[tilespmem:s23], [sflag:$0x5] =	stream.indirect.gather @!p3 [hbm4b:s1+s24], $0x10, s25, s24, $0xb8;
	[tilespmem:$0xC040] =	vst v63  }
0x67: {  	s23 =	simm.s32 @!p2 $0x7800;
	_ =	swait.ge @!p2 [sflag:s26], $0x800  }
0x68: {  	p3 =	sle.u32 @!p2 s7, $0xD;
	s24 =	simm.s32 @!p2 $0x2A80;
	[sflag:s26] =	ssyncset.done @!p2 $0x0  }
0x69: {  	s25 =	simm.s32 @!p2 $0x80;
	[sflag:s26] =	ssyncadd.s32 @!p2 $0xFFFFF800;
	s26 =	simm.s32 @!p2 $0x9  }
0x6a: {  	[spmem:s2] =	stream.indirect.scatter.add.f32 @!p2 [tilespmem:s23], [sflag:$0x9], $0x10, s24, s25, $0xb8;
	[tilespmem:$0xC040] =	vst v63  }
0x6b: {  	p4 =	por p3, p2;
	p3 =	sle.u32 s7, $0x6;
	_ =	swait.ge @!p2 [sflag:s26], $0x800  }
0x6c: {  	s23 =	simm.s32 @!p4 $0x7800;
	s24 =	simm.s32 @!p4 $0x680;
	[sflag:s26] =	ssyncset.done @!p2 $0x0  }
0x6d: {  	s25 =	simm.s32 @!p4 $0x80;
	[sflag:s26] =	ssyncadd.s32 @!p2 $0xFFFFF800;
	s26 =	simm.s32 @!p3 $0x7  }
0x6e: {  	[tilespmem:s23], [sflag:$0x6] =	stream.indirect.gather @!p4 [hbm4b:s1+s25], $0x10, s24, s25, $0xb8;
	[tilespmem:$0xC040] =	vst v63  }
0x6f: {  	p2 =	sle.u32 @!p3 s7, $0xE;
	s23 =	simm.s32 @!p3 $0x2B00;
	_ =	swait.ge @!p3 [sflag:s26], $0x800  }
0x70: {  	s24 =	simm.s32 @!p3 $0x80;
	s25 =	simm.s32 @!p3 $0x8000;
	[sflag:s26] =	ssyncset.done @!p3 $0x0  }
0x71: {  	p2 =	por p2, p3;
	[sflag:s26] =	ssyncadd.s32 @!p3 $0xFFFFF800;
	s26 =	simm.s32 @!p3 $0x9  }
0x72: {  	[spmem:s2] =	stream.indirect.scatter.add.f32 @!p3 [tilespmem:s25], [sflag:$0x9], $0x10, s23, s24, $0xb8;
	[tilespmem:$0xC040] =	vst v63  }
0x73: {  	s23 =	simm.s32 @!p2 $0x700;
	_ =	swait.ge @!p3 [sflag:s26], $0x800  }
0x74: {  	s24 =	simm.s32 @!p2 $0x80;
	s25 =	simm.s32 @!p2 $0x8000;
	[sflag:s26] =	ssyncset.done @!p3 $0x0  }
0x75: {  	[sflag:s26] =	ssyncadd.s32 @!p3 $0xFFFFF800;
	p3 =	sle.u32 s7, $0x7;
	s26 =	simm.s32 $0x1000  }
0x76: {  	[tilespmem:s25], [sflag:$0x7] =	stream.indirect.gather @!p2 [hbm4b:s1+s24], $0x10, s23, s24, $0xb8;
	[tilespmem:$0xC040] =	vst v63  }
0x77: {  	s24 =	simm.s32 $0x8;
	s23 =	simm.s32 $0x0;
	s25 =	simm.s32 $0x0  }
.LBB2_2:
0x78: {  	s28 =	simm.s32 @!p3 $0x8  }
0x79: {  	s29 =	sshra.s32 @!p3 s23, $0x2;
	s30 =	sadd.s32 @!p3 $0xF, s25;
	s25 =	smov.u32 s24  }
0x7a: {  	s31 =	simm.s32 @!p3 $0x80;
	_ =	swait.ge @!p3 [sflag:s28], $0x800;
	s29 =	sadd.s32 @!p3 $0x2B80, s29  }
0x7b: {  	s24 =	sadd.s32 $0x8, s24;
	p2 =	sge.u32 @!p3 s30, s7;
	[sflag:s28] =	ssyncset.done @!p3 $0x0  }
0x7c: {  	p5 =	por p2, p3;
	[sflag:s28] =	ssyncadd.s32 @!p3 $0xFFFFF800;
	s28 =	simm.s32 @!p3 $0x8800  }
0x7d: {  	s30 =	simm.s32 @!p3 $0x9;
	s23 =	sshra.s32 @!p5 s23, $0x2;
	s0 =	simm.s32 @!p5 $0x8800  }
0x7e: {  	[spmem:s2] =	stream.indirect.scatter.add.f32 @!p3 [tilespmem:s28], [sflag:$0x9], $0x10, s29, s31, $0xb8;
	[tilespmem:$0xC040] =	vst v63  }
0x7f: {  	p2 =	sne.s32 s24, $0x50;
	s28 =	sadd.s32 @!p5 $0x780, s23;
	_ =	swait.ge @!p3 [sflag:s30], $0x800  }
0x80: {  	s29 =	simm.s32 @!p5 $0x80;
	s23 =	smov.u32 s26;
	[sflag:s30] =	ssyncset.done @!p3 $0x0  }
0x81: {  	p4 =	sge.u32 s25, s7;
	s31 =	sadd.s32 $0x2, s25;
	[sflag:s30] =	ssyncadd.s32 @!p3 $0xFFFFF800  }
0x82: {  	[tilespmem:s0], [sflag:$0x8] =	stream.indirect.gather @!p5 [hbm4b:s1+s29], $0x10, s28, s29, $0xb8;
	[tilespmem:$0xC040] =	vst v63  }
0x83: {  	s0 =	simm.s32 @!p4 $0x1;
	s28 =	sshra.s32 @!p4 s26, $0x2;
	s29 =	simm.s32 @!p4 $0x9  }
0x84: {  	s30 =	sadd.s32 @!p4 $0x8, s25;
	s28 =	sadd.s32 @!p4 $0x2800, s28;
	_ =	swait.ge @!p4 [sflag:s0], $0x800  }
0x85: {  	p3 =	sge.u32 s31, s7;
	p5 =	sge.u32 @!p4 s30, s7;
	[sflag:s0] =	ssyncset.done @!p4 $0x0  }
0x86: {  	s30 =	simm.s32 @!p4 $0x5000;
	[sflag:s0] =	ssyncadd.s32 @!p4 $0xFFFFF800;
	s0 =	simm.s32 @!p4 $0x80  }
0x87: {  	[spmem:s2] =	stream.indirect.scatter.add.f32 @!p4 [tilespmem:s30], [sflag:$0x9], $0x10, s28, s0, $0xb8;
	[tilespmem:$0xC040] =	vst v63  }
0x88: {  	p5 =	por p5, p4;
	s0 =	sshra.s32 @!p3 s26, $0x2;
	_ =	swait.ge @!p4 [sflag:s29], $0x800  }
0x89: {  	s28 =	sshra.s32 @!p5 s26, $0x2;
	s30 =	sadd.s32 $0x1, s25;
	[sflag:s29] =	ssyncset.done @!p4 $0x0  }
0x8a: {  	s28 =	sadd.s32 @!p5 $0x400, s28;
	[sflag:s29] =	ssyncadd.s32 @!p4 $0xFFFFF800;
	p4 =	sge.u32 s30, s7  }
0x8b: {  	s29 =	simm.s32 @!p5 $0x80;
	s30 =	simm.s32 @!p4 $0x2;
	s31 =	sshra.s32 @!p4 s26, $0x2  }
0x8c: {  	s4 =	simm.s32 @!p5 $0x5000;
	s19 =	sadd.s32 @!p4 $0x9, s25;
	s31 =	sadd.s32 @!p4 $0x2880, s31  }
0x8d: {  	s0 =	sadd.s32 @!p3 $0x2900, s0;
	p6 =	sge.u32 @!p4 s19, s7;
	s19 =	sadd.s32 @!p3 $0xA, s25  }
0x8e: {  	[tilespmem:s4], [sflag:$0x1] =	stream.indirect.gather @!p5 [hbm4b:s1+s29], $0x10, s28, s29, $0xb8;
	[tilespmem:$0xC040] =	vst v63  }
0x8f: {  	p6 =	por p6, p4;
	s4 =	simm.s32 @!p4 $0x9;
	_ =	swait.ge @!p4 [sflag:s30], $0x800  }
0x90: {  	s28 =	simm.s32 @!p4 $0x80;
	s29 =	simm.s32 @!p4 $0x5800;
	[sflag:s30] =	ssyncset.done @!p4 $0x0  }
0x91: {  	s5 =	simm.s32 @!p6 $0x5800;
	[sflag:s30] =	ssyncadd.s32 @!p4 $0xFFFFF800;
	s30 =	sshra.s32 @!p6 s26, $0x2  }
0x92: {  	[spmem:s2] =	stream.indirect.scatter.add.f32 @!p4 [tilespmem:s29], [sflag:$0x9], $0x10, s31, s28, $0xb8;
	[tilespmem:$0xC040] =	vst v63  }
0x93: {  	s28 =	sadd.s32 @!p6 $0x480, s30;
	s29 =	simm.s32 @!p3 $0x3;
	_ =	swait.ge @!p4 [sflag:s4], $0x800  }
0x94: {  	p5 =	sge.u32 @!p3 s19, s7;
	s30 =	simm.s32 @!p3 $0x6000;
	[sflag:s4] =	ssyncset.done @!p4 $0x0  }
0x95: {  	p5 =	por p5, p3;
	[sflag:s4] =	ssyncadd.s32 @!p4 $0xFFFFF800;
	s4 =	simm.s32 @!p6 $0x80  }
0x96: {  	[tilespmem:s5], [sflag:$0x2] =	stream.indirect.gather @!p6 [hbm4b:s1+s4], $0x10, s28, s4, $0xb8;
	[tilespmem:$0xC040] =	vst v63  }
0x97: {  	s4 =	simm.s32 @!p3 $0x80;
	s5 =	simm.s32 @!p5 $0x6000;
	_ =	swait.ge @!p3 [sflag:s29], $0x800  }
0x98: {  	s19 =	simm.s32 @!p3 $0x9;
	s28 =	sshra.s32 @!p5 s26, $0x2;
	[sflag:s29] =	ssyncset.done @!p3 $0x0  }
0x99: {  	s28 =	sadd.s32 @!p5 $0x500, s28;
	[sflag:s29] =	ssyncadd.s32 @!p3 $0xFFFFF800;
	s29 =	sadd.s32 $0x3, s25  }
0x9a: {  	[spmem:s2] =	stream.indirect.scatter.add.f32 @!p3 [tilespmem:s30], [sflag:$0x9], $0x10, s0, s4, $0xb8;
	[tilespmem:$0xC040] =	vst v63  }
0x9b: {  	s0 =	simm.s32 @!p5 $0x80;
	p4 =	sge.u32 s29, s7;
	_ =	swait.ge @!p3 [sflag:s19], $0x800  }
0x9c: {  	s4 =	simm.s32 @!p4 $0x4;
	s29 =	sshra.s32 @!p4 s26, $0x2;
	[sflag:s19] =	ssyncset.done @!p3 $0x0  }
0x9d: {  	[sflag:s19] =	ssyncadd.s32 @!p3 $0xFFFFF800;
	s19 =	sadd.s32 @!p4 $0x2980, s29;
	s29 =	sadd.s32 @!p4 $0xB, s25  }
0x9e: {  	[tilespmem:s5], [sflag:$0x3] =	stream.indirect.gather @!p5 [hbm4b:s1+s0], $0x10, s28, s0, $0xb8;
	[tilespmem:$0xC040] =	vst v63  }
0x9f: {  	s0 =	simm.s32 @!p4 $0x80;
	s5 =	simm.s32 @!p4 $0x6800;
	_ =	swait.ge @!p4 [sflag:s4], $0x800  }
0xa0: {  	s28 =	simm.s32 @!p4 $0x9;
	p3 =	sge.u32 @!p4 s29, s7;
	[sflag:s4] =	ssyncset.done @!p4 $0x0  }
0xa1: {  	p6 =	por p3, p4;
	[sflag:s4] =	ssyncadd.s32 @!p4 $0xFFFFF800;
	s4 =	sadd.s32 $0x5, s25  }
0xa2: {  	s30 =	sadd.s32 $0x4, s25;
	s29 =	sshra.s32 @!p6 s26, $0x2;
	p3 =	sge.u32 s4, s7  }
0xa3: {  	s4 =	sadd.s32 @!p6 $0x580, s29;
	s29 =	simm.s32 @!p6 $0x6800;
	s31 =	simm.s32 @!p3 $0x7800  }
0xa4: {  	[spmem:s2] =	stream.indirect.scatter.add.f32 @!p4 [tilespmem:s5], [sflag:$0x9], $0x10, s19, s0, $0xb8;
	[tilespmem:$0xC040] =	vst v63  }
0xa5: {  	p5 =	sge.u32 s30, s7;
	s0 =	simm.s32 @!p6 $0x80;
	_ =	swait.ge @!p4 [sflag:s28], $0x800  }
0xa6: {  	s5 =	simm.s32 @!p5 $0x5;
	s19 =	sshra.s32 @!p5 s26, $0x2;
	[sflag:s28] =	ssyncset.done @!p4 $0x0  }
0xa7: {  	s19 =	sadd.s32 @!p5 $0x2A00, s19;
	[sflag:s28] =	ssyncadd.s32 @!p4 $0xFFFFF800;
	s28 =	sadd.s32 @!p5 $0xC, s25  }
0xa8: {  	s30 =	sadd.s32 @!p3 $0xD, s25;
	p4 =	sge.u32 @!p5 s28, s7;
	s28 =	sshra.s32 @!p3 s26, $0x2  }
0xa9: {  	[tilespmem:s29], [sflag:$0x4] =	stream.indirect.gather @!p6 [hbm4b:s1+s0], $0x10, s4, s0, $0xb8;
	[tilespmem:$0xC040] =	vst v63  }
0xaa: {  	s0 =	simm.s32 @!p5 $0x9;
	p4 =	por p4, p5;
	_ =	swait.ge @!p5 [sflag:s5], $0x800  }
0xab: {  	s4 =	simm.s32 @!p5 $0x80;
	s29 =	simm.s32 @!p5 $0x7000;
	[sflag:s5] =	ssyncset.done @!p5 $0x0  }
0xac: {  	s6 =	simm.s32 @!p4 $0x7000;
	[sflag:s5] =	ssyncadd.s32 @!p5 $0xFFFFF800;
	s5 =	sshra.s32 @!p4 s26, $0x2  }
0xad: {  	[spmem:s2] =	stream.indirect.scatter.add.f32 @!p5 [tilespmem:s29], [sflag:$0x9], $0x10, s19, s4, $0xb8;
	[tilespmem:$0xC040] =	vst v63  }
0xae: {  	s4 =	sadd.s32 @!p4 $0x600, s5;
	s5 =	sadd.s32 @!p3 $0x2A80, s28;
	_ =	swait.ge @!p5 [sflag:s0], $0x800  }
0xaf: {  	p6 =	sge.u32 @!p3 s30, s7;
	s19 =	simm.s32 @!p3 $0x6;
	[sflag:s0] =	ssyncset.done @!p5 $0x0  }
0xb0: {  	[sflag:s0] =	ssyncadd.s32 @!p5 $0xFFFFF800;
	s0 =	simm.s32 @!p4 $0x80;
	p5 =	por p6, p3  }
0xb1: {  	[tilespmem:s6], [sflag:$0x5] =	stream.indirect.gather @!p4 [hbm4b:s1+s0], $0x10, s4, s0, $0xb8;
	[tilespmem:$0xC040] =	vst v63  }
0xb2: {  	s0 =	simm.s32 @!p3 $0x80;
	s4 =	simm.s32 @!p5 $0x7800;
	_ =	swait.ge @!p3 [sflag:s19], $0x800  }
0xb3: {  	s6 =	simm.s32 @!p3 $0x9;
	s28 =	sshra.s32 @!p5 s26, $0x2;
	[sflag:s19] =	ssyncset.done @!p3 $0x0  }
0xb4: {  	[sflag:s19] =	ssyncadd.s32 @!p3 $0xFFFFF800;
	s19 =	sadd.s32 @!p5 $0x680, s28;
	s28 =	sadd.s32 $0x6, s25  }
0xb5: {  	[spmem:s2] =	stream.indirect.scatter.add.f32 @!p3 [tilespmem:s31], [sflag:$0x9], $0x10, s5, s0, $0xb8;
	[tilespmem:$0xC040] =	vst v63  }
0xb6: {  	s0 =	simm.s32 @!p5 $0x80;
	p4 =	sge.u32 s28, s7;
	_ =	swait.ge @!p3 [sflag:s6], $0x800  }
0xb7: {  	s5 =	simm.s32 @!p4 $0x7;
	s28 =	sshra.s32 @!p4 s26, $0x2;
	[sflag:s6] =	ssyncset.done @!p3 $0x0  }
0xb8: {  	[sflag:s6] =	ssyncadd.s32 @!p3 $0xFFFFF800;
	s6 =	sadd.s32 @!p4 $0x2B00, s28;
	s28 =	sadd.s32 @!p4 $0xE, s25  }
0xb9: {  	[tilespmem:s4], [sflag:$0x6] =	stream.indirect.gather @!p5 [hbm4b:s1+s0], $0x10, s19, s0, $0xb8;
	[tilespmem:$0xC040] =	vst v63  }
0xba: {  	s0 =	simm.s32 @!p4 $0x80;
	s4 =	simm.s32 @!p4 $0x8000;
	_ =	swait.ge @!p4 [sflag:s5], $0x800  }
0xbb: {  	s19 =	simm.s32 @!p4 $0x9;
	p3 =	sge.u32 @!p4 s28, s7;
	[sflag:s5] =	ssyncset.done @!p4 $0x0  }
0xbc: {  	p3 =	por p3, p4;
	[sflag:s5] =	ssyncadd.s32 @!p4 $0xFFFFF800  }
0xbd: {  	[spmem:s2] =	stream.indirect.scatter.add.f32 @!p4 [tilespmem:s4], [sflag:$0x9], $0x10, s6, s0, $0xb8;
	[tilespmem:$0xC040] =	vst v63  }
.Ltmp0:
0xbe: {  	s0 =	sshra.s32 @!p3 s26, $0x2;
	_ =	swait.ge @!p4 [sflag:s19], $0x800;
	(pc) =	sbr.rel @p2 .LBB2_2-.Ltmp0, $4  }
0xbf: {  	s4 =	sadd.s32 $0x7, s25;
	s0 =	sadd.s32 @!p3 $0x700, s0;
	[sflag:s19] =	ssyncset.done @!p4 $0x0  }
0xc0: {  	s5 =	simm.s32 @!p3 $0x80;
	s6 =	simm.s32 @!p3 $0x8000;
	[sflag:s19] =	ssyncadd.s32 @!p4 $0xFFFFF800  }
0xc1: {  	[tilespmem:s6], [sflag:$0x7] =	stream.indirect.gather @!p3 [hbm4b:s1+s5], $0x10, s0, s5, $0xb8;
	[tilespmem:$0xC040] =	vst v63  }
0xc2: {  	s26 =	sadd.s32 $0x1000, s26;
	p3 =	sge.u32 s4, s7  }
0xc3: {  	s0 =	simm.s32 @!p3 $0x8;
	s4 =	sshra.s32 @!p3 s23, $0x2  }
0xc4: {  	s5 =	sadd.s32 @!p3 $0xF, s25;
	s6 =	simm.s32 @!p3 $0x80;
	_ =	swait.ge @!p3 [sflag:s0], $0x800  }
0xc5: {  	s4 =	sadd.s32 @!p3 $0x2B80, s4;
	p2 =	sge.u32 @!p3 s5, s7;
	[sflag:s0] =	ssyncset.done @!p3 $0x0  }
0xc6: {  	s5 =	simm.s32 @!p3 $0x9;
	[sflag:s0] =	ssyncadd.s32 @!p3 $0xFFFFF800;
	s0 =	simm.s32 @!p3 $0x8800  }
0xc7: {  	[spmem:s2] =	stream.indirect.scatter.add.f32 @!p3 [tilespmem:s0], [sflag:$0x9], $0x10, s4, s6, $0xb8;
	[tilespmem:$0xC040] =	vst v63  }
0xc8: {  	p2 =	por p2, p3;
	_ =	swait.ge @!p3 [sflag:s5], $0x800  }
0xc9: {  	s0 =	sshra.s32 @!p2 s23, $0x2;
	s4 =	simm.s32 @!p2 $0x8800;
	[sflag:s5] =	ssyncset.done @!p3 $0x0  }
0xca: {  	s6 =	simm.s32 @!p2 $0x80;
	s0 =	sadd.s32 @!p2 $0x780, s0;
	[sflag:s5] =	ssyncadd.s32 @!p3 $0xFFFFF800  }
0xcb: {  	[tilespmem:s4], [sflag:$0x8] =	stream.indirect.gather @!p2 [hbm4b:s1+s6], $0x10, s0, s6, $0xb8;
	[tilespmem:$0xC040] =	vst v63  }
0xcc: {  	s31 =	simm.s32 $0x40;
	[bflag:$0x0] =	sbarrier.arrive $0xFFFF  }
0xcd: {  	[tilespmem:s20], [sflag:$0x1] =	stream.indirect.gather [spmem:s2], $0x10, s17, s31, $0xb8;
	[tilespmem:$0xC040] =	vst v63  }
0xce: {  	_ =	swait.ge [sflag:s21], $0x400  }
0xcf: {  	[sflag:s21] =	ssyncset.done $0x0  }
0xd0: {  	[sflag:s21] =	ssyncadd.s32 $0xFFFFFC00  }
0xd1: {  	[hbm4b:s12+s3] =	stream.linear.scatter [tilespmem:s20], [sflag:$0x9], $0x400, $0x38;
	[tilespmem:$0xC040] =	vst v63  }
0xd2: {  	_ =	swait.ge [sflag:s16], $0x400  }
0xd3: {  	s5 =	simm.s32 @!p1 $0xBC40;
	s0 =	simm.s32 @!p1 $0x40;
	[sflag:s16] =	ssyncset.done $0x0  }
0xd4: {  	s4 =	simm.s32 @!p1 $0xB800;
	s6 =	rddreg [dreg:$0x5];
	[sflag:s16] =	ssyncadd.s32 $0xFFFFFC00  }
0xd5: {  	[tilespmem:s5], [sflag:$0x2] =	stream.indirect.gather @!p1 [hbm4b:s6+s0], $0x10, s4, s0, $0xb8;
	[tilespmem:$0xC040] =	vst v63  }
0xd6: {  	s0 =	simm.s32 @!p1 $0x2  }
0xd7: {  	_ =	swait.ge @!p1 [sflag:s0], $0x400  }
0xd8: {  	s22 =	sadd.s32 $0x1, s22;
	[sflag:s0] =	ssyncset.done @!p1 $0x0  }
0xd9: {  	p2 =	sne.s32 s22, s14;
	[sflag:s0] =	ssyncadd.s32 @!p1 $0xFFFFFC00;
	s0 =	simm.s32 @!p1 $0x0  }
0xda: {  	[hbm4b:s13+s0] =	stream.linear.scatter @!p1 [tilespmem:s5], [sflag:$0x9], $0x400, $0x38;
	[tilespmem:$0xC040] =	vst v63  }
.Ltmp1:
0xdb: {  	_ = 	snop;
	(pc) =	sbr.rel @p2 .LBB2_1-.Ltmp1, $4  }
0xdc: {  	s0 =	simm.s32 @!p1 $0x9  }
0xdd: {  	_ =	swait.ge @!p1 [sflag:s0], $0x400  }
0xde: {  	[sflag:s0] =	ssyncset.done @!p1 $0x0  }
0xdf: {  	[sflag:s0] =	ssyncadd.s32 @!p1 $0xFFFFFC00  }
0xe0: {  	_ =	sfence.sel $0x180000  }
0xe1: {  	[bflag:$0x0] =	sbarrier.arrive $0xFFFF  }
0xe2: {  	_ =	strace $0x9000004D  }
0xe3: {  	s0 =	stileid.u32;
	[bflag:$0x2] =	sbarrier.arrive $0xFFFF  }
0xe4: {  	p0 =	sne.s32 s0, $0x0;
	s0 =	rddreg [dreg:$0x3]  }
0xe5: {  	s0 =	sadd.s32 @!p0 $0x100000, s0  }
0xe6: {  	[sflag:s0] =	ssyncadd.tile.s32 @!p0 $0x1;
	_ =	shalt  }
.Lfunc_end2:
_tile_overlayer_lowered:
.L_overlay_start_2:
0xe7: {  	(tag) =	ssettag $0x2  }
0xe8: {  	s0 =	rddreg [dreg:$0x0];
	s2 =	stileid.u32  }
0xe9: {  	s1 =	rddreg [dreg:$0x1];
	p0 =	sne.s32 s2, $0x0  }
0xea: {  	s3 =	rddreg [dreg:$0x2];
	[bflag:$0x3] =	sbarrier.arrive $0xFFFF;
	s2 =	simm.s32 @!p0 $0x1C09  }
0xeb: {  	[timem:s3], [sflag:s2] =	dma.local @!p0 [hbm:s0], s1  }
0xec: {  	s0 =	simm.s32 @!p0 $0x9  }
0xed: {  	_ =	swait.ge @!p0 [sflag:s0], s1  }
0xee: {  	s1 =	ssub.s32 @!p0 $0x0, s1;
	[sflag:s0] =	ssyncset.done @!p0 $0x0  }
0xef: {  	[sflag:s0] =	ssyncadd.s32 @!p0 s1  }
0xf0: {  	[bflag:$0x3] =	sbarrier.arrive $0xFFFF  }
0xf1: {  	_ =	shalt  }

// kernel: kernel.9.cloned.1.call-start
scs
__scs_entry_jumppad:
0x0: {  	(pc) =	sbr.rel $0x88, $3  }
0x1: {  	(tag) =	ssettag $0x0;
	lr =	simm.s32 $0x1  }
0x2: {  	[smem:$0x3F9C] =	sst lr;
	_ =	strace $0xD0000000  }
0x3: {  	_ = 	snop  }
0x4: {  	_ = 	snop  }
0x5: {  	_ = 	snop  }
0x6: {  	_ = 	snop  }
0x7: {  	_ = 	snop  }
__scs_overlays_trampoline_lowered:
0x8: {  	[smem:$0x3FAB] =	sst s0  }
0x9: {  	[smem:$0x3FAC] =	sst s1  }
0xa: {  	[smem:$0x3FAD] =	sst s2  }
0xb: {  	[smem:$0x3FAE] =	sst s3  }
0xc: {  	[smem:$0x3FAF] =	sst s4  }
0xd: {  	[smem:$0x3FB0] =	sst s5  }
0xe: {  	[smem:$0x3FB1] =	sst s6  }
0xf: {  	[smem:$0x3FB2] =	sst s7  }
0x10: {  	[smem:$0x3FB3] =	sst s8  }
0x11: {  	[smem:$0x3FB4] =	sst s9;
	s0 =	simm.s32 @!p0 $0x0  }
0x12: {  	s1 =	sld [smem:$0x3F9A];
	s0 =	simm.s32 @p0 $0x1  }
0x13: {  	[smem:$0x3FB5] =	sst s0;
	s0 =	simm.s32 @!p1 $0x0  }
0x14: {  	s2 =	sld [smem:$0x3F99];
	s0 =	simm.s32 @p1 $0x1  }
0x15: {  	[smem:$0x3FB6] =	sst s0;
	s0 =	simm.s32 @!p2 $0x0  }
0x16: {  	s3 =	sld [smem:$0x3FDB];
	s0 =	simm.s32 @p2 $0x1  }
0x17: {  	s4 =	simm.s32 $0x1BF5;
	[smem:$0x3FB8] =	sst s0  }
0x18: {  	s0 =	sld [smem:$0x3F9B];
	_ =	swait.ge [sflag:s4], $0x0  }
0x19: {  	s7 =	sld [smem:$0x3F9C]  }
0x1a: {  	s8 =	sadd.s32 $0xFFFFE003, lr  }
0x1b: {  	s9 =	sadd.s32 $0xFFFFFEF7, lr;
	s5 =	simm.s32 $0xFFFFFFFF;
	p2 =	slt.u32 s8, $0xFFFFF086  }
0x1c: {  	p1 =	slt.u32 s9, $0xF7A;
	s5 =	simm.s32 @!p2 $0x0  }
0x1d: {  	s5 =	simm.s32 @p1 $0x1;
	p0 =	seq.s32 s7, s2  }
0x1e: {  	s7 =	smul.u32 @!p0 $0xF7A, s2;
	p2 =	seq.s32 @!p0 s5, $0x0  }
0x1f: {  	s9 =	smul.u32 $0xF7A, s1;
	s8 =	simm.s32 @!p0 $0x1BF5;
	p2 =	por !p2, p0  }
0x20: {  	[sflag:s8] =	ssyncset.s32 @!p0 $0xFFFFF086;
	s6 =	sadd.s32 @!p0 s3, s7;
	s7 =	simm.s32 @!p0 $0x108  }
0x21: {  	s3 =	sadd.s32 s3, s9;
	s6 =	sadd.s32 @!p0 $0x88, s6;
	s7 =	simm.s32 @p2 $0x1082  }
0x22: {  	[simem:s7], [sflag:s8] =	dma.local @!p0 [hbm:s6], $0xF7A  }
0x23: {  	s9 =	sor.u32 $0xD0000000, s2;
	s6 =	simm.s32 $0x108;
	_ =	swait.ge @!p0 [sflag:s8], $0x0  }
0x24: {  	s3 =	sadd.s32 $0x88, s3;
	s6 =	simm.s32 @!p1 $0x1082;
	[sflag:s4] =	ssyncset.s32 $0xFFFFF086  }
0x25: {  	[simem:s6], [sflag:s4] =	dma.local [hbm:s3], $0xF7A  }
0x26: {  	[smem:$0x3F9C] =	sst s1;
	(tag) =	ssettag s2;
	_ =	strace s9  }
0x27: {  	s1 =	sld [smem:$0x3FAC]  }
0x28: {  	s2 =	sld [smem:$0x3FAD]  }
0x29: {  	s4 =	sld [smem:$0x3FAF]  }
0x2a: {  	p0 =	seq.s32 s5, $0x0;
	s5 =	sld [smem:$0x3FB0]  }
0x2b: {  	s6 =	sld [smem:$0x3FB1]  }
0x2c: {  	s7 =	sld [smem:$0x3FB2]  }
0x2d: {  	s3 =	simm.s32 $0x108;
	s8 =	sld [smem:$0x3FB3]  }
0x2e: {  	s3 =	simm.s32 @!p0 $0x1082;
	s9 =	sld [smem:$0x3FB4]  }
0x2f: {  	lr =	sadd.s32 s0, s3;
	s0 =	sld [smem:$0x3FAB]  }
0x30: {  	s3 =	sld [smem:$0x3FAE]  }
0x31: {  	[smem:$0x3FB7] =	sst s10  }
0x32: {  	s10 =	sld [smem:$0x3FB5];
	_ =	sdelay $0x3  }
0x33: {  	p0 =	seq.s32 s10, $0x1;
	s10 =	sld [smem:$0x3FB7];
	_ =	sdelay $0x3  }
0x34: {  	[smem:$0x3FB7] =	sst s10  }
0x35: {  	s10 =	sld [smem:$0x3FB6];
	_ =	sdelay $0x3  }
0x36: {  	p1 =	seq.s32 s10, $0x1;
	s10 =	sld [smem:$0x3FB7];
	_ =	sdelay $0x3  }
0x37: {  	[smem:$0x3FB7] =	sst s10  }
0x38: {  	s10 =	sld [smem:$0x3FB8]  }
0x39: {  	_ = 	snop;
	(pc) =	sbr.ind lr, $3  }
0x3a: {  	_ = 	snop  }
0x3b: {  	_ = 	snop  }
0x3c: {  	p2 =	seq.s32 s10, $0x1;
	s10 =	sld [smem:$0x3FB7]  }
0x3d: {  	_ =	shalt  }
0x3e: {  	_ =	shalt  }
0x3f: {  	_ =	shalt  }
0x40: {  	_ =	shalt  }
0x41: {  	_ =	shalt  }
0x42: {  	_ =	shalt  }
0x43: {  	_ =	shalt  }
0x44: {  	_ =	shalt  }
0x45: {  	_ =	shalt  }
0x46: {  	_ =	shalt  }
0x47: {  	_ =	shalt  }
0x48: {  	_ =	shalt  }
0x49: {  	_ =	shalt  }
0x4a: {  	_ =	shalt  }
0x4b: {  	_ =	shalt  }
0x4c: {  	_ =	shalt  }
0x4d: {  	_ =	shalt  }
0x4e: {  	_ =	shalt  }
0x4f: {  	_ =	shalt  }
0x50: {  	_ =	shalt  }
0x51: {  	_ =	shalt  }
0x52: {  	_ =	shalt  }
0x53: {  	_ =	shalt  }
0x54: {  	_ =	shalt  }
0x55: {  	_ =	shalt  }
0x56: {  	_ =	shalt  }
0x57: {  	_ =	shalt  }
0x58: {  	_ =	shalt  }
0x59: {  	_ =	shalt  }
0x5a: {  	_ =	shalt  }
0x5b: {  	_ =	shalt  }
0x5c: {  	_ =	shalt  }
0x5d: {  	_ =	shalt  }
0x5e: {  	_ =	shalt  }
0x5f: {  	_ =	shalt  }
0x60: {  	_ =	shalt  }
0x61: {  	_ =	shalt  }
0x62: {  	_ =	shalt  }
0x63: {  	_ =	shalt  }
0x64: {  	_ =	shalt  }
0x65: {  	_ =	shalt  }
0x66: {  	_ =	shalt  }
0x67: {  	_ =	shalt  }
0x68: {  	_ =	shalt  }
0x69: {  	_ =	shalt  }
0x6a: {  	_ =	shalt  }
0x6b: {  	_ =	shalt  }
0x6c: {  	_ =	shalt  }
0x6d: {  	_ =	shalt  }
0x6e: {  	_ =	shalt  }
0x6f: {  	_ =	shalt  }
0x70: {  	_ =	shalt  }
0x71: {  	_ =	shalt  }
0x72: {  	_ =	shalt  }
0x73: {  	_ =	shalt  }
0x74: {  	_ =	shalt  }
0x75: {  	_ =	shalt  }
0x76: {  	_ =	shalt  }
0x77: {  	_ =	shalt  }
0x78: {  	_ =	shalt  }
0x79: {  	_ =	shalt  }
0x7a: {  	_ =	shalt  }
0x7b: {  	_ =	shalt  }
0x7c: {  	_ =	shalt  }
0x7d: {  	_ =	shalt  }
0x7e: {  	_ =	shalt  }
0x7f: {  	_ =	shalt  }
0x80: {  	_ =	shalt  }
0x81: {  	_ =	shalt  }
0x82: {  	_ =	shalt  }
0x83: {  	_ =	shalt  }
0x84: {  	_ =	shalt  }
0x85: {  	_ =	shalt  }
0x86: {  	_ =	shalt  }
0x87: {  	_ =	shalt  }
.Lfunc_end0:
.L_simem_size_0:
called_computation_lowered:
.L_overlay_start_0:
0x88: {  	s2 =	sld [smem:$0x3FD9]  }
0x89: {  	s3 =	sld [smem:$0x3FFE];
	_ =	sdelay $0x1  }
0x8a: {  	s1 =	srdreg.scid  }
0x8b: {  	s0 =	sand.u32 $0x1, s1  }
0x8c: {  	s16 =	sshll.u32 s0, $0xA;
	s2 =	sadd.s32 s3, s2  }
0x8d: {  	s2 =	sadd.s32 s2, s16  }
0x8e: {  	[smem:$0x3FC3] =	sst s2  }
0x8f: {  	_ = 	snop  }
0x90: {  	(tm) =	ssettm $0x1  }
0x91: {  	s17 =	sld [smem:$0x3FFB];
	_ =	sdelay $0x3  }
0x92: {  	_ =	strace s17  }
0x93: {  	s2 =	sld [smem:$0x3FFC];
	_ =	sdelay $0x3  }
0x94: {  	_ =	strace s2  }
0x95: {  	s2 =	sld [smem:$0x3FFD];
	_ =	sdelay $0x3  }
0x96: {  	_ =	strace s2  }
0x97: {  	_ =	strace $0x8FFFFFFF  }
0x98: {  	s18 =	sld [smem:$0x3FDB];
	_ =	sdelay $0x1  }
0x99: {  	s19 =	simm.s32 $_scs_section_size  }
0x9a: {  	s4 =	simm.s32 $_size__tile_overlayer_lowered;
	s5 =	simm.s32 $_tile_overlayer_lowered  }
0x9b: {  	s22 =	simm.s32 $0x1BFF;
	s21 =	sshll.u32 s5, $0x1;
	s2 =	sadd.s32 s19, s18  }
0x9c: {  	s6 =	simm.s32 $0x0;
	s20 =	sshll.u32 s4, $0x1;
	s4 =	sadd.s32 s21, s2  }
0x9d: {  	[timem:s6], [sflag:s22] =	dma.local [hbm:s4], s20  }
0x9e: {  	_ =	swait.ge [sflag:s22], s20  }
0x9f: {  	s3 =	ssub.s32 $0x0, s20;
	[sflag:s22] =	ssyncset.done $0x0  }
0xa0: {  	[sflag:s22] =	ssyncadd.s32 s3;
	_ =	sdelay $0x1  }
0xa1: {  	s23 =	simm.s32 $0x1B8B  }
0xa2: {  	_ =	swait.ge [sflag:s23], $0x1  }
0xa3: {  	[sflag:s23] =	ssyncset.done $0x0  }
0xa4: {  	s25 =	simm.s32 $0x1B8E;
	s24 =	sld [smem:$0x3FFE];
	[sflag:s23] =	ssyncadd.s32 $0xFFFFFFFF  }
0xa5: {  	s26 =	simm.s32 $execute0_lowered;
	[smem:$0x3FD2] =	sst s25  }
0xa6: {  	s4 =	sshll.u32 s26, $0x1;
	_ =	strace $0x80000046;
	[dreg:$0x1] =	wrdreg $0xFFFFFFFF  }
0xa7: {  	s28 =	simm.s32 $_size_execute0_lowered;
	s2 =	sadd.s32 s2, s4;
	[dreg:$0x0] =	wrdreg $0x0  }
0xa8: {  	s4 =	sshll.u32 s28, $0x1;
	[dreg:$0x2] =	wrdreg s2  }
0xa9: {  	[dreg:$0x3] =	wrdreg s4  }
0xaa: {  	[dreg:$0x4] =	wrdreg $0xC0  }
0xab: {  	_ =	task [dreg:s6], $0x5FFFF  }
0xac: {  	[dreg:$0x1] =	wrdreg $0xFFFFFFFF  }
0xad: {  	[dreg:$0x0] =	wrdreg $0x60  }
0xae: {  	[dreg:$0x2] =	wrdreg s24  }
0xaf: {  	[dreg:$0x3] =	wrdreg $0x4F000  }
0xb0: {  	[dreg:$0x4] =	wrdreg $0x9  }
0xb1: {  	_ =	task.clear_ibuf [dreg:s6], $0x5FFFF;
	_ =	strace $0x90000046  }
0xb2: {  	s29 =	simm.s32 $0x9;
	_ =	strace $0x80000048  }
0xb3: {  	_ =	swait.ge [sflag:s29], $0x1  }
0xb4: {  	[sflag:s29] =	ssyncadd.s32 $0xFFFFFFFF  }
0xb5: {  	_ =	strace $0x90000048  }
0xb6: {  	_ =	sfence  }
0xb7: {  	s30 =	sld [smem:$0x0];
	_ =	sdelay $0x2  }
0xb8: {  	s31 =	sshll.u32 s1, $0xD;
	s1 =	sshrl.u32 s1, $0x2  }
0xb9: {  	s3 =	sand.u32 $0x4000, s31;
	s1 =	sadd.s32 s1, s30  }
0xba: {  	s0 =	sor.u32 s3, s0;
	s1 =	sshll.u32 s1, $0x11  }
0xbb: {  	s0 =	sor.u32 s1, s0  }
0xbc: {  	s0 =	sadd.s32 $0x8F2B, s0  }
0xbd: {  	[sflag:s0] =	ssyncadd.remote.s32 $0x1  }
0xbe: {  	_ =	sfence.sel $0xFFFF  }
0xbf: {  	[dreg:$0x0] =	wrdreg $0xFFFFFFFF;
	(pc) =	sbr.abs _section_cstart, $3  }
0xc0: {  	[dreg:$0x1] =	wrdreg $0xFFFFFFFF  }
0xc1: {  	_ =	task.clear_ibuf [dreg:s6], $0x2FFFF;
	_ =	strace $0x9FFFFFFF  }
0xc2: {  	(tm) =	ssettm $0x7FFFFFFF  }
0xc3: {  	_ =	shalt  }
tec
execute0_lowered:
.L_overlay_start_1:
0x0: {  	(tag) =	ssettag $0x1  }
0x1: {  	s5 =	rddreg [dreg:$0x0]  }
0x2: {  	s1 =	rddreg [dreg:$0x1];
	s2 =	srdreg.scid  }
0x3: {  	s0 =	rddreg [dreg:$0x2];
	s6 =	sand.u32 $0x1, s2;
	s2 =	stileid.u32  }
0x4: {  	s3 =	simm.s32 $0x0;
	s4 =	simm.s32 $0x9C40;
	s7 =	smul.u32 $0x280, s2  }
0x5: {  	[smem:$0x7FF] =	sst s3;
	p0 =	seq.s32 s6, $0x0;
	s8 =	smul.u32 $0x2800, s6  }
0x6: {  	_ =	strace $0x80000047;
	s6 =	ssub.s32 $0x2, s6;
	s11 =	smul.u32 $0x9C, s2  }
0x7: {  	s29 =	smin.u32 s2, $0x4;
	s30 =	sshll.u32 s2, $0x6;
	s4 =	simm.s32 @!p0 $0x0  }
0x8: {  	s10 =	sshrl.u32 s6, $0x1;
	p0 =	slt.u32 s2, $0x4;
	s9 =	sadd.s32 s4, s5  }
0x9: {  	s4 =	sadd.s32 $0x15C00, s5;
	s8 =	sadd.s32 s7, s8;
	s10 =	ssub.s32 s6, s10  }
0xa: {  	s12 =	sadd.s32 s7, s1;
	s31 =	sadd.s32 s29, s11;
	s6 =	sor.u32 $0x1C02, s30  }
0xb: {  	s11 =	simm.s32 $0x2;
	s8 =	sshrl.u32 s8, $0x3;
	s7 =	sshll.u32 s31, $0x4  }
0xc: {  	s8 =	sadd.s32 s8, s5;
	s5 =	simm.s32 $0x9D;
	s7 =	sadd.s32 s7, s9  }
0xd: {  	s9 =	smax.u32 s10, $0x1;
	s10 =	sshrl.u32 s12, $0x3;
	s5 =	simm.s32 @!p0 $0x9C  }
0xe: {  	v0 =	vimm.f32 $1.000000000e+00;
	s7 =	sadd.s32 $0x2200, s7;
	s8 =	sadd.s32 $0x15E00, s8;
	p0 =	sgt.u32 s2, $0x3  }
.LBB2_1:
0xf: {  	[tilespmem:$0x4E80] =	vst v0  }
0x10: {  	[tilespmem:$0x4E90] =	vst v0  }
0x11: {  	[tilespmem:$0x4EA0] =	vst v0  }
0x12: {  	[tilespmem:$0x4EB0] =	vst v0  }
0x13: {  	[tilespmem:$0x4EC0] =	vst v0  }
0x14: {  	[tilespmem:$0x4ED0] =	vst v0  }
0x15: {  	[tilespmem:$0x4EE0] =	vst v0  }
0x16: {  	[tilespmem:$0x4EF0] =	vst v0  }
0x17: {  	[spmem:s10], [sflag:s6] =	dma.local [hbm:s4], $0x50  }
0x18: {  	_ =	swait.ge [sflag:s11], $0x50  }
0x19: {  	[sflag:s11] =	ssyncset.done $0x0  }
0x1a: {  	s12 =	simm.s32 @p0 $0x0;
	[sflag:s11] =	ssyncadd.s32 $0xFFFFFFB0  }
0x1b: {  	[tilespmem:s12], [sflag:$0x2] =	stream.linear.gather @p0 [hbm4b:s7+s12], $0x4E00, $0x38;
	[tilespmem:$0x5180] =	vst v63  }
0x1c: {  	s12 =	simm.s32 @p0 $0x2  }
0x1d: {  	_ =	swait.ge @p0 [sflag:s12], $0x4E00  }
0x1e: {  	[sflag:s12] =	ssyncset.done @p0 $0x0  }
0x1f: {  	[sflag:s12] =	ssyncadd.s32 @p0 $0xFFFFB200;
	s12 =	simm.s32 @!p0 $0x0  }
0x20: {  	[tilespmem:s12], [sflag:$0x2] =	stream.linear.gather @!p0 [hbm4b:s7+s12], $0x4E80, $0x38;
	[tilespmem:$0x5180] =	vst v63  }
0x21: {  	s12 =	simm.s32 @!p0 $0x2  }
0x22: {  	_ =	swait.ge @!p0 [sflag:s12], $0x4E80  }
0x23: {  	[sflag:s12] =	ssyncset.done @!p0 $0x0  }
0x24: {  	[sflag:s12] =	ssyncadd.s32 @!p0 $0xFFFFB180  }
0x25: {  	s13 =	simm.s32 $0x0;
	s12 =	simm.s32 $0x0;
	[bflag:$0x0] =	sbarrier.arrive $0xFFFF  }
.LBB2_2:
0x26: {  	p1 =	sge.u32 s13, s5  }
0x27: {  	s13 =	sadd.s32 $0x1, s13;
	s14 =	simm.s32 @!p1 $0x80;
	s15 =	simm.s32 @!p1 $0x4E80  }
0x28: {  	[spmem:s1] =	stream.indirect.scatter.add.f32 @!p1 [tilespmem:s15], [sflag:$0x1], $0x1, s12, s14, $0xb8;
	[tilespmem:$0x5180] =	vst v63  }
0x29: {  	p1 =	sne.s32 s13, $0x9D  }
.Ltmp0:
0x2a: {  	_ = 	snop;
	(pc) =	sbr.rel @p1 .LBB2_2-.Ltmp0, $2  }
0x2b: {  	_ =	sdelay $0x2  }
0x2c: {  	s12 =	sadd.s32 $0x80, s12  }
0x2d: {  	p1 =	sle.u32 s5, $0x0  }
0x2e: {  	s13 =	simm.s32 @!p1 $0x1  }
0x2f: {  	_ =	swait.ge @!p1 [sflag:s13], $0x80  }
0x30: {  	s12 =	simm.s32 $0x1;
	[sflag:s13] =	ssyncset.done @!p1 $0x0  }
.LBB2_4:
0x31: {  	[sflag:s13] =	ssyncadd.s32 @!p1 $0xFFFFFF80;
	s13 =	smov.u32 s12;
	s12 =	sadd.s32 $0x1, s12  }
0x32: {  	p2 =	sne.s32 s12, $0x9D  }
.Ltmp1:
0x33: {  	(pc) =	sbr.rel @p2 .LBB2_4-.Ltmp1, $4  }
0x34: {  	p1 =	sge.u32 s13, s5  }
0x35: {  	s13 =	simm.s32 @!p1 $0x1  }
0x36: {  	_ =	swait.ge @!p1 [sflag:s13], $0x80  }
0x37: {  	[sflag:s13] =	ssyncset.done @!p1 $0x0  }
0x38: {  	s3 =	sadd.s32 $0x1, s3  }
0x39: {  	[sflag:s13] =	ssyncadd.s32 @!p1 $0xFFFFFF80;
	p1 =	sne.s32 s3, s9  }
.Ltmp2:
0x3a: {  	[bflag:$0x0] =	sbarrier.arrive $0xFFFF;
	(pc) =	sbr.rel @p1 .LBB2_1-.Ltmp2, $4  }
0x3b: {  	[hbm:s8], [sflag:s6] =	dma.local [spmem:s10], $0x50  }
0x3c: {  	_ =	swait.ge [sflag:s11], $0x50  }
0x3d: {  	[sflag:s11] =	ssyncset.done $0x0  }
0x3e: {  	[sflag:s11] =	ssyncadd.s32 $0xFFFFFFB0  }
0x3f: {  	_ =	sfence.sel $0x180000  }
0x40: {  	[bflag:$0x0] =	sbarrier.arrive $0xFFFF  }
0x41: {  	p0 =	sne.s32 s2, $0x0;
	_ =	strace $0x90000047  }
0x42: {  	s0 =	sadd.s32 @!p0 $0x100000, s0;
	[bflag:$0x2] =	sbarrier.arrive $0xFFFF  }
0x43: {  	[sflag:s0] =	ssyncadd.tile.s32 @!p0 $0x1;
	_ =	shalt  }
.Lfunc_end2:
_tile_overlayer_lowered:
.L_overlay_start_2:
0x44: {  	(tag) =	ssettag $0x2  }
0x45: {  	s0 =	rddreg [dreg:$0x0];
	s2 =	stileid.u32  }
0x46: {  	s1 =	rddreg [dreg:$0x1];
	p0 =	sne.s32 s2, $0x0  }
0x47: {  	s3 =	rddreg [dreg:$0x2];
	[bflag:$0x3] =	sbarrier.arrive $0xFFFF;
	s2 =	simm.s32 @!p0 $0x1C02  }
0x48: {  	[timem:s3], [sflag:s2] =	dma.local @!p0 [hbm:s0], s1  }
0x49: {  	s0 =	simm.s32 @!p0 $0x2  }
0x4a: {  	_ =	swait.ge @!p0 [sflag:s0], s1  }
0x4b: {  	s1 =	ssub.s32 @!p0 $0x0, s1;
	[sflag:s0] =	ssyncset.done @!p0 $0x0  }
0x4c: {  	[sflag:s0] =	ssyncadd.s32 @!p0 s1  }
0x4d: {  	[bflag:$0x3] =	sbarrier.arrive $0xFFFF  }
0x4e: {  	_ =	shalt  }

</sc_bundles>
